<compile_context>
chip_gen: v7x
topology: tpu7x:2x2x1
jax: 0.10.2.dev20260603
libtpu: 0.0.44.dev20260713+nightly
codegen_flags: <defaults>
</compile_context>

<pallas_src>
import functools

import jax
import jax.numpy as jnp
from jax import lax
from jax.experimental import pallas as pl
from jax.experimental.pallas import tpu as pltpu
from jax.experimental.pallas import tpu_sc as plsc

_NUM_PROTEINS = 500000
_DC_R = 2.0
_DC_T = 1.0

_E = 16384
_D = 64
_W = 128
_NW = 32
_EPW = _E // _NW
_CHUNK = 128
_NCHUNK = _EPW // _CHUNK
_L = 16


def _sc_body(hr_hbm, idx0_hbm, idx1_hbm, out_hbm,
             idx0_v, idx1_v, row0_v, row1_v,
             r0a, r1a, r0b, r1b, out_v, sem0a, sem1a, sem0b, sem1b):
    wid = lax.axis_index("s") * 2 + lax.axis_index("c")
    base = wid * _EPW

    pltpu.sync_copy(idx0_hbm.at[pl.ds(base, _EPW)], idx0_v)
    pltpu.sync_copy(idx1_hbm.at[pl.ds(base, _EPW)], idx1_v)

    for j in range(_EPW // _L):
        sl = pl.ds(j * _L, _L)
        v1 = idx1_v[sl] + _NUM_PROTEINS
        idx1_v[sl] = v1
        row0_v[sl] = lax.shift_right_logical(idx0_v[sl], 1)
        row1_v[sl] = lax.shift_right_logical(v1, 1)

    iota = lax.iota(jnp.int32, _L)

    def issue(c, r0, r1, s0, s1):
        sl = pl.ds(c * _CHUNK, _CHUNK)
        pltpu.async_copy(hr_hbm.at[row0_v.at[sl]], r0, s0)
        pltpu.async_copy(hr_hbm.at[row1_v.at[sl]], r1, s1)

    def drain(r0, r1, s0, s1):
        pltpu.make_async_copy(hr_hbm.at[pl.ds(0, _CHUNK)], r0, s0).wait()
        pltpu.make_async_copy(hr_hbm.at[pl.ds(0, _CHUNK)], r1, s1).wait()

    def compute(c, r0, r1):
        for g in range(_CHUNK // _L):
            row_ids = iota + g * _L
            esl = pl.ds(c * _CHUNK + g * _L, _L)
            col0 = (idx0_v[esl] & 1) * _D
            col1 = (idx1_v[esl] & 1) * _D

            def dim_step(d, acc):
                a = plsc.load_gather(r0, [row_ids, col0 + d])
                b = plsc.load_gather(r1, [row_ids, col1 + d])
                diff = a - b
                return acc + diff * diff

            sqdist = lax.fori_loop(0, _D, dim_step,
                                   jnp.zeros((_L,), jnp.float32))
            probs = 1.0 / (jnp.exp((sqdist - _DC_R) / _DC_T) + 1.0)
            out_v[esl] = probs

    bufs = [(r0a, r1a, sem0a, sem1a), (r0b, r1b, sem0b, sem1b)]
    issue(0, *bufs[0])
    for c in range(_NCHUNK):
        if c + 1 < _NCHUNK:
            issue(c + 1, *bufs[(c + 1) % 2])
        r0, r1, s0, s1 = bufs[c % 2]
        drain(r0, r1, s0, s1)
        compute(c, r0, r1)

    pltpu.sync_copy(out_v, out_hbm.at[pl.ds(base, _EPW)])


@jax.jit
def _run(hr, idx0, idx1):
    mesh = plsc.VectorSubcoreMesh(core_axis_name="c", subcore_axis_name="s")
    f = functools.partial(
        pl.kernel, mesh=mesh,
        out_type=jax.ShapeDtypeStruct((_E,), jnp.float32),
        scratch_types=[
            pltpu.VMEM((_EPW,), jnp.int32),
            pltpu.VMEM((_EPW,), jnp.int32),
            pltpu.VMEM((_EPW,), jnp.int32),
            pltpu.VMEM((_EPW,), jnp.int32),
            pltpu.VMEM((_CHUNK, _W), jnp.float32),
            pltpu.VMEM((_CHUNK, _W), jnp.float32),
            pltpu.VMEM((_CHUNK, _W), jnp.float32),
            pltpu.VMEM((_CHUNK, _W), jnp.float32),
            pltpu.VMEM((_EPW,), jnp.float32),
            pltpu.SemaphoreType.DMA,
            pltpu.SemaphoreType.DMA,
            pltpu.SemaphoreType.DMA,
            pltpu.SemaphoreType.DMA,
        ],
        compiler_params=pltpu.CompilerParams(
            needs_layout_passes=False, use_tc_tiling_on_sc=True),
    )(_sc_body)
    return f(hr, idx0, idx1)


def kernel(h, idx):
    idx32 = idx.astype(jnp.int32)
    hr = h.reshape(_NUM_PROTEINS, _W)
    return _run(hr, idx32[:, 0], idx32[:, 1])

# --- scband reference (transcript-rebuilt; emitter-appended) ---
"""Pipeline reference for scband-base-model-163208757916 (READ-ONLY COPY).

The authoritative reference and input builder live on the scoring server;
editing this copy changes nothing except your own understanding.
"""

import jax, jax.numpy as jnp
import numpy as np

NUM_PROTEINS = 500000
C = 1.0
DC_R = 2.0
DC_T = 1.0

def setup_inputs(seed: int = 0) -> dict:
    key = jax.random.key(seed)
    k1, k2 = jax.random.split(key)
    h = jax.random.normal(k1, (1000000, 64), dtype=jnp.float32)
    idx = jax.random.randint(k2, (16384, 2), 0, 500000, dtype=jnp.int64)
    return {"h": h, "idx": idx}

def reference(h, idx):
    # decode(): gather endpoint embeddings from the shared node table.
    # idx[:,0] indexes proteins directly; idx[:,1] is a chemical index offset
    # by num_proteins into the same table.
    emb_in = jnp.take(h, idx[:, 0], axis=0)
    emb_out = jnp.take(h, idx[:, 1] + NUM_PROTEINS, axis=0)
    # Euclidean manifold sqdist (curvature c is a no-op for Euclidean).
    diff = emb_in - emb_out
    sqdist = jnp.sum(diff * diff, axis=-1)
    # Fermi-Dirac decoder: probs = 1 / (exp((d - r)/t) + 1)
    probs = 1.0 / (jnp.exp((sqdist - DC_R) / DC_T) + 1.0)
    return probs

if __name__ == "__main__":
    import jax
    _d = setup_inputs()
    print(jax.jit(kernel)(*tuple(_d.values())))

</pallas_src>

<mosaic_0001>
#map = affine_map<(d0, d1) -> (0, 0)>
#map1 = affine_map<(d0, d1) -> (0)>
module attributes {stable_mosaic.version = 14 : i64} {
  func.func @_sc_body(%arg0: i32, %arg1: i32, %arg2: memref<500000x128xf32, #tpu.memory_space<hbm>>, %arg3: memref<16384xi32, #tpu.memory_space<hbm>>, %arg4: memref<16384xi32, #tpu.memory_space<hbm>>, %arg5: memref<16384xf32, #tpu.memory_space<hbm>>, %arg6: memref<512xi32, #tpu.memory_space<vmem>>, %arg7: memref<512xi32, #tpu.memory_space<vmem>>, %arg8: memref<512xi32, #tpu.memory_space<vmem>>, %arg9: memref<512xi32, #tpu.memory_space<vmem>>, %arg10: memref<128x128xf32, #tpu.memory_space<vmem>>, %arg11: memref<128x128xf32, #tpu.memory_space<vmem>>, %arg12: memref<128x128xf32, #tpu.memory_space<vmem>>, %arg13: memref<128x128xf32, #tpu.memory_space<vmem>>, %arg14: memref<512xf32, #tpu.memory_space<vmem>>, %arg15: memref<!tpu.dma_semaphore, #tpu.memory_space<semaphore_mem>>, %arg16: memref<!tpu.dma_semaphore, #tpu.memory_space<semaphore_mem>>, %arg17: memref<!tpu.dma_semaphore, #tpu.memory_space<semaphore_mem>>, %arg18: memref<!tpu.dma_semaphore, #tpu.memory_space<semaphore_mem>>) attributes {dimension_semantics = [#tpu.dimension_semantics<core_parallel>, #tpu.dimension_semantics<subcore_parallel>], iteration_bounds = array<i64: 2, 16>, scalar_prefetch = 0 : i64, scratch_operands = 13 : i64, tpu.core_type = #tpu.core_type<sc_vector_subcore>, window_params = [{transform_indices = #map}, {transform_indices = #map1}, {transform_indices = #map1}, {transform_indices = #map1}]} {
    %mul3A = arith.constant 2 : i32
    %mul3A_0 = arith.muli %arg1, %mul3A : i32
    %add3A = arith.addi %mul3A_0, %arg0 : i32
    %mul3A_1 = arith.constant 512 : i32
    %mul3A_2 = arith.muli %add3A, %mul3A_1 : i32
    "tpu.region"() ({
      %run_scoped3A = tpu.sem_alloc : memref<!tpu.dma_semaphore, #tpu.memory_space<semaphore_mem>>
      %dma_start3A_2032 = tpu.memref_slice %arg3[%mul3A_2] : memref<16384xi32, #tpu.memory_space<hbm>> -> memref<512xi32, #tpu.memory_space<hbm>>
      %dma_start3A_2033 = tpu.memref_slice %arg3[%mul3A_2] : memref<16384xi32, #tpu.memory_space<hbm>> -> memref<512xi32, #tpu.memory_space<hbm>>
      tpu.enqueue_dma source(%dma_start3A_2033 : memref<512xi32, #tpu.memory_space<hbm>>) target(%arg6 : memref<512xi32, #tpu.memory_space<vmem>>) target_semaphore(%run_scoped3A : memref<!tpu.dma_semaphore, #tpu.memory_space<semaphore_mem>>)
      %dma_wait3A_2034 = tpu.memref_slice %arg3[%mul3A_2] : memref<16384xi32, #tpu.memory_space<hbm>> -> memref<512xi32, #tpu.memory_space<hbm>>
      %dma_wait3A_2035 = tpu.memref_slice %arg3[%mul3A_2] : memref<16384xi32, #tpu.memory_space<hbm>> -> memref<512xi32, #tpu.memory_space<hbm>>
      tpu.wait_dma2 semaphore(%run_scoped3A : memref<!tpu.dma_semaphore, #tpu.memory_space<semaphore_mem>>) src(%dma_wait3A_2035 : memref<512xi32, #tpu.memory_space<hbm>>) dst(%arg6 : memref<512xi32, #tpu.memory_space<vmem>>)
      tpu.yield
    }) : () -> ()
    "tpu.region"() ({
      %run_scoped3A = tpu.sem_alloc : memref<!tpu.dma_semaphore, #tpu.memory_space<semaphore_mem>>
      %dma_start3A_2032 = tpu.memref_slice %arg4[%mul3A_2] : memref<16384xi32, #tpu.memory_space<hbm>> -> memref<512xi32, #tpu.memory_space<hbm>>
      %dma_start3A_2033 = tpu.memref_slice %arg4[%mul3A_2] : memref<16384xi32, #tpu.memory_space<hbm>> -> memref<512xi32, #tpu.memory_space<hbm>>
      tpu.enqueue_dma source(%dma_start3A_2033 : memref<512xi32, #tpu.memory_space<hbm>>) target(%arg7 : memref<512xi32, #tpu.memory_space<vmem>>) target_semaphore(%run_scoped3A : memref<!tpu.dma_semaphore, #tpu.memory_space<semaphore_mem>>)
      %dma_wait3A_2034 = tpu.memref_slice %arg4[%mul3A_2] : memref<16384xi32, #tpu.memory_space<hbm>> -> memref<512xi32, #tpu.memory_space<hbm>>
      %dma_wait3A_2035 = tpu.memref_slice %arg4[%mul3A_2] : memref<16384xi32, #tpu.memory_space<hbm>> -> memref<512xi32, #tpu.memory_space<hbm>>
      tpu.wait_dma2 semaphore(%run_scoped3A : memref<!tpu.dma_semaphore, #tpu.memory_space<semaphore_mem>>) src(%dma_wait3A_2035 : memref<512xi32, #tpu.memory_space<hbm>>) dst(%arg7 : memref<512xi32, #tpu.memory_space<vmem>>)
      tpu.yield
    }) : () -> ()
    %get3A = arith.constant 0 : index
    %get3A_3 = tpu.vector_load %arg7[%get3A] {strides = array<i32>} : memref<512xi32, #tpu.memory_space<vmem>>, vector<16xi32>,
    %add3A_4 = arith.constant 500000 : i32
    %add3A_5 = vector.broadcast %add3A_4 : i32 to vector<16xi32>
    %add3A_6 = arith.addi %get3A_3, %add3A_5 : vector<16xi32>
    %swap3A = arith.constant 0 : index
    %swap3A_7 = tpu.vector_load %arg7[%swap3A] {strides = array<i32>} : memref<512xi32, #tpu.memory_space<vmem>>, vector<16xi32>,
    tpu.vector_store %arg7[%swap3A], %add3A_6 {strides = array<i32>} : memref<512xi32, #tpu.memory_space<vmem>>, vector<16xi32>,
    %get3A_8 = arith.constant 0 : index
    %get3A_9 = tpu.vector_load %arg6[%get3A_8] {strides = array<i32>} : memref<512xi32, #tpu.memory_space<vmem>>, vector<16xi32>,
    %shift_right_logical3A = arith.constant 1 : i32
    %shift_right_logical3A_10 = vector.broadcast %shift_right_logical3A : i32 to vector<16xi32>
    %shift_right_logical3A_11 = arith.shrui %get3A_9, %shift_right_logical3A_10 : vector<16xi32>
    %swap3A_12 = arith.constant 0 : index
    %swap3A_13 = tpu.vector_load %arg8[%swap3A_12] {strides = array<i32>} : memref<512xi32, #tpu.memory_space<vmem>>, vector<16xi32>,
    tpu.vector_store %arg8[%swap3A_12], %shift_right_logical3A_11 {strides = array<i32>} : memref<512xi32, #tpu.memory_space<vmem>>, vector<16xi32>,
    %shift_right_logical3A_14 = arith.constant 1 : i32
    %shift_right_logical3A_15 = vector.broadcast %shift_right_logical3A_14 : i32 to vector<16xi32>
    %shift_right_logical3A_16 = arith.shrui %add3A_6, %shift_right_logical3A_15 : vector<16xi32>
    %swap3A_17 = arith.constant 0 : index
    %swap3A_18 = tpu.vector_load %arg9[%swap3A_17] {strides = array<i32>} : memref<512xi32, #tpu.memory_space<vmem>>, vector<16xi32>,
    tpu.vector_store %arg9[%swap3A_17], %shift_right_logical3A_16 {strides = array<i32>} : memref<512xi32, #tpu.memory_space<vmem>>, vector<16xi32>,
    %get3A_19 = arith.constant 16 : index
    %get3A_20 = tpu.vector_load %arg7[%get3A_19] {strides = array<i32>} : memref<512xi32, #tpu.memory_space<vmem>>, vector<16xi32>,
    %add3A_21 = arith.constant 500000 : i32
    %add3A_22 = vector.broadcast %add3A_21 : i32 to vector<16xi32>
    %add3A_23 = arith.addi %get3A_20, %add3A_22 : vector<16xi32>
    %swap3A_24 = arith.constant 16 : index
    %swap3A_25 = tpu.vector_load %arg7[%swap3A_24] {strides = array<i32>} : memref<512xi32, #tpu.memory_space<vmem>>, vector<16xi32>,
    tpu.vector_store %arg7[%swap3A_24], %add3A_23 {strides = array<i32>} : memref<512xi32, #tpu.memory_space<vmem>>, vector<16xi32>,
    %get3A_26 = arith.constant 16 : index
    %get3A_27 = tpu.vector_load %arg6[%get3A_26] {strides = array<i32>} : memref<512xi32, #tpu.memory_space<vmem>>, vector<16xi32>,
    %shift_right_logical3A_28 = arith.constant 1 : i32
    %shift_right_logical3A_29 = vector.broadcast %shift_right_logical3A_28 : i32 to vector<16xi32>
    %shift_right_logical3A_30 = arith.shrui %get3A_27, %shift_right_logical3A_29 : vector<16xi32>
    %swap3A_31 = arith.constant 16 : index
    %swap3A_32 = tpu.vector_load %arg8[%swap3A_31] {strides = array<i32>} : memref<512xi32, #tpu.memory_space<vmem>>, vector<16xi32>,
    tpu.vector_store %arg8[%swap3A_31], %shift_right_logical3A_30 {strides = array<i32>} : memref<512xi32, #tpu.memory_space<vmem>>, vector<16xi32>,
    %shift_right_logical3A_33 = arith.constant 1 : i32
    %shift_right_logical3A_34 = vector.broadcast %shift_right_logical3A_33 : i32 to vector<16xi32>
    %shift_right_logical3A_35 = arith.shrui %add3A_23, %shift_right_logical3A_34 : vector<16xi32>
    %swap3A_36 = arith.constant 16 : index
    %swap3A_37 = tpu.vector_load %arg9[%swap3A_36] {strides = array<i32>} : memref<512xi32, #tpu.memory_space<vmem>>, vector<16xi32>,
    tpu.vector_store %arg9[%swap3A_36], %shift_right_logical3A_35 {strides = array<i32>} : memref<512xi32, #tpu.memory_space<vmem>>, vector<16xi32>,
    %get3A_38 = arith.constant 32 : index
    %get3A_39 = tpu.vector_load %arg7[%get3A_38] {strides = array<i32>} : memref<512xi32, #tpu.memory_space<vmem>>, vector<16xi32>,
    %add3A_40 = arith.constant 500000 : i32
    %add3A_41 = vector.broadcast %add3A_40 : i32 to vector<16xi32>
    %add3A_42 = arith.addi %get3A_39, %add3A_41 : vector<16xi32>
    %swap3A_43 = arith.constant 32 : index
    %swap3A_44 = tpu.vector_load %arg7[%swap3A_43] {strides = array<i32>} : memref<512xi32, #tpu.memory_space<vmem>>, vector<16xi32>,
    tpu.vector_store %arg7[%swap3A_43], %add3A_42 {strides = array<i32>} : memref<512xi32, #tpu.memory_space<vmem>>, vector<16xi32>,
    %get3A_45 = arith.constant 32 : index
    %get3A_46 = tpu.vector_load %arg6[%get3A_45] {strides = array<i32>} : memref<512xi32, #tpu.memory_space<vmem>>, vector<16xi32>,
    %shift_right_logical3A_47 = arith.constant 1 : i32
    %shift_right_logical3A_48 = vector.broadcast %shift_right_logical3A_47 : i32 to vector<16xi32>
    %shift_right_logical3A_49 = arith.shrui %get3A_46, %shift_right_logical3A_48 : vector<16xi32>
    %swap3A_50 = arith.constant 32 : index
    %swap3A_51 = tpu.vector_load %arg8[%swap3A_50] {strides = array<i32>} : memref<512xi32, #tpu.memory_space<vmem>>, vector<16xi32>,
    tpu.vector_store %arg8[%swap3A_50], %shift_right_logical3A_49 {strides = array<i32>} : memref<512xi32, #tpu.memory_space<vmem>>, vector<16xi32>,
    %shift_right_logical3A_52 = arith.constant 1 : i32
    %shift_right_logical3A_53 = vector.broadcast %shift_right_logical3A_52 : i32 to vector<16xi32>
    %shift_right_logical3A_54 = arith.shrui %add3A_42, %shift_right_logical3A_53 : vector<16xi32>
    %swap3A_55 = arith.constant 32 : index
    %swap3A_56 = tpu.vector_load %arg9[%swap3A_55] {strides = array<i32>} : memref<512xi32, #tpu.memory_space<vmem>>, vector<16xi32>,
    tpu.vector_store %arg9[%swap3A_55], %shift_right_logical3A_54 {strides = array<i32>} : memref<512xi32, #tpu.memory_space<vmem>>, vector<16xi32>,
    %get3A_57 = arith.constant 48 : index
    %get3A_58 = tpu.vector_load %arg7[%get3A_57] {strides = array<i32>} : memref<512xi32, #tpu.memory_space<vmem>>, vector<16xi32>,
    %add3A_59 = arith.constant 500000 : i32
    %add3A_60 = vector.broadcast %add3A_59 : i32 to vector<16xi32>
    %add3A_61 = arith.addi %get3A_58, %add3A_60 : vector<16xi32>
    %swap3A_62 = arith.constant 48 : index
    %swap3A_63 = tpu.vector_load %arg7[%swap3A_62] {strides = array<i32>} : memref<512xi32, #tpu.memory_space<vmem>>, vector<16xi32>,
    tpu.vector_store %arg7[%swap3A_62], %add3A_61 {strides = array<i32>} : memref<512xi32, #tpu.memory_space<vmem>>, vector<16xi32>,
    %get3A_64 = arith.constant 48 : index
    %get3A_65 = tpu.vector_load %arg6[%get3A_64] {strides = array<i32>} : memref<512xi32, #tpu.memory_space<vmem>>, vector<16xi32>,
    %shift_right_logical3A_66 = arith.constant 1 : i32
    %shift_right_logical3A_67 = vector.broadcast %shift_right_logical3A_66 : i32 to vector<16xi32>
    %shift_right_logical3A_68 = arith.shrui %get3A_65, %shift_right_logical3A_67 : vector<16xi32>
    %swap3A_69 = arith.constant 48 : index
    %swap3A_70 = tpu.vector_load %arg8[%swap3A_69] {strides = array<i32>} : memref<512xi32, #tpu.memory_space<vmem>>, vector<16xi32>,
    tpu.vector_store %arg8[%swap3A_69], %shift_right_logical3A_68 {strides = array<i32>} : memref<512xi32, #tpu.memory_space<vmem>>, vector<16xi32>,
    %shift_right_logical3A_71 = arith.constant 1 : i32
    %shift_right_logical3A_72 = vector.broadcast %shift_right_logical3A_71 : i32 to vector<16xi32>
    %shift_right_logical3A_73 = arith.shrui %add3A_61, %shift_right_logical3A_72 : vector<16xi32>
    %swap3A_74 = arith.constant 48 : index
    %swap3A_75 = tpu.vector_load %arg9[%swap3A_74] {strides = array<i32>} : memref<512xi32, #tpu.memory_space<vmem>>, vector<16xi32>,
    tpu.vector_store %arg9[%swap3A_74], %shift_right_logical3A_73 {strides = array<i32>} : memref<512xi32, #tpu.memory_space<vmem>>, vector<16xi32>,
    %get3A_76 = arith.constant 64 : index
    %get3A_77 = tpu.vector_load %arg7[%get3A_76] {strides = array<i32>} : memref<512xi32, #tpu.memory_space<vmem>>, vector<16xi32>,
    %add3A_78 = arith.constant 500000 : i32
    %add3A_79 = vector.broadcast %add3A_78 : i32 to vector<16xi32>
    %add3A_80 = arith.addi %get3A_77, %add3A_79 : vector<16xi32>
    %swap3A_81 = arith.constant 64 : index
    %swap3A_82 = tpu.vector_load %arg7[%swap3A_81] {strides = array<i32>} : memref<512xi32, #tpu.memory_space<vmem>>, vector<16xi32>,
    tpu.vector_store %arg7[%swap3A_81], %add3A_80 {strides = array<i32>} : memref<512xi32, #tpu.memory_space<vmem>>, vector<16xi32>,
    %get3A_83 = arith.constant 64 : index
    %get3A_84 = tpu.vector_load %arg6[%get3A_83] {strides = array<i32>} : memref<512xi32, #tpu.memory_space<vmem>>, vector<16xi32>,
    %shift_right_logical3A_85 = arith.constant 1 : i32
    %shift_right_logical3A_86 = vector.broadcast %shift_right_logical3A_85 : i32 to vector<16xi32>
    %shift_right_logical3A_87 = arith.shrui %get3A_84, %shift_right_logical3A_86 : vector<16xi32>
    %swap3A_88 = arith.constant 64 : index
    %swap3A_89 = tpu.vector_load %arg8[%swap3A_88] {strides = array<i32>} : memref<512xi32, #tpu.memory_space<vmem>>, vector<16xi32>,
    tpu.vector_store %arg8[%swap3A_88], %shift_right_logical3A_87 {strides = array<i32>} : memref<512xi32, #tpu.memory_space<vmem>>, vector<16xi32>,
    %shift_right_logical3A_90 = arith.constant 1 : i32
    %shift_right_logical3A_91 = vector.broadcast %shift_right_logical3A_90 : i32 to vector<16xi32>
    %shift_right_logical3A_92 = arith.shrui %add3A_80, %shift_right_logical3A_91 : vector<16xi32>
    %swap3A_93 = arith.constant 64 : index
    %swap3A_94 = tpu.vector_load %arg9[%swap3A_93] {strides = array<i32>} : memref<512xi32, #tpu.memory_space<vmem>>, vector<16xi32>,
    tpu.vector_store %arg9[%swap3A_93], %shift_right_logical3A_92 {strides = array<i32>} : memref<512xi32, #tpu.memory_space<vmem>>, vector<16xi32>,
    %get3A_95 = arith.constant 80 : index
    %get3A_96 = tpu.vector_load %arg7[%get3A_95] {strides = array<i32>} : memref<512xi32, #tpu.memory_space<vmem>>, vector<16xi32>,
    %add3A_97 = arith.constant 500000 : i32
    %add3A_98 = vector.broadcast %add3A_97 : i32 to vector<16xi32>
    %add3A_99 = arith.addi %get3A_96, %add3A_98 : vector<16xi32>
    %swap3A_100 = arith.constant 80 : index
    %swap3A_101 = tpu.vector_load %arg7[%swap3A_100] {strides = array<i32>} : memref<512xi32, #tpu.memory_space<vmem>>, vector<16xi32>,
    tpu.vector_store %arg7[%swap3A_100], %add3A_99 {strides = array<i32>} : memref<512xi32, #tpu.memory_space<vmem>>, vector<16xi32>,
    %get3A_102 = arith.constant 80 : index
    %get3A_103 = tpu.vector_load %arg6[%get3A_102] {strides = array<i32>} : memref<512xi32, #tpu.memory_space<vmem>>, vector<16xi32>,
    %shift_right_logical3A_104 = arith.constant 1 : i32
    %shift_right_logical3A_105 = vector.broadcast %shift_right_logical3A_104 : i32 to vector<16xi32>
    %shift_right_logical3A_106 = arith.shrui %get3A_103, %shift_right_logical3A_105 : vector<16xi32>
    %swap3A_107 = arith.constant 80 : index
    %swap3A_108 = tpu.vector_load %arg8[%swap3A_107] {strides = array<i32>} : memref<512xi32, #tpu.memory_space<vmem>>, vector<16xi32>,
    tpu.vector_store %arg8[%swap3A_107], %shift_right_logical3A_106 {strides = array<i32>} : memref<512xi32, #tpu.memory_space<vmem>>, vector<16xi32>,
    %shift_right_logical3A_109 = arith.constant 1 : i32
    %shift_right_logical3A_110 = vector.broadcast %shift_right_logical3A_109 : i32 to vector<16xi32>
    %shift_right_logical3A_111 = arith.shrui %add3A_99, %shift_right_logical3A_110 : vector<16xi32>
    %swap3A_112 = arith.constant 80 : index
    %swap3A_113 = tpu.vector_load %arg9[%swap3A_112] {strides = array<i32>} : memref<512xi32, #tpu.memory_space<vmem>>, vector<16xi32>,
    tpu.vector_store %arg9[%swap3A_112], %shift_right_logical3A_111 {strides = array<i32>} : memref<512xi32, #tpu.memory_space<vmem>>, vector<16xi32>,
    %get3A_114 = arith.constant 96 : index
    %get3A_115 = tpu.vector_load %arg7[%get3A_114] {strides = array<i32>} : memref<512xi32, #tpu.memory_space<vmem>>, vector<16xi32>,
    %add3A_116 = arith.constant 500000 : i32
    %add3A_117 = vector.broadcast %add3A_116 : i32 to vector<16xi32>
    %add3A_118 = arith.addi %get3A_115, %add3A_117 : vector<16xi32>
    %swap3A_119 = arith.constant 96 : index
    %swap3A_120 = tpu.vector_load %arg7[%swap3A_119] {strides = array<i32>} : memref<512xi32, #tpu.memory_space<vmem>>, vector<16xi32>,
    tpu.vector_store %arg7[%swap3A_119], %add3A_118 {strides = array<i32>} : memref<512xi32, #tpu.memory_space<vmem>>, vector<16xi32>,
    %get3A_121 = arith.constant 96 : index
    %get3A_122 = tpu.vector_load %arg6[%get3A_121] {strides = array<i32>} : memref<512xi32, #tpu.memory_space<vmem>>, vector<16xi32>,
    %shift_right_logical3A_123 = arith.constant 1 : i32
    %shift_right_logical3A_124 = vector.broadcast %shift_right_logical3A_123 : i32 to vector<16xi32>
    %shift_right_logical3A_125 = arith.shrui %get3A_122, %shift_right_logical3A_124 : vector<16xi32>
    %swap3A_126 = arith.constant 96 : index
    %swap3A_127 = tpu.vector_load %arg8[%swap3A_126] {strides = array<i32>} : memref<512xi32, #tpu.memory_space<vmem>>, vector<16xi32>,
    tpu.vector_store %arg8[%swap3A_126], %shift_right_logical3A_125 {strides = array<i32>} : memref<512xi32, #tpu.memory_space<vmem>>, vector<16xi32>,
    %shift_right_logical3A_128 = arith.constant 1 : i32
    %shift_right_logical3A_129 = vector.broadcast %shift_right_logical3A_128 : i32 to vector<16xi32>
    %shift_right_logical3A_130 = arith.shrui %add3A_118, %shift_right_logical3A_129 : vector<16xi32>
    %swap3A_131 = arith.constant 96 : index
    %swap3A_132 = tpu.vector_load %arg9[%swap3A_131] {strides = array<i32>} : memref<512xi32, #tpu.memory_space<vmem>>, vector<16xi32>,
    tpu.vector_store %arg9[%swap3A_131], %shift_right_logical3A_130 {strides = array<i32>} : memref<512xi32, #tpu.memory_space<vmem>>, vector<16xi32>,
    %get3A_133 = arith.constant 112 : index
    %get3A_134 = tpu.vector_load %arg7[%get3A_133] {strides = array<i32>} : memref<512xi32, #tpu.memory_space<vmem>>, vector<16xi32>,
    %add3A_135 = arith.constant 500000 : i32
    %add3A_136 = vector.broadcast %add3A_135 : i32 to vector<16xi32>
    %add3A_137 = arith.addi %get3A_134, %add3A_136 : vector<16xi32>
    %swap3A_138 = arith.constant 112 : index
    %swap3A_139 = tpu.vector_load %arg7[%swap3A_138] {strides = array<i32>} : memref<512xi32, #tpu.memory_space<vmem>>, vector<16xi32>,
    tpu.vector_store %arg7[%swap3A_138], %add3A_137 {strides = array<i32>} : memref<512xi32, #tpu.memory_space<vmem>>, vector<16xi32>,
    %get3A_140 = arith.constant 112 : index
    %get3A_141 = tpu.vector_load %arg6[%get3A_140] {strides = array<i32>} : memref<512xi32, #tpu.memory_space<vmem>>, vector<16xi32>,
    %shift_right_logical3A_142 = arith.constant 1 : i32
    %shift_right_logical3A_143 = vector.broadcast %shift_right_logical3A_142 : i32 to vector<16xi32>
    %shift_right_logical3A_144 = arith.shrui %get3A_141, %shift_right_logical3A_143 : vector<16xi32>
    %swap3A_145 = arith.constant 112 : index
    %swap3A_146 = tpu.vector_load %arg8[%swap3A_145] {strides = array<i32>} : memref<512xi32, #tpu.memory_space<vmem>>, vector<16xi32>,
    tpu.vector_store %arg8[%swap3A_145], %shift_right_logical3A_144 {strides = array<i32>} : memref<512xi32, #tpu.memory_space<vmem>>, vector<16xi32>,
    %shift_right_logical3A_147 = arith.constant 1 : i32
    %shift_right_logical3A_148 = vector.broadcast %shift_right_logical3A_147 : i32 to vector<16xi32>
    %shift_right_logical3A_149 = arith.shrui %add3A_137, %shift_right_logical3A_148 : vector<16xi32>
    %swap3A_150 = arith.constant 112 : index
    %swap3A_151 = tpu.vector_load %arg9[%swap3A_150] {strides = array<i32>} : memref<512xi32, #tpu.memory_space<vmem>>, vector<16xi32>,
    tpu.vector_store %arg9[%swap3A_150], %shift_right_logical3A_149 {strides = array<i32>} : memref<512xi32, #tpu.memory_space<vmem>>, vector<16xi32>,
    %get3A_152 = arith.constant 128 : index
    %get3A_153 = tpu.vector_load %arg7[%get3A_152] {strides = array<i32>} : memref<512xi32, #tpu.memory_space<vmem>>, vector<16xi32>,
    %add3A_154 = arith.constant 500000 : i32
    %add3A_155 = vector.broadcast %add3A_154 : i32 to vector<16xi32>
    %add3A_156 = arith.addi %get3A_153, %add3A_155 : vector<16xi32>
    %swap3A_157 = arith.constant 128 : index
    %swap3A_158 = tpu.vector_load %arg7[%swap3A_157] {strides = array<i32>} : memref<512xi32, #tpu.memory_space<vmem>>, vector<16xi32>,
    tpu.vector_store %arg7[%swap3A_157], %add3A_156 {strides = array<i32>} : memref<512xi32, #tpu.memory_space<vmem>>, vector<16xi32>,
    %get3A_159 = arith.constant 128 : index
    %get3A_160 = tpu.vector_load %arg6[%get3A_159] {strides = array<i32>} : memref<512xi32, #tpu.memory_space<vmem>>, vector<16xi32>,
    %shift_right_logical3A_161 = arith.constant 1 : i32
    %shift_right_logical3A_162 = vector.broadcast %shift_right_logical3A_161 : i32 to vector<16xi32>
    %shift_right_logical3A_163 = arith.shrui %get3A_160, %shift_right_logical3A_162 : vector<16xi32>
    %swap3A_164 = arith.constant 128 : index
    %swap3A_165 = tpu.vector_load %arg8[%swap3A_164] {strides = array<i32>} : memref<512xi32, #tpu.memory_space<vmem>>, vector<16xi32>,
    tpu.vector_store %arg8[%swap3A_164], %shift_right_logical3A_163 {strides = array<i32>} : memref<512xi32, #tpu.memory_space<vmem>>, vector<16xi32>,
    %shift_right_logical3A_166 = arith.constant 1 : i32
    %shift_right_logical3A_167 = vector.broadcast %shift_right_logical3A_166 : i32 to vector<16xi32>
    %shift_right_logical3A_168 = arith.shrui %add3A_156, %shift_right_logical3A_167 : vector<16xi32>
    %swap3A_169 = arith.constant 128 : index
    %swap3A_170 = tpu.vector_load %arg9[%swap3A_169] {strides = array<i32>} : memref<512xi32, #tpu.memory_space<vmem>>, vector<16xi32>,
    tpu.vector_store %arg9[%swap3A_169], %shift_right_logical3A_168 {strides = array<i32>} : memref<512xi32, #tpu.memory_space<vmem>>, vector<16xi32>,
    %get3A_171 = arith.constant 144 : index
    %get3A_172 = tpu.vector_load %arg7[%get3A_171] {strides = array<i32>} : memref<512xi32, #tpu.memory_space<vmem>>, vector<16xi32>,
    %add3A_173 = arith.constant 500000 : i32
    %add3A_174 = vector.broadcast %add3A_173 : i32 to vector<16xi32>
    %add3A_175 = arith.addi %get3A_172, %add3A_174 : vector<16xi32>
    %swap3A_176 = arith.constant 144 : index
    %swap3A_177 = tpu.vector_load %arg7[%swap3A_176] {strides = array<i32>} : memref<512xi32, #tpu.memory_space<vmem>>, vector<16xi32>,
    tpu.vector_store %arg7[%swap3A_176], %add3A_175 {strides = array<i32>} : memref<512xi32, #tpu.memory_space<vmem>>, vector<16xi32>,
    %get3A_178 = arith.constant 144 : index
    %get3A_179 = tpu.vector_load %arg6[%get3A_178] {strides = array<i32>} : memref<512xi32, #tpu.memory_space<vmem>>, vector<16xi32>,
    %shift_right_logical3A_180 = arith.constant 1 : i32
    %shift_right_logical3A_181 = vector.broadcast %shift_right_logical3A_180 : i32 to vector<16xi32>
    %shift_right_logical3A_182 = arith.shrui %get3A_179, %shift_right_logical3A_181 : vector<16xi32>
    %swap3A_183 = arith.constant 144 : index
    %swap3A_184 = tpu.vector_load %arg8[%swap3A_183] {strides = array<i32>} : memref<512xi32, #tpu.memory_space<vmem>>, vector<16xi32>,
    tpu.vector_store %arg8[%swap3A_183], %shift_right_logical3A_182 {strides = array<i32>} : memref<512xi32, #tpu.memory_space<vmem>>, vector<16xi32>,
    %shift_right_logical3A_185 = arith.constant 1 : i32
    %shift_right_logical3A_186 = vector.broadcast %shift_right_logical3A_185 : i32 to vector<16xi32>
    %shift_right_logical3A_187 = arith.shrui %add3A_175, %shift_right_logical3A_186 : vector<16xi32>
    %swap3A_188 = arith.constant 144 : index
    %swap3A_189 = tpu.vector_load %arg9[%swap3A_188] {strides = array<i32>} : memref<512xi32, #tpu.memory_space<vmem>>, vector<16xi32>,
    tpu.vector_store %arg9[%swap3A_188], %shift_right_logical3A_187 {strides = array<i32>} : memref<512xi32, #tpu.memory_space<vmem>>, vector<16xi32>,
    %get3A_190 = arith.constant 160 : index
    %get3A_191 = tpu.vector_load %arg7[%get3A_190] {strides = array<i32>} : memref<512xi32, #tpu.memory_space<vmem>>, vector<16xi32>,
    %add3A_192 = arith.constant 500000 : i32
    %add3A_193 = vector.broadcast %add3A_192 : i32 to vector<16xi32>
    %add3A_194 = arith.addi %get3A_191, %add3A_193 : vector<16xi32>
    %swap3A_195 = arith.constant 160 : index
    %swap3A_196 = tpu.vector_load %arg7[%swap3A_195] {strides = array<i32>} : memref<512xi32, #tpu.memory_space<vmem>>, vector<16xi32>,
    tpu.vector_store %arg7[%swap3A_195], %add3A_194 {strides = array<i32>} : memref<512xi32, #tpu.memory_space<vmem>>, vector<16xi32>,
    %get3A_197 = arith.constant 160 : index
    %get3A_198 = tpu.vector_load %arg6[%get3A_197] {strides = array<i32>} : memref<512xi32, #tpu.memory_space<vmem>>, vector<16xi32>,
    %shift_right_logical3A_199 = arith.constant 1 : i32
    %shift_right_logical3A_200 = vector.broadcast %shift_right_logical3A_199 : i32 to vector<16xi32>
    %shift_right_logical3A_201 = arith.shrui %get3A_198, %shift_right_logical3A_200 : vector<16xi32>
    %swap3A_202 = arith.constant 160 : index
    %swap3A_203 = tpu.vector_load %arg8[%swap3A_202] {strides = array<i32>} : memref<512xi32, #tpu.memory_space<vmem>>, vector<16xi32>,
    tpu.vector_store %arg8[%swap3A_202], %shift_right_logical3A_201 {strides = array<i32>} : memref<512xi32, #tpu.memory_space<vmem>>, vector<16xi32>,
    %shift_right_logical3A_204 = arith.constant 1 : i32
    %shift_right_logical3A_205 = vector.broadcast %shift_right_logical3A_204 : i32 to vector<16xi32>
    %shift_right_logical3A_206 = arith.shrui %add3A_194, %shift_right_logical3A_205 : vector<16xi32>
    %swap3A_207 = arith.constant 160 : index
    %swap3A_208 = tpu.vector_load %arg9[%swap3A_207] {strides = array<i32>} : memref<512xi32, #tpu.memory_space<vmem>>, vector<16xi32>,
    tpu.vector_store %arg9[%swap3A_207], %shift_right_logical3A_206 {strides = array<i32>} : memref<512xi32, #tpu.memory_space<vmem>>, vector<16xi32>,
    %get3A_209 = arith.constant 176 : index
    %get3A_210 = tpu.vector_load %arg7[%get3A_209] {strides = array<i32>} : memref<512xi32, #tpu.memory_space<vmem>>, vector<16xi32>,
    %add3A_211 = arith.constant 500000 : i32
    %add3A_212 = vector.broadcast %add3A_211 : i32 to vector<16xi32>
    %add3A_213 = arith.addi %get3A_210, %add3A_212 : vector<16xi32>
    %swap3A_214 = arith.constant 176 : index
    %swap3A_215 = tpu.vector_load %arg7[%swap3A_214] {strides = array<i32>} : memref<512xi32, #tpu.memory_space<vmem>>, vector<16xi32>,
    tpu.vector_store %arg7[%swap3A_214], %add3A_213 {strides = array<i32>} : memref<512xi32, #tpu.memory_space<vmem>>, vector<16xi32>,
    %get3A_216 = arith.constant 176 : index
    %get3A_217 = tpu.vector_load %arg6[%get3A_216] {strides = array<i32>} : memref<512xi32, #tpu.memory_space<vmem>>, vector<16xi32>,
    %shift_right_logical3A_218 = arith.constant 1 : i32
    %shift_right_logical3A_219 = vector.broadcast %shift_right_logical3A_218 : i32 to vector<16xi32>
    %shift_right_logical3A_220 = arith.shrui %get3A_217, %shift_right_logical3A_219 : vector<16xi32>
    %swap3A_221 = arith.constant 176 : index
    %swap3A_222 = tpu.vector_load %arg8[%swap3A_221] {strides = array<i32>} : memref<512xi32, #tpu.memory_space<vmem>>, vector<16xi32>,
    tpu.vector_store %arg8[%swap3A_221], %shift_right_logical3A_220 {strides = array<i32>} : memref<512xi32, #tpu.memory_space<vmem>>, vector<16xi32>,
    %shift_right_logical3A_223 = arith.constant 1 : i32
    %shift_right_logical3A_224 = vector.broadcast %shift_right_logical3A_223 : i32 to vector<16xi32>
    %shift_right_logical3A_225 = arith.shrui %add3A_213, %shift_right_logical3A_224 : vector<16xi32>
    %swap3A_226 = arith.constant 176 : index
    %swap3A_227 = tpu.vector_load %arg9[%swap3A_226] {strides = array<i32>} : memref<512xi32, #tpu.memory_space<vmem>>, vector<16xi32>,
    tpu.vector_store %arg9[%swap3A_226], %shift_right_logical3A_225 {strides = array<i32>} : memref<512xi32, #tpu.memory_space<vmem>>, vector<16xi32>,
    %get3A_228 = arith.constant 192 : index
    %get3A_229 = tpu.vector_load %arg7[%get3A_228] {strides = array<i32>} : memref<512xi32, #tpu.memory_space<vmem>>, vector<16xi32>,
    %add3A_230 = arith.constant 500000 : i32
    %add3A_231 = vector.broadcast %add3A_230 : i32 to vector<16xi32>
    %add3A_232 = arith.addi %get3A_229, %add3A_231 : vector<16xi32>
    %swap3A_233 = arith.constant 192 : index
    %swap3A_234 = tpu.vector_load %arg7[%swap3A_233] {strides = array<i32>} : memref<512xi32, #tpu.memory_space<vmem>>, vector<16xi32>,
    tpu.vector_store %arg7[%swap3A_233], %add3A_232 {strides = array<i32>} : memref<512xi32, #tpu.memory_space<vmem>>, vector<16xi32>,
    %get3A_235 = arith.constant 192 : index
    %get3A_236 = tpu.vector_load %arg6[%get3A_235] {strides = array<i32>} : memref<512xi32, #tpu.memory_space<vmem>>, vector<16xi32>,
    %shift_right_logical3A_237 = arith.constant 1 : i32
    %shift_right_logical3A_238 = vector.broadcast %shift_right_logical3A_237 : i32 to vector<16xi32>
    %shift_right_logical3A_239 = arith.shrui %get3A_236, %shift_right_logical3A_238 : vector<16xi32>
    %swap3A_240 = arith.constant 192 : index
    %swap3A_241 = tpu.vector_load %arg8[%swap3A_240] {strides = array<i32>} : memref<512xi32, #tpu.memory_space<vmem>>, vector<16xi32>,
    tpu.vector_store %arg8[%swap3A_240], %shift_right_logical3A_239 {strides = array<i32>} : memref<512xi32, #tpu.memory_space<vmem>>, vector<16xi32>,
    %shift_right_logical3A_242 = arith.constant 1 : i32
    %shift_right_logical3A_243 = vector.broadcast %shift_right_logical3A_242 : i32 to vector<16xi32>
    %shift_right_logical3A_244 = arith.shrui %add3A_232, %shift_right_logical3A_243 : vector<16xi32>
    %swap3A_245 = arith.constant 192 : index
    %swap3A_246 = tpu.vector_load %arg9[%swap3A_245] {strides = array<i32>} : memref<512xi32, #tpu.memory_space<vmem>>, vector<16xi32>,
    tpu.vector_store %arg9[%swap3A_245], %shift_right_logical3A_244 {strides = array<i32>} : memref<512xi32, #tpu.memory_space<vmem>>, vector<16xi32>,
    %get3A_247 = arith.constant 208 : index
    %get3A_248 = tpu.vector_load %arg7[%get3A_247] {strides = array<i32>} : memref<512xi32, #tpu.memory_space<vmem>>, vector<16xi32>,
    %add3A_249 = arith.constant 500000 : i32
    %add3A_250 = vector.broadcast %add3A_249 : i32 to vector<16xi32>
    %add3A_251 = arith.addi %get3A_248, %add3A_250 : vector<16xi32>
    %swap3A_252 = arith.constant 208 : index
    %swap3A_253 = tpu.vector_load %arg7[%swap3A_252] {strides = array<i32>} : memref<512xi32, #tpu.memory_space<vmem>>, vector<16xi32>,
    tpu.vector_store %arg7[%swap3A_252], %add3A_251 {strides = array<i32>} : memref<512xi32, #tpu.memory_space<vmem>>, vector<16xi32>,
    %get3A_254 = arith.constant 208 : index
    %get3A_255 = tpu.vector_load %arg6[%get3A_254] {strides = array<i32>} : memref<512xi32, #tpu.memory_space<vmem>>, vector<16xi32>,
    %shift_right_logical3A_256 = arith.constant 1 : i32
    %shift_right_logical3A_257 = vector.broadcast %shift_right_logical3A_256 : i32 to vector<16xi32>
    %shift_right_logical3A_258 = arith.shrui %get3A_255, %shift_right_logical3A_257 : vector<16xi32>
    %swap3A_259 = arith.constant 208 : index
    %swap3A_260 = tpu.vector_load %arg8[%swap3A_259] {strides = array<i32>} : memref<512xi32, #tpu.memory_space<vmem>>, vector<16xi32>,
    tpu.vector_store %arg8[%swap3A_259], %shift_right_logical3A_258 {strides = array<i32>} : memref<512xi32, #tpu.memory_space<vmem>>, vector<16xi32>,
    %shift_right_logical3A_261 = arith.constant 1 : i32
    %shift_right_logical3A_262 = vector.broadcast %shift_right_logical3A_261 : i32 to vector<16xi32>
    %shift_right_logical3A_263 = arith.shrui %add3A_251, %shift_right_logical3A_262 : vector<16xi32>
    %swap3A_264 = arith.constant 208 : index
    %swap3A_265 = tpu.vector_load %arg9[%swap3A_264] {strides = array<i32>} : memref<512xi32, #tpu.memory_space<vmem>>, vector<16xi32>,
    tpu.vector_store %arg9[%swap3A_264], %shift_right_logical3A_263 {strides = array<i32>} : memref<512xi32, #tpu.memory_space<vmem>>, vector<16xi32>,
    %get3A_266 = arith.constant 224 : index
    %get3A_267 = tpu.vector_load %arg7[%get3A_266] {strides = array<i32>} : memref<512xi32, #tpu.memory_space<vmem>>, vector<16xi32>,
    %add3A_268 = arith.constant 500000 : i32
    %add3A_269 = vector.broadcast %add3A_268 : i32 to vector<16xi32>
    %add3A_270 = arith.addi %get3A_267, %add3A_269 : vector<16xi32>
    %swap3A_271 = arith.constant 224 : index
    %swap3A_272 = tpu.vector_load %arg7[%swap3A_271] {strides = array<i32>} : memref<512xi32, #tpu.memory_space<vmem>>, vector<16xi32>,
    tpu.vector_store %arg7[%swap3A_271], %add3A_270 {strides = array<i32>} : memref<512xi32, #tpu.memory_space<vmem>>, vector<16xi32>,
    %get3A_273 = arith.constant 224 : index
    %get3A_274 = tpu.vector_load %arg6[%get3A_273] {strides = array<i32>} : memref<512xi32, #tpu.memory_space<vmem>>, vector<16xi32>,
    %shift_right_logical3A_275 = arith.constant 1 : i32
    %shift_right_logical3A_276 = vector.broadcast %shift_right_logical3A_275 : i32 to vector<16xi32>
    %shift_right_logical3A_277 = arith.shrui %get3A_274, %shift_right_logical3A_276 : vector<16xi32>
    %swap3A_278 = arith.constant 224 : index
    %swap3A_279 = tpu.vector_load %arg8[%swap3A_278] {strides = array<i32>} : memref<512xi32, #tpu.memory_space<vmem>>, vector<16xi32>,
    tpu.vector_store %arg8[%swap3A_278], %shift_right_logical3A_277 {strides = array<i32>} : memref<512xi32, #tpu.memory_space<vmem>>, vector<16xi32>,
    %shift_right_logical3A_280 = arith.constant 1 : i32
    %shift_right_logical3A_281 = vector.broadcast %shift_right_logical3A_280 : i32 to vector<16xi32>
    %shift_right_logical3A_282 = arith.shrui %add3A_270, %shift_right_logical3A_281 : vector<16xi32>
    %swap3A_283 = arith.constant 224 : index
    %swap3A_284 = tpu.vector_load %arg9[%swap3A_283] {strides = array<i32>} : memref<512xi32, #tpu.memory_space<vmem>>, vector<16xi32>,
    tpu.vector_store %arg9[%swap3A_283], %shift_right_logical3A_282 {strides = array<i32>} : memref<512xi32, #tpu.memory_space<vmem>>, vector<16xi32>,
    %get3A_285 = arith.constant 240 : index
    %get3A_286 = tpu.vector_load %arg7[%get3A_285] {strides = array<i32>} : memref<512xi32, #tpu.memory_space<vmem>>, vector<16xi32>,
    %add3A_287 = arith.constant 500000 : i32
    %add3A_288 = vector.broadcast %add3A_287 : i32 to vector<16xi32>
    %add3A_289 = arith.addi %get3A_286, %add3A_288 : vector<16xi32>
    %swap3A_290 = arith.constant 240 : index
    %swap3A_291 = tpu.vector_load %arg7[%swap3A_290] {strides = array<i32>} : memref<512xi32, #tpu.memory_space<vmem>>, vector<16xi32>,
    tpu.vector_store %arg7[%swap3A_290], %add3A_289 {strides = array<i32>} : memref<512xi32, #tpu.memory_space<vmem>>, vector<16xi32>,
    %get3A_292 = arith.constant 240 : index
    %get3A_293 = tpu.vector_load %arg6[%get3A_292] {strides = array<i32>} : memref<512xi32, #tpu.memory_space<vmem>>, vector<16xi32>,
    %shift_right_logical3A_294 = arith.constant 1 : i32
    %shift_right_logical3A_295 = vector.broadcast %shift_right_logical3A_294 : i32 to vector<16xi32>
    %shift_right_logical3A_296 = arith.shrui %get3A_293, %shift_right_logical3A_295 : vector<16xi32>
    %swap3A_297 = arith.constant 240 : index
    %swap3A_298 = tpu.vector_load %arg8[%swap3A_297] {strides = array<i32>} : memref<512xi32, #tpu.memory_space<vmem>>, vector<16xi32>,
    tpu.vector_store %arg8[%swap3A_297], %shift_right_logical3A_296 {strides = array<i32>} : memref<512xi32, #tpu.memory_space<vmem>>, vector<16xi32>,
    %shift_right_logical3A_299 = arith.constant 1 : i32
    %shift_right_logical3A_300 = vector.broadcast %shift_right_logical3A_299 : i32 to vector<16xi32>
    %shift_right_logical3A_301 = arith.shrui %add3A_289, %shift_right_logical3A_300 : vector<16xi32>
    %swap3A_302 = arith.constant 240 : index
    %swap3A_303 = tpu.vector_load %arg9[%swap3A_302] {strides = array<i32>} : memref<512xi32, #tpu.memory_space<vmem>>, vector<16xi32>,
    tpu.vector_store %arg9[%swap3A_302], %shift_right_logical3A_301 {strides = array<i32>} : memref<512xi32, #tpu.memory_space<vmem>>, vector<16xi32>,
    %get3A_304 = arith.constant 256 : index
    %get3A_305 = tpu.vector_load %arg7[%get3A_304] {strides = array<i32>} : memref<512xi32, #tpu.memory_space<vmem>>, vector<16xi32>,
    %add3A_306 = arith.constant 500000 : i32
    %add3A_307 = vector.broadcast %add3A_306 : i32 to vector<16xi32>
    %add3A_308 = arith.addi %get3A_305, %add3A_307 : vector<16xi32>
    %swap3A_309 = arith.constant 256 : index
    %swap3A_310 = tpu.vector_load %arg7[%swap3A_309] {strides = array<i32>} : memref<512xi32, #tpu.memory_space<vmem>>, vector<16xi32>,
    tpu.vector_store %arg7[%swap3A_309], %add3A_308 {strides = array<i32>} : memref<512xi32, #tpu.memory_space<vmem>>, vector<16xi32>,
    %get3A_311 = arith.constant 256 : index
    %get3A_312 = tpu.vector_load %arg6[%get3A_311] {strides = array<i32>} : memref<512xi32, #tpu.memory_space<vmem>>, vector<16xi32>,
    %shift_right_logical3A_313 = arith.constant 1 : i32
    %shift_right_logical3A_314 = vector.broadcast %shift_right_logical3A_313 : i32 to vector<16xi32>
    %shift_right_logical3A_315 = arith.shrui %get3A_312, %shift_right_logical3A_314 : vector<16xi32>
    %swap3A_316 = arith.constant 256 : index
    %swap3A_317 = tpu.vector_load %arg8[%swap3A_316] {strides = array<i32>} : memref<512xi32, #tpu.memory_space<vmem>>, vector<16xi32>,
    tpu.vector_store %arg8[%swap3A_316], %shift_right_logical3A_315 {strides = array<i32>} : memref<512xi32, #tpu.memory_space<vmem>>, vector<16xi32>,
    %shift_right_logical3A_318 = arith.constant 1 : i32
    %shift_right_logical3A_319 = vector.broadcast %shift_right_logical3A_318 : i32 to vector<16xi32>
    %shift_right_logical3A_320 = arith.shrui %add3A_308, %shift_right_logical3A_319 : vector<16xi32>
    %swap3A_321 = arith.constant 256 : index
    %swap3A_322 = tpu.vector_load %arg9[%swap3A_321] {strides = array<i32>} : memref<512xi32, #tpu.memory_space<vmem>>, vector<16xi32>,
    tpu.vector_store %arg9[%swap3A_321], %shift_right_logical3A_320 {strides = array<i32>} : memref<512xi32, #tpu.memory_space<vmem>>, vector<16xi32>,
    %get3A_323 = arith.constant 272 : index
    %get3A_324 = tpu.vector_load %arg7[%get3A_323] {strides = array<i32>} : memref<512xi32, #tpu.memory_space<vmem>>, vector<16xi32>,
    %add3A_325 = arith.constant 500000 : i32
    %add3A_326 = vector.broadcast %add3A_325 : i32 to vector<16xi32>
    %add3A_327 = arith.addi %get3A_324, %add3A_326 : vector<16xi32>
    %swap3A_328 = arith.constant 272 : index
    %swap3A_329 = tpu.vector_load %arg7[%swap3A_328] {strides = array<i32>} : memref<512xi32, #tpu.memory_space<vmem>>, vector<16xi32>,
    tpu.vector_store %arg7[%swap3A_328], %add3A_327 {strides = array<i32>} : memref<512xi32, #tpu.memory_space<vmem>>, vector<16xi32>,
    %get3A_330 = arith.constant 272 : index
    %get3A_331 = tpu.vector_load %arg6[%get3A_330] {strides = array<i32>} : memref<512xi32, #tpu.memory_space<vmem>>, vector<16xi32>,
    %shift_right_logical3A_332 = arith.constant 1 : i32
    %shift_right_logical3A_333 = vector.broadcast %shift_right_logical3A_332 : i32 to vector<16xi32>
    %shift_right_logical3A_334 = arith.shrui %get3A_331, %shift_right_logical3A_333 : vector<16xi32>
    %swap3A_335 = arith.constant 272 : index
    %swap3A_336 = tpu.vector_load %arg8[%swap3A_335] {strides = array<i32>} : memref<512xi32, #tpu.memory_space<vmem>>, vector<16xi32>,
    tpu.vector_store %arg8[%swap3A_335], %shift_right_logical3A_334 {strides = array<i32>} : memref<512xi32, #tpu.memory_space<vmem>>, vector<16xi32>,
    %shift_right_logical3A_337 = arith.constant 1 : i32
    %shift_right_logical3A_338 = vector.broadcast %shift_right_logical3A_337 : i32 to vector<16xi32>
    %shift_right_logical3A_339 = arith.shrui %add3A_327, %shift_right_logical3A_338 : vector<16xi32>
    %swap3A_340 = arith.constant 272 : index
    %swap3A_341 = tpu.vector_load %arg9[%swap3A_340] {strides = array<i32>} : memref<512xi32, #tpu.memory_space<vmem>>, vector<16xi32>,
    tpu.vector_store %arg9[%swap3A_340], %shift_right_logical3A_339 {strides = array<i32>} : memref<512xi32, #tpu.memory_space<vmem>>, vector<16xi32>,
    %get3A_342 = arith.constant 288 : index
    %get3A_343 = tpu.vector_load %arg7[%get3A_342] {strides = array<i32>} : memref<512xi32, #tpu.memory_space<vmem>>, vector<16xi32>,
    %add3A_344 = arith.constant 500000 : i32
    %add3A_345 = vector.broadcast %add3A_344 : i32 to vector<16xi32>
    %add3A_346 = arith.addi %get3A_343, %add3A_345 : vector<16xi32>
    %swap3A_347 = arith.constant 288 : index
    %swap3A_348 = tpu.vector_load %arg7[%swap3A_347] {strides = array<i32>} : memref<512xi32, #tpu.memory_space<vmem>>, vector<16xi32>,
    tpu.vector_store %arg7[%swap3A_347], %add3A_346 {strides = array<i32>} : memref<512xi32, #tpu.memory_space<vmem>>, vector<16xi32>,
    %get3A_349 = arith.constant 288 : index
    %get3A_350 = tpu.vector_load %arg6[%get3A_349] {strides = array<i32>} : memref<512xi32, #tpu.memory_space<vmem>>, vector<16xi32>,
    %shift_right_logical3A_351 = arith.constant 1 : i32
    %shift_right_logical3A_352 = vector.broadcast %shift_right_logical3A_351 : i32 to vector<16xi32>
    %shift_right_logical3A_353 = arith.shrui %get3A_350, %shift_right_logical3A_352 : vector<16xi32>
    %swap3A_354 = arith.constant 288 : index
    %swap3A_355 = tpu.vector_load %arg8[%swap3A_354] {strides = array<i32>} : memref<512xi32, #tpu.memory_space<vmem>>, vector<16xi32>,
    tpu.vector_store %arg8[%swap3A_354], %shift_right_logical3A_353 {strides = array<i32>} : memref<512xi32, #tpu.memory_space<vmem>>, vector<16xi32>,
    %shift_right_logical3A_356 = arith.constant 1 : i32
    %shift_right_logical3A_357 = vector.broadcast %shift_right_logical3A_356 : i32 to vector<16xi32>
    %shift_right_logical3A_358 = arith.shrui %add3A_346, %shift_right_logical3A_357 : vector<16xi32>
    %swap3A_359 = arith.constant 288 : index
    %swap3A_360 = tpu.vector_load %arg9[%swap3A_359] {strides = array<i32>} : memref<512xi32, #tpu.memory_space<vmem>>, vector<16xi32>,
    tpu.vector_store %arg9[%swap3A_359], %shift_right_logical3A_358 {strides = array<i32>} : memref<512xi32, #tpu.memory_space<vmem>>, vector<16xi32>,
    %get3A_361 = arith.constant 304 : index
    %get3A_362 = tpu.vector_load %arg7[%get3A_361] {strides = array<i32>} : memref<512xi32, #tpu.memory_space<vmem>>, vector<16xi32>,
    %add3A_363 = arith.constant 500000 : i32
    %add3A_364 = vector.broadcast %add3A_363 : i32 to vector<16xi32>
    %add3A_365 = arith.addi %get3A_362, %add3A_364 : vector<16xi32>
    %swap3A_366 = arith.constant 304 : index
    %swap3A_367 = tpu.vector_load %arg7[%swap3A_366] {strides = array<i32>} : memref<512xi32, #tpu.memory_space<vmem>>, vector<16xi32>,
    tpu.vector_store %arg7[%swap3A_366], %add3A_365 {strides = array<i32>} : memref<512xi32, #tpu.memory_space<vmem>>, vector<16xi32>,
    %get3A_368 = arith.constant 304 : index
    %get3A_369 = tpu.vector_load %arg6[%get3A_368] {strides = array<i32>} : memref<512xi32, #tpu.memory_space<vmem>>, vector<16xi32>,
    %shift_right_logical3A_370 = arith.constant 1 : i32
    %shift_right_logical3A_371 = vector.broadcast %shift_right_logical3A_370 : i32 to vector<16xi32>
    %shift_right_logical3A_372 = arith.shrui %get3A_369, %shift_right_logical3A_371 : vector<16xi32>
    %swap3A_373 = arith.constant 304 : index
    %swap3A_374 = tpu.vector_load %arg8[%swap3A_373] {strides = array<i32>} : memref<512xi32, #tpu.memory_space<vmem>>, vector<16xi32>,
    tpu.vector_store %arg8[%swap3A_373], %shift_right_logical3A_372 {strides = array<i32>} : memref<512xi32, #tpu.memory_space<vmem>>, vector<16xi32>,
    %shift_right_logical3A_375 = arith.constant 1 : i32
    %shift_right_logical3A_376 = vector.broadcast %shift_right_logical3A_375 : i32 to vector<16xi32>
    %shift_right_logical3A_377 = arith.shrui %add3A_365, %shift_right_logical3A_376 : vector<16xi32>
    %swap3A_378 = arith.constant 304 : index
    %swap3A_379 = tpu.vector_load %arg9[%swap3A_378] {strides = array<i32>} : memref<512xi32, #tpu.memory_space<vmem>>, vector<16xi32>,
    tpu.vector_store %arg9[%swap3A_378], %shift_right_logical3A_377 {strides = array<i32>} : memref<512xi32, #tpu.memory_space<vmem>>, vector<16xi32>,
    %get3A_380 = arith.constant 320 : index
    %get3A_381 = tpu.vector_load %arg7[%get3A_380] {strides = array<i32>} : memref<512xi32, #tpu.memory_space<vmem>>, vector<16xi32>,
    %add3A_382 = arith.constant 500000 : i32
    %add3A_383 = vector.broadcast %add3A_382 : i32 to vector<16xi32>
    %add3A_384 = arith.addi %get3A_381, %add3A_383 : vector<16xi32>
    %swap3A_385 = arith.constant 320 : index
    %swap3A_386 = tpu.vector_load %arg7[%swap3A_385] {strides = array<i32>} : memref<512xi32, #tpu.memory_space<vmem>>, vector<16xi32>,
    tpu.vector_store %arg7[%swap3A_385], %add3A_384 {strides = array<i32>} : memref<512xi32, #tpu.memory_space<vmem>>, vector<16xi32>,
    %get3A_387 = arith.constant 320 : index
    %get3A_388 = tpu.vector_load %arg6[%get3A_387] {strides = array<i32>} : memref<512xi32, #tpu.memory_space<vmem>>, vector<16xi32>,
    %shift_right_logical3A_389 = arith.constant 1 : i32
    %shift_right_logical3A_390 = vector.broadcast %shift_right_logical3A_389 : i32 to vector<16xi32>
    %shift_right_logical3A_391 = arith.shrui %get3A_388, %shift_right_logical3A_390 : vector<16xi32>
    %swap3A_392 = arith.constant 320 : index
    %swap3A_393 = tpu.vector_load %arg8[%swap3A_392] {strides = array<i32>} : memref<512xi32, #tpu.memory_space<vmem>>, vector<16xi32>,
    tpu.vector_store %arg8[%swap3A_392], %shift_right_logical3A_391 {strides = array<i32>} : memref<512xi32, #tpu.memory_space<vmem>>, vector<16xi32>,
    %shift_right_logical3A_394 = arith.constant 1 : i32
    %shift_right_logical3A_395 = vector.broadcast %shift_right_logical3A_394 : i32 to vector<16xi32>
    %shift_right_logical3A_396 = arith.shrui %add3A_384, %shift_right_logical3A_395 : vector<16xi32>
    %swap3A_397 = arith.constant 320 : index
    %swap3A_398 = tpu.vector_load %arg9[%swap3A_397] {strides = array<i32>} : memref<512xi32, #tpu.memory_space<vmem>>, vector<16xi32>,
    tpu.vector_store %arg9[%swap3A_397], %shift_right_logical3A_396 {strides = array<i32>} : memref<512xi32, #tpu.memory_space<vmem>>, vector<16xi32>,
    %get3A_399 = arith.constant 336 : index
    %get3A_400 = tpu.vector_load %arg7[%get3A_399] {strides = array<i32>} : memref<512xi32, #tpu.memory_space<vmem>>, vector<16xi32>,
    %add3A_401 = arith.constant 500000 : i32
    %add3A_402 = vector.broadcast %add3A_401 : i32 to vector<16xi32>
    %add3A_403 = arith.addi %get3A_400, %add3A_402 : vector<16xi32>
    %swap3A_404 = arith.constant 336 : index
    %swap3A_405 = tpu.vector_load %arg7[%swap3A_404] {strides = array<i32>} : memref<512xi32, #tpu.memory_space<vmem>>, vector<16xi32>,
    tpu.vector_store %arg7[%swap3A_404], %add3A_403 {strides = array<i32>} : memref<512xi32, #tpu.memory_space<vmem>>, vector<16xi32>,
    %get3A_406 = arith.constant 336 : index
    %get3A_407 = tpu.vector_load %arg6[%get3A_406] {strides = array<i32>} : memref<512xi32, #tpu.memory_space<vmem>>, vector<16xi32>,
    %shift_right_logical3A_408 = arith.constant 1 : i32
    %shift_right_logical3A_409 = vector.broadcast %shift_right_logical3A_408 : i32 to vector<16xi32>
    %shift_right_logical3A_410 = arith.shrui %get3A_407, %shift_right_logical3A_409 : vector<16xi32>
    %swap3A_411 = arith.constant 336 : index
    %swap3A_412 = tpu.vector_load %arg8[%swap3A_411] {strides = array<i32>} : memref<512xi32, #tpu.memory_space<vmem>>, vector<16xi32>,
    tpu.vector_store %arg8[%swap3A_411], %shift_right_logical3A_410 {strides = array<i32>} : memref<512xi32, #tpu.memory_space<vmem>>, vector<16xi32>,
    %shift_right_logical3A_413 = arith.constant 1 : i32
    %shift_right_logical3A_414 = vector.broadcast %shift_right_logical3A_413 : i32 to vector<16xi32>
    %shift_right_logical3A_415 = arith.shrui %add3A_403, %shift_right_logical3A_414 : vector<16xi32>
    %swap3A_416 = arith.constant 336 : index
    %swap3A_417 = tpu.vector_load %arg9[%swap3A_416] {strides = array<i32>} : memref<512xi32, #tpu.memory_space<vmem>>, vector<16xi32>,
    tpu.vector_store %arg9[%swap3A_416], %shift_right_logical3A_415 {strides = array<i32>} : memref<512xi32, #tpu.memory_space<vmem>>, vector<16xi32>,
    %get3A_418 = arith.constant 352 : index
    %get3A_419 = tpu.vector_load %arg7[%get3A_418] {strides = array<i32>} : memref<512xi32, #tpu.memory_space<vmem>>, vector<16xi32>,
    %add3A_420 = arith.constant 500000 : i32
    %add3A_421 = vector.broadcast %add3A_420 : i32 to vector<16xi32>
    %add3A_422 = arith.addi %get3A_419, %add3A_421 : vector<16xi32>
    %swap3A_423 = arith.constant 352 : index
    %swap3A_424 = tpu.vector_load %arg7[%swap3A_423] {strides = array<i32>} : memref<512xi32, #tpu.memory_space<vmem>>, vector<16xi32>,
    tpu.vector_store %arg7[%swap3A_423], %add3A_422 {strides = array<i32>} : memref<512xi32, #tpu.memory_space<vmem>>, vector<16xi32>,
    %get3A_425 = arith.constant 352 : index
    %get3A_426 = tpu.vector_load %arg6[%get3A_425] {strides = array<i32>} : memref<512xi32, #tpu.memory_space<vmem>>, vector<16xi32>,
    %shift_right_logical3A_427 = arith.constant 1 : i32
    %shift_right_logical3A_428 = vector.broadcast %shift_right_logical3A_427 : i32 to vector<16xi32>
    %shift_right_logical3A_429 = arith.shrui %get3A_426, %shift_right_logical3A_428 : vector<16xi32>
    %swap3A_430 = arith.constant 352 : index
    %swap3A_431 = tpu.vector_load %arg8[%swap3A_430] {strides = array<i32>} : memref<512xi32, #tpu.memory_space<vmem>>, vector<16xi32>,
    tpu.vector_store %arg8[%swap3A_430], %shift_right_logical3A_429 {strides = array<i32>} : memref<512xi32, #tpu.memory_space<vmem>>, vector<16xi32>,
    %shift_right_logical3A_432 = arith.constant 1 : i32
    %shift_right_logical3A_433 = vector.broadcast %shift_right_logical3A_432 : i32 to vector<16xi32>
    %shift_right_logical3A_434 = arith.shrui %add3A_422, %shift_right_logical3A_433 : vector<16xi32>
    %swap3A_435 = arith.constant 352 : index
    %swap3A_436 = tpu.vector_load %arg9[%swap3A_435] {strides = array<i32>} : memref<512xi32, #tpu.memory_space<vmem>>, vector<16xi32>,
    tpu.vector_store %arg9[%swap3A_435], %shift_right_logical3A_434 {strides = array<i32>} : memref<512xi32, #tpu.memory_space<vmem>>, vector<16xi32>,
    %get3A_437 = arith.constant 368 : index
    %get3A_438 = tpu.vector_load %arg7[%get3A_437] {strides = array<i32>} : memref<512xi32, #tpu.memory_space<vmem>>, vector<16xi32>,
    %add3A_439 = arith.constant 500000 : i32
    %add3A_440 = vector.broadcast %add3A_439 : i32 to vector<16xi32>
    %add3A_441 = arith.addi %get3A_438, %add3A_440 : vector<16xi32>
    %swap3A_442 = arith.constant 368 : index
    %swap3A_443 = tpu.vector_load %arg7[%swap3A_442] {strides = array<i32>} : memref<512xi32, #tpu.memory_space<vmem>>, vector<16xi32>,
    tpu.vector_store %arg7[%swap3A_442], %add3A_441 {strides = array<i32>} : memref<512xi32, #tpu.memory_space<vmem>>, vector<16xi32>,
    %get3A_444 = arith.constant 368 : index
    %get3A_445 = tpu.vector_load %arg6[%get3A_444] {strides = array<i32>} : memref<512xi32, #tpu.memory_space<vmem>>, vector<16xi32>,
    %shift_right_logical3A_446 = arith.constant 1 : i32
    %shift_right_logical3A_447 = vector.broadcast %shift_right_logical3A_446 : i32 to vector<16xi32>
    %shift_right_logical3A_448 = arith.shrui %get3A_445, %shift_right_logical3A_447 : vector<16xi32>
    %swap3A_449 = arith.constant 368 : index
    %swap3A_450 = tpu.vector_load %arg8[%swap3A_449] {strides = array<i32>} : memref<512xi32, #tpu.memory_space<vmem>>, vector<16xi32>,
    tpu.vector_store %arg8[%swap3A_449], %shift_right_logical3A_448 {strides = array<i32>} : memref<512xi32, #tpu.memory_space<vmem>>, vector<16xi32>,
    %shift_right_logical3A_451 = arith.constant 1 : i32
    %shift_right_logical3A_452 = vector.broadcast %shift_right_logical3A_451 : i32 to vector<16xi32>
    %shift_right_logical3A_453 = arith.shrui %add3A_441, %shift_right_logical3A_452 : vector<16xi32>
    %swap3A_454 = arith.constant 368 : index
    %swap3A_455 = tpu.vector_load %arg9[%swap3A_454] {strides = array<i32>} : memref<512xi32, #tpu.memory_space<vmem>>, vector<16xi32>,
    tpu.vector_store %arg9[%swap3A_454], %shift_right_logical3A_453 {strides = array<i32>} : memref<512xi32, #tpu.memory_space<vmem>>, vector<16xi32>,
    %get3A_456 = arith.constant 384 : index
    %get3A_457 = tpu.vector_load %arg7[%get3A_456] {strides = array<i32>} : memref<512xi32, #tpu.memory_space<vmem>>, vector<16xi32>,
    %add3A_458 = arith.constant 500000 : i32
    %add3A_459 = vector.broadcast %add3A_458 : i32 to vector<16xi32>
    %add3A_460 = arith.addi %get3A_457, %add3A_459 : vector<16xi32>
    %swap3A_461 = arith.constant 384 : index
    %swap3A_462 = tpu.vector_load %arg7[%swap3A_461] {strides = array<i32>} : memref<512xi32, #tpu.memory_space<vmem>>, vector<16xi32>,
    tpu.vector_store %arg7[%swap3A_461], %add3A_460 {strides = array<i32>} : memref<512xi32, #tpu.memory_space<vmem>>, vector<16xi32>,
    %get3A_463 = arith.constant 384 : index
    %get3A_464 = tpu.vector_load %arg6[%get3A_463] {strides = array<i32>} : memref<512xi32, #tpu.memory_space<vmem>>, vector<16xi32>,
    %shift_right_logical3A_465 = arith.constant 1 : i32
    %shift_right_logical3A_466 = vector.broadcast %shift_right_logical3A_465 : i32 to vector<16xi32>
    %shift_right_logical3A_467 = arith.shrui %get3A_464, %shift_right_logical3A_466 : vector<16xi32>
    %swap3A_468 = arith.constant 384 : index
    %swap3A_469 = tpu.vector_load %arg8[%swap3A_468] {strides = array<i32>} : memref<512xi32, #tpu.memory_space<vmem>>, vector<16xi32>,
    tpu.vector_store %arg8[%swap3A_468], %shift_right_logical3A_467 {strides = array<i32>} : memref<512xi32, #tpu.memory_space<vmem>>, vector<16xi32>,
    %shift_right_logical3A_470 = arith.constant 1 : i32
    %shift_right_logical3A_471 = vector.broadcast %shift_right_logical3A_470 : i32 to vector<16xi32>
    %shift_right_logical3A_472 = arith.shrui %add3A_460, %shift_right_logical3A_471 : vector<16xi32>
    %swap3A_473 = arith.constant 384 : index
    %swap3A_474 = tpu.vector_load %arg9[%swap3A_473] {strides = array<i32>} : memref<512xi32, #tpu.memory_space<vmem>>, vector<16xi32>,
    tpu.vector_store %arg9[%swap3A_473], %shift_right_logical3A_472 {strides = array<i32>} : memref<512xi32, #tpu.memory_space<vmem>>, vector<16xi32>,
    %get3A_475 = arith.constant 400 : index
    %get3A_476 = tpu.vector_load %arg7[%get3A_475] {strides = array<i32>} : memref<512xi32, #tpu.memory_space<vmem>>, vector<16xi32>,
    %add3A_477 = arith.constant 500000 : i32
    %add3A_478 = vector.broadcast %add3A_477 : i32 to vector<16xi32>
    %add3A_479 = arith.addi %get3A_476, %add3A_478 : vector<16xi32>
    %swap3A_480 = arith.constant 400 : index
    %swap3A_481 = tpu.vector_load %arg7[%swap3A_480] {strides = array<i32>} : memref<512xi32, #tpu.memory_space<vmem>>, vector<16xi32>,
    tpu.vector_store %arg7[%swap3A_480], %add3A_479 {strides = array<i32>} : memref<512xi32, #tpu.memory_space<vmem>>, vector<16xi32>,
    %get3A_482 = arith.constant 400 : index
    %get3A_483 = tpu.vector_load %arg6[%get3A_482] {strides = array<i32>} : memref<512xi32, #tpu.memory_space<vmem>>, vector<16xi32>,
    %shift_right_logical3A_484 = arith.constant 1 : i32
    %shift_right_logical3A_485 = vector.broadcast %shift_right_logical3A_484 : i32 to vector<16xi32>
    %shift_right_logical3A_486 = arith.shrui %get3A_483, %shift_right_logical3A_485 : vector<16xi32>
    %swap3A_487 = arith.constant 400 : index
    %swap3A_488 = tpu.vector_load %arg8[%swap3A_487] {strides = array<i32>} : memref<512xi32, #tpu.memory_space<vmem>>, vector<16xi32>,
    tpu.vector_store %arg8[%swap3A_487], %shift_right_logical3A_486 {strides = array<i32>} : memref<512xi32, #tpu.memory_space<vmem>>, vector<16xi32>,
    %shift_right_logical3A_489 = arith.constant 1 : i32
    %shift_right_logical3A_490 = vector.broadcast %shift_right_logical3A_489 : i32 to vector<16xi32>
    %shift_right_logical3A_491 = arith.shrui %add3A_479, %shift_right_logical3A_490 : vector<16xi32>
    %swap3A_492 = arith.constant 400 : index
    %swap3A_493 = tpu.vector_load %arg9[%swap3A_492] {strides = array<i32>} : memref<512xi32, #tpu.memory_space<vmem>>, vector<16xi32>,
    tpu.vector_store %arg9[%swap3A_492], %shift_right_logical3A_491 {strides = array<i32>} : memref<512xi32, #tpu.memory_space<vmem>>, vector<16xi32>,
    %get3A_494 = arith.constant 416 : index
    %get3A_495 = tpu.vector_load %arg7[%get3A_494] {strides = array<i32>} : memref<512xi32, #tpu.memory_space<vmem>>, vector<16xi32>,
    %add3A_496 = arith.constant 500000 : i32
    %add3A_497 = vector.broadcast %add3A_496 : i32 to vector<16xi32>
    %add3A_498 = arith.addi %get3A_495, %add3A_497 : vector<16xi32>
    %swap3A_499 = arith.constant 416 : index
    %swap3A_500 = tpu.vector_load %arg7[%swap3A_499] {strides = array<i32>} : memref<512xi32, #tpu.memory_space<vmem>>, vector<16xi32>,
    tpu.vector_store %arg7[%swap3A_499], %add3A_498 {strides = array<i32>} : memref<512xi32, #tpu.memory_space<vmem>>, vector<16xi32>,
    %get3A_501 = arith.constant 416 : index
    %get3A_502 = tpu.vector_load %arg6[%get3A_501] {strides = array<i32>} : memref<512xi32, #tpu.memory_space<vmem>>, vector<16xi32>,
    %shift_right_logical3A_503 = arith.constant 1 : i32
    %shift_right_logical3A_504 = vector.broadcast %shift_right_logical3A_503 : i32 to vector<16xi32>
    %shift_right_logical3A_505 = arith.shrui %get3A_502, %shift_right_logical3A_504 : vector<16xi32>
    %swap3A_506 = arith.constant 416 : index
    %swap3A_507 = tpu.vector_load %arg8[%swap3A_506] {strides = array<i32>} : memref<512xi32, #tpu.memory_space<vmem>>, vector<16xi32>,
    tpu.vector_store %arg8[%swap3A_506], %shift_right_logical3A_505 {strides = array<i32>} : memref<512xi32, #tpu.memory_space<vmem>>, vector<16xi32>,
    %shift_right_logical3A_508 = arith.constant 1 : i32
    %shift_right_logical3A_509 = vector.broadcast %shift_right_logical3A_508 : i32 to vector<16xi32>
    %shift_right_logical3A_510 = arith.shrui %add3A_498, %shift_right_logical3A_509 : vector<16xi32>
    %swap3A_511 = arith.constant 416 : index
    %swap3A_512 = tpu.vector_load %arg9[%swap3A_511] {strides = array<i32>} : memref<512xi32, #tpu.memory_space<vmem>>, vector<16xi32>,
    tpu.vector_store %arg9[%swap3A_511], %shift_right_logical3A_510 {strides = array<i32>} : memref<512xi32, #tpu.memory_space<vmem>>, vector<16xi32>,
    %get3A_513 = arith.constant 432 : index
    %get3A_514 = tpu.vector_load %arg7[%get3A_513] {strides = array<i32>} : memref<512xi32, #tpu.memory_space<vmem>>, vector<16xi32>,
    %add3A_515 = arith.constant 500000 : i32
    %add3A_516 = vector.broadcast %add3A_515 : i32 to vector<16xi32>
    %add3A_517 = arith.addi %get3A_514, %add3A_516 : vector<16xi32>
    %swap3A_518 = arith.constant 432 : index
    %swap3A_519 = tpu.vector_load %arg7[%swap3A_518] {strides = array<i32>} : memref<512xi32, #tpu.memory_space<vmem>>, vector<16xi32>,
    tpu.vector_store %arg7[%swap3A_518], %add3A_517 {strides = array<i32>} : memref<512xi32, #tpu.memory_space<vmem>>, vector<16xi32>,
    %get3A_520 = arith.constant 432 : index
    %get3A_521 = tpu.vector_load %arg6[%get3A_520] {strides = array<i32>} : memref<512xi32, #tpu.memory_space<vmem>>, vector<16xi32>,
    %shift_right_logical3A_522 = arith.constant 1 : i32
    %shift_right_logical3A_523 = vector.broadcast %shift_right_logical3A_522 : i32 to vector<16xi32>
    %shift_right_logical3A_524 = arith.shrui %get3A_521, %shift_right_logical3A_523 : vector<16xi32>
    %swap3A_525 = arith.constant 432 : index
    %swap3A_526 = tpu.vector_load %arg8[%swap3A_525] {strides = array<i32>} : memref<512xi32, #tpu.memory_space<vmem>>, vector<16xi32>,
    tpu.vector_store %arg8[%swap3A_525], %shift_right_logical3A_524 {strides = array<i32>} : memref<512xi32, #tpu.memory_space<vmem>>, vector<16xi32>,
    %shift_right_logical3A_527 = arith.constant 1 : i32
    %shift_right_logical3A_528 = vector.broadcast %shift_right_logical3A_527 : i32 to vector<16xi32>
    %shift_right_logical3A_529 = arith.shrui %add3A_517, %shift_right_logical3A_528 : vector<16xi32>
    %swap3A_530 = arith.constant 432 : index
    %swap3A_531 = tpu.vector_load %arg9[%swap3A_530] {strides = array<i32>} : memref<512xi32, #tpu.memory_space<vmem>>, vector<16xi32>,
    tpu.vector_store %arg9[%swap3A_530], %shift_right_logical3A_529 {strides = array<i32>} : memref<512xi32, #tpu.memory_space<vmem>>, vector<16xi32>,
    %get3A_532 = arith.constant 448 : index
    %get3A_533 = tpu.vector_load %arg7[%get3A_532] {strides = array<i32>} : memref<512xi32, #tpu.memory_space<vmem>>, vector<16xi32>,
    %add3A_534 = arith.constant 500000 : i32
    %add3A_535 = vector.broadcast %add3A_534 : i32 to vector<16xi32>
    %add3A_536 = arith.addi %get3A_533, %add3A_535 : vector<16xi32>
    %swap3A_537 = arith.constant 448 : index
    %swap3A_538 = tpu.vector_load %arg7[%swap3A_537] {strides = array<i32>} : memref<512xi32, #tpu.memory_space<vmem>>, vector<16xi32>,
    tpu.vector_store %arg7[%swap3A_537], %add3A_536 {strides = array<i32>} : memref<512xi32, #tpu.memory_space<vmem>>, vector<16xi32>,
    %get3A_539 = arith.constant 448 : index
    %get3A_540 = tpu.vector_load %arg6[%get3A_539] {strides = array<i32>} : memref<512xi32, #tpu.memory_space<vmem>>, vector<16xi32>,
    %shift_right_logical3A_541 = arith.constant 1 : i32
    %shift_right_logical3A_542 = vector.broadcast %shift_right_logical3A_541 : i32 to vector<16xi32>
    %shift_right_logical3A_543 = arith.shrui %get3A_540, %shift_right_logical3A_542 : vector<16xi32>
    %swap3A_544 = arith.constant 448 : index
    %swap3A_545 = tpu.vector_load %arg8[%swap3A_544] {strides = array<i32>} : memref<512xi32, #tpu.memory_space<vmem>>, vector<16xi32>,
    tpu.vector_store %arg8[%swap3A_544], %shift_right_logical3A_543 {strides = array<i32>} : memref<512xi32, #tpu.memory_space<vmem>>, vector<16xi32>,
    %shift_right_logical3A_546 = arith.constant 1 : i32
    %shift_right_logical3A_547 = vector.broadcast %shift_right_logical3A_546 : i32 to vector<16xi32>
    %shift_right_logical3A_548 = arith.shrui %add3A_536, %shift_right_logical3A_547 : vector<16xi32>
    %swap3A_549 = arith.constant 448 : index
    %swap3A_550 = tpu.vector_load %arg9[%swap3A_549] {strides = array<i32>} : memref<512xi32, #tpu.memory_space<vmem>>, vector<16xi32>,
    tpu.vector_store %arg9[%swap3A_549], %shift_right_logical3A_548 {strides = array<i32>} : memref<512xi32, #tpu.memory_space<vmem>>, vector<16xi32>,
    %get3A_551 = arith.constant 464 : index
    %get3A_552 = tpu.vector_load %arg7[%get3A_551] {strides = array<i32>} : memref<512xi32, #tpu.memory_space<vmem>>, vector<16xi32>,
    %add3A_553 = arith.constant 500000 : i32
    %add3A_554 = vector.broadcast %add3A_553 : i32 to vector<16xi32>
    %add3A_555 = arith.addi %get3A_552, %add3A_554 : vector<16xi32>
    %swap3A_556 = arith.constant 464 : index
    %swap3A_557 = tpu.vector_load %arg7[%swap3A_556] {strides = array<i32>} : memref<512xi32, #tpu.memory_space<vmem>>, vector<16xi32>,
    tpu.vector_store %arg7[%swap3A_556], %add3A_555 {strides = array<i32>} : memref<512xi32, #tpu.memory_space<vmem>>, vector<16xi32>,
    %get3A_558 = arith.constant 464 : index
    %get3A_559 = tpu.vector_load %arg6[%get3A_558] {strides = array<i32>} : memref<512xi32, #tpu.memory_space<vmem>>, vector<16xi32>,
    %shift_right_logical3A_560 = arith.constant 1 : i32
    %shift_right_logical3A_561 = vector.broadcast %shift_right_logical3A_560 : i32 to vector<16xi32>
    %shift_right_logical3A_562 = arith.shrui %get3A_559, %shift_right_logical3A_561 : vector<16xi32>
    %swap3A_563 = arith.constant 464 : index
    %swap3A_564 = tpu.vector_load %arg8[%swap3A_563] {strides = array<i32>} : memref<512xi32, #tpu.memory_space<vmem>>, vector<16xi32>,
    tpu.vector_store %arg8[%swap3A_563], %shift_right_logical3A_562 {strides = array<i32>} : memref<512xi32, #tpu.memory_space<vmem>>, vector<16xi32>,
    %shift_right_logical3A_565 = arith.constant 1 : i32
    %shift_right_logical3A_566 = vector.broadcast %shift_right_logical3A_565 : i32 to vector<16xi32>
    %shift_right_logical3A_567 = arith.shrui %add3A_555, %shift_right_logical3A_566 : vector<16xi32>
    %swap3A_568 = arith.constant 464 : index
    %swap3A_569 = tpu.vector_load %arg9[%swap3A_568] {strides = array<i32>} : memref<512xi32, #tpu.memory_space<vmem>>, vector<16xi32>,
    tpu.vector_store %arg9[%swap3A_568], %shift_right_logical3A_567 {strides = array<i32>} : memref<512xi32, #tpu.memory_space<vmem>>, vector<16xi32>,
    %get3A_570 = arith.constant 480 : index
    %get3A_571 = tpu.vector_load %arg7[%get3A_570] {strides = array<i32>} : memref<512xi32, #tpu.memory_space<vmem>>, vector<16xi32>,
    %add3A_572 = arith.constant 500000 : i32
    %add3A_573 = vector.broadcast %add3A_572 : i32 to vector<16xi32>
    %add3A_574 = arith.addi %get3A_571, %add3A_573 : vector<16xi32>
    %swap3A_575 = arith.constant 480 : index
    %swap3A_576 = tpu.vector_load %arg7[%swap3A_575] {strides = array<i32>} : memref<512xi32, #tpu.memory_space<vmem>>, vector<16xi32>,
    tpu.vector_store %arg7[%swap3A_575], %add3A_574 {strides = array<i32>} : memref<512xi32, #tpu.memory_space<vmem>>, vector<16xi32>,
    %get3A_577 = arith.constant 480 : index
    %get3A_578 = tpu.vector_load %arg6[%get3A_577] {strides = array<i32>} : memref<512xi32, #tpu.memory_space<vmem>>, vector<16xi32>,
    %shift_right_logical3A_579 = arith.constant 1 : i32
    %shift_right_logical3A_580 = vector.broadcast %shift_right_logical3A_579 : i32 to vector<16xi32>
    %shift_right_logical3A_581 = arith.shrui %get3A_578, %shift_right_logical3A_580 : vector<16xi32>
    %swap3A_582 = arith.constant 480 : index
    %swap3A_583 = tpu.vector_load %arg8[%swap3A_582] {strides = array<i32>} : memref<512xi32, #tpu.memory_space<vmem>>, vector<16xi32>,
    tpu.vector_store %arg8[%swap3A_582], %shift_right_logical3A_581 {strides = array<i32>} : memref<512xi32, #tpu.memory_space<vmem>>, vector<16xi32>,
    %shift_right_logical3A_584 = arith.constant 1 : i32
    %shift_right_logical3A_585 = vector.broadcast %shift_right_logical3A_584 : i32 to vector<16xi32>
    %shift_right_logical3A_586 = arith.shrui %add3A_574, %shift_right_logical3A_585 : vector<16xi32>
    %swap3A_587 = arith.constant 480 : index
    %swap3A_588 = tpu.vector_load %arg9[%swap3A_587] {strides = array<i32>} : memref<512xi32, #tpu.memory_space<vmem>>, vector<16xi32>,
    tpu.vector_store %arg9[%swap3A_587], %shift_right_logical3A_586 {strides = array<i32>} : memref<512xi32, #tpu.memory_space<vmem>>, vector<16xi32>,
    %get3A_589 = arith.constant 496 : index
    %get3A_590 = tpu.vector_load %arg7[%get3A_589] {strides = array<i32>} : memref<512xi32, #tpu.memory_space<vmem>>, vector<16xi32>,
    %add3A_591 = arith.constant 500000 : i32
    %add3A_592 = vector.broadcast %add3A_591 : i32 to vector<16xi32>
    %add3A_593 = arith.addi %get3A_590, %add3A_592 : vector<16xi32>
    %swap3A_594 = arith.constant 496 : index
    %swap3A_595 = tpu.vector_load %arg7[%swap3A_594] {strides = array<i32>} : memref<512xi32, #tpu.memory_space<vmem>>, vector<16xi32>,
    tpu.vector_store %arg7[%swap3A_594], %add3A_593 {strides = array<i32>} : memref<512xi32, #tpu.memory_space<vmem>>, vector<16xi32>,
    %get3A_596 = arith.constant 496 : index
    %get3A_597 = tpu.vector_load %arg6[%get3A_596] {strides = array<i32>} : memref<512xi32, #tpu.memory_space<vmem>>, vector<16xi32>,
    %shift_right_logical3A_598 = arith.constant 1 : i32
    %shift_right_logical3A_599 = vector.broadcast %shift_right_logical3A_598 : i32 to vector<16xi32>
    %shift_right_logical3A_600 = arith.shrui %get3A_597, %shift_right_logical3A_599 : vector<16xi32>
    %swap3A_601 = arith.constant 496 : index
    %swap3A_602 = tpu.vector_load %arg8[%swap3A_601] {strides = array<i32>} : memref<512xi32, #tpu.memory_space<vmem>>, vector<16xi32>,
    tpu.vector_store %arg8[%swap3A_601], %shift_right_logical3A_600 {strides = array<i32>} : memref<512xi32, #tpu.memory_space<vmem>>, vector<16xi32>,
    %shift_right_logical3A_603 = arith.constant 1 : i32
    %shift_right_logical3A_604 = vector.broadcast %shift_right_logical3A_603 : i32 to vector<16xi32>
    %shift_right_logical3A_605 = arith.shrui %add3A_593, %shift_right_logical3A_604 : vector<16xi32>
    %swap3A_606 = arith.constant 496 : index
    %swap3A_607 = tpu.vector_load %arg9[%swap3A_606] {strides = array<i32>} : memref<512xi32, #tpu.memory_space<vmem>>, vector<16xi32>,
    tpu.vector_store %arg9[%swap3A_606], %shift_right_logical3A_605 {strides = array<i32>} : memref<512xi32, #tpu.memory_space<vmem>>, vector<16xi32>,
    %iota3A = tpu.iota {dimensions = array<i32: 0>} : vector<16xi32>
    %dma_start3A = arith.constant 0 : i32
    %dma_start3A_608 = tpu.memref_slice %arg8[%dma_start3A] : memref<512xi32, #tpu.memory_space<vmem>> -> memref<128xi32, #tpu.memory_space<vmem>>
    %dma_start3A_609 = arith.constant 0 : i32
    %dma_start3A_610 = arith.constant 0 : i32
    %dma_start3A_611 = tpu.memref_slice %arg2[%dma_start3A_609, %dma_start3A_610] : memref<500000x128xf32, #tpu.memory_space<hbm>> -> memref<500000x128xf32, #tpu.memory_space<hbm>>
    tpu.enqueue_indirect_dma source(%dma_start3A_611 : memref<500000x128xf32, #tpu.memory_space<hbm>>) target(%arg10 : memref<128x128xf32, #tpu.memory_space<vmem>>) offsets(%dma_start3A_608 : memref<128xi32, #tpu.memory_space<vmem>>) semaphore(%arg15 : memref<!tpu.dma_semaphore, #tpu.memory_space<semaphore_mem>>)
    %dma_start3A_612 = arith.constant 0 : i32
    %dma_start3A_613 = tpu.memref_slice %arg9[%dma_start3A_612] : memref<512xi32, #tpu.memory_space<vmem>> -> memref<128xi32, #tpu.memory_space<vmem>>
    %dma_start3A_614 = arith.constant 0 : i32
    %dma_start3A_615 = arith.constant 0 : i32
    %dma_start3A_616 = tpu.memref_slice %arg2[%dma_start3A_614, %dma_start3A_615] : memref<500000x128xf32, #tpu.memory_space<hbm>> -> memref<500000x128xf32, #tpu.memory_space<hbm>>
    tpu.enqueue_indirect_dma source(%dma_start3A_616 : memref<500000x128xf32, #tpu.memory_space<hbm>>) target(%arg11 : memref<128x128xf32, #tpu.memory_space<vmem>>) offsets(%dma_start3A_613 : memref<128xi32, #tpu.memory_space<vmem>>) semaphore(%arg16 : memref<!tpu.dma_semaphore, #tpu.memory_space<semaphore_mem>>)
    %dma_start3A_617 = arith.constant 128 : i32
    %dma_start3A_618 = tpu.memref_slice %arg8[%dma_start3A_617] : memref<512xi32, #tpu.memory_space<vmem>> -> memref<128xi32, #tpu.memory_space<vmem>>
    %dma_start3A_619 = arith.constant 0 : i32
    %dma_start3A_620 = arith.constant 0 : i32
    %dma_start3A_621 = tpu.memref_slice %arg2[%dma_start3A_619, %dma_start3A_620] : memref<500000x128xf32, #tpu.memory_space<hbm>> -> memref<500000x128xf32, #tpu.memory_space<hbm>>
    tpu.enqueue_indirect_dma source(%dma_start3A_621 : memref<500000x128xf32, #tpu.memory_space<hbm>>) target(%arg12 : memref<128x128xf32, #tpu.memory_space<vmem>>) offsets(%dma_start3A_618 : memref<128xi32, #tpu.memory_space<vmem>>) semaphore(%arg17 : memref<!tpu.dma_semaphore, #tpu.memory_space<semaphore_mem>>)
    %dma_start3A_622 = arith.constant 128 : i32
    %dma_start3A_623 = tpu.memref_slice %arg9[%dma_start3A_622] : memref<512xi32, #tpu.memory_space<vmem>> -> memref<128xi32, #tpu.memory_space<vmem>>
    %dma_start3A_624 = arith.constant 0 : i32
    %dma_start3A_625 = arith.constant 0 : i32
    %dma_start3A_626 = tpu.memref_slice %arg2[%dma_start3A_624, %dma_start3A_625] : memref<500000x128xf32, #tpu.memory_space<hbm>> -> memref<500000x128xf32, #tpu.memory_space<hbm>>
    tpu.enqueue_indirect_dma source(%dma_start3A_626 : memref<500000x128xf32, #tpu.memory_space<hbm>>) target(%arg13 : memref<128x128xf32, #tpu.memory_space<vmem>>) offsets(%dma_start3A_623 : memref<128xi32, #tpu.memory_space<vmem>>) semaphore(%arg18 : memref<!tpu.dma_semaphore, #tpu.memory_space<semaphore_mem>>)
    %dma_wait3A = arith.constant 0 : i32
    %dma_wait3A_627 = arith.constant 0 : i32
    %dma_wait3A_628 = tpu.memref_slice %arg2[%dma_wait3A, %dma_wait3A_627] : memref<500000x128xf32, #tpu.memory_space<hbm>> -> memref<128x128xf32, #tpu.memory_space<hbm>>
    %dma_wait3A_629 = arith.constant 0 : i32
    %dma_wait3A_630 = arith.constant 0 : i32
    %dma_wait3A_631 = tpu.memref_slice %arg2[%dma_wait3A_629, %dma_wait3A_630] : memref<500000x128xf32, #tpu.memory_space<hbm>> -> memref<128x128xf32, #tpu.memory_space<hbm>>
    tpu.wait_dma2 semaphore(%arg15 : memref<!tpu.dma_semaphore, #tpu.memory_space<semaphore_mem>>) src(%dma_wait3A_631 : memref<128x128xf32, #tpu.memory_space<hbm>>) dst(%arg10 : memref<128x128xf32, #tpu.memory_space<vmem>>)
    %dma_wait3A_632 = arith.constant 0 : i32
    %dma_wait3A_633 = arith.constant 0 : i32
    %dma_wait3A_634 = tpu.memref_slice %arg2[%dma_wait3A_632, %dma_wait3A_633] : memref<500000x128xf32, #tpu.memory_space<hbm>> -> memref<128x128xf32, #tpu.memory_space<hbm>>
    %dma_wait3A_635 = arith.constant 0 : i32
    %dma_wait3A_636 = arith.constant 0 : i32
    %dma_wait3A_637 = tpu.memref_slice %arg2[%dma_wait3A_635, %dma_wait3A_636] : memref<500000x128xf32, #tpu.memory_space<hbm>> -> memref<128x128xf32, #tpu.memory_space<hbm>>
    tpu.wait_dma2 semaphore(%arg16 : memref<!tpu.dma_semaphore, #tpu.memory_space<semaphore_mem>>) src(%dma_wait3A_637 : memref<128x128xf32, #tpu.memory_space<hbm>>) dst(%arg11 : memref<128x128xf32, #tpu.memory_space<vmem>>)
    %add3A_638 = arith.constant 0 : i32
    %add3A_639 = vector.broadcast %add3A_638 : i32 to vector<16xi32>
    %add3A_640 = arith.addi %iota3A, %add3A_639 : vector<16xi32>
    %get3A_641 = arith.constant 0 : index
    %get3A_642 = tpu.vector_load %arg6[%get3A_641] {strides = array<i32>} : memref<512xi32, #tpu.memory_space<vmem>>, vector<16xi32>,
    %and3A = arith.constant 1 : i32
    %and3A_643 = vector.broadcast %and3A : i32 to vector<16xi32>
    %and3A_644 = arith.andi %get3A_642, %and3A_643 : vector<16xi32>
    %mul3A_645 = arith.constant 64 : i32
    %mul3A_646 = vector.broadcast %mul3A_645 : i32 to vector<16xi32>
    %mul3A_647 = arith.muli %and3A_644, %mul3A_646 : vector<16xi32>
    %get3A_648 = arith.constant 0 : index
    %get3A_649 = tpu.vector_load %arg7[%get3A_648] {strides = array<i32>} : memref<512xi32, #tpu.memory_space<vmem>>, vector<16xi32>,
    %and3A_650 = arith.constant 1 : i32
    %and3A_651 = vector.broadcast %and3A_650 : i32 to vector<16xi32>
    %and3A_652 = arith.andi %get3A_649, %and3A_651 : vector<16xi32>
    %mul3A_653 = arith.constant 64 : i32
    %mul3A_654 = vector.broadcast %mul3A_653 : i32 to vector<16xi32>
    %mul3A_655 = arith.muli %and3A_652, %mul3A_654 : vector<16xi32>
    %broadcast_in_dim3A = arith.constant 0.000000e+00 : f32
    %broadcast_in_dim3A_656 = vector.broadcast %broadcast_in_dim3A : f32 to vector<16xf32>
    %scan3A = arith.constant 0 : i32
    %scan3A_657 = arith.constant 64 : i32
    %scan3A_658 = arith.addi %scan3A, %scan3A_657 : i32
    %scan3A_659 = arith.constant 1 : i32
    %scan3A_660 = scf.for %scan3A_2032 = %scan3A to %scan3A_658 step %scan3A_659 iter_args(%scan3A_2033 = %broadcast_in_dim3A_656) -> (vector<16xf32>)  : i32 {
      %add3A_2034 = vector.broadcast %scan3A_2032 : i32 to vector<16xi32>
      %add3A_2035 = arith.addi %mul3A_647, %add3A_2034 : vector<16xi32>
      %gather3A = tpu.vector_load_idx %arg10[%add3A_640, %add3A_2035] : memref<128x128xf32, #tpu.memory_space<vmem>>[vector<16xi32>, vector<16xi32>], vector<16xf32>,
      %add3A_2036 = vector.broadcast %scan3A_2032 : i32 to vector<16xi32>
      %add3A_2037 = arith.addi %mul3A_655, %add3A_2036 : vector<16xi32>
      %gather3A_2038 = tpu.vector_load_idx %arg11[%add3A_640, %add3A_2037] : memref<128x128xf32, #tpu.memory_space<vmem>>[vector<16xi32>, vector<16xi32>], vector<16xf32>,
      %sub3A_2039 = arith.subf %gather3A, %gather3A_2038 : vector<16xf32>
      %mul3A_2040 = arith.mulf %sub3A_2039, %sub3A_2039 : vector<16xf32>
      %add3A_2041 = arith.addf %scan3A_2033, %mul3A_2040 : vector<16xf32>
      scf.yield %add3A_2041 : vector<16xf32>
    }
    %scan3A_661 = arith.constant 64 : i32
    %sub3A = arith.constant 2.000000e+00 : f32
    %sub3A_662 = vector.broadcast %sub3A : f32 to vector<16xf32>
    %sub3A_663 = arith.subf %scan3A_660, %sub3A_662 : vector<16xf32>
    %div3A = arith.constant 1.000000e+00 : f32
    %div3A_664 = vector.broadcast %div3A : f32 to vector<16xf32>
    %div3A_665 = arith.divf %sub3A_663, %div3A_664 : vector<16xf32>
    %exp3A = math.exp %div3A_665 : vector<16xf32>
    %add3A_666 = arith.constant 1.000000e+00 : f32
    %add3A_667 = vector.broadcast %add3A_666 : f32 to vector<16xf32>
    %add3A_668 = arith.addf %exp3A, %add3A_667 : vector<16xf32>
    %div3A_669 = arith.constant 1.000000e+00 : f32
    %div3A_670 = vector.broadcast %div3A_669 : f32 to vector<16xf32>
    %div3A_671 = arith.divf %div3A_670, %add3A_668 : vector<16xf32>
    %swap3A_672 = arith.constant 0 : index
    %swap3A_673 = tpu.vector_load %arg14[%swap3A_672] {strides = array<i32>} : memref<512xf32, #tpu.memory_space<vmem>>, vector<16xf32>,
    tpu.vector_store %arg14[%swap3A_672], %div3A_671 {strides = array<i32>} : memref<512xf32, #tpu.memory_space<vmem>>, vector<16xf32>,
    %add3A_674 = arith.constant 16 : i32
    %add3A_675 = vector.broadcast %add3A_674 : i32 to vector<16xi32>
    %add3A_676 = arith.addi %iota3A, %add3A_675 : vector<16xi32>
    %get3A_677 = arith.constant 16 : index
    %get3A_678 = tpu.vector_load %arg6[%get3A_677] {strides = array<i32>} : memref<512xi32, #tpu.memory_space<vmem>>, vector<16xi32>,
    %and3A_679 = arith.constant 1 : i32
    %and3A_680 = vector.broadcast %and3A_679 : i32 to vector<16xi32>
    %and3A_681 = arith.andi %get3A_678, %and3A_680 : vector<16xi32>
    %mul3A_682 = arith.constant 64 : i32
    %mul3A_683 = vector.broadcast %mul3A_682 : i32 to vector<16xi32>
    %mul3A_684 = arith.muli %and3A_681, %mul3A_683 : vector<16xi32>
    %get3A_685 = arith.constant 16 : index
    %get3A_686 = tpu.vector_load %arg7[%get3A_685] {strides = array<i32>} : memref<512xi32, #tpu.memory_space<vmem>>, vector<16xi32>,
    %and3A_687 = arith.constant 1 : i32
    %and3A_688 = vector.broadcast %and3A_687 : i32 to vector<16xi32>
    %and3A_689 = arith.andi %get3A_686, %and3A_688 : vector<16xi32>
    %mul3A_690 = arith.constant 64 : i32
    %mul3A_691 = vector.broadcast %mul3A_690 : i32 to vector<16xi32>
    %mul3A_692 = arith.muli %and3A_689, %mul3A_691 : vector<16xi32>
    %broadcast_in_dim3A_693 = arith.constant 0.000000e+00 : f32
    %broadcast_in_dim3A_694 = vector.broadcast %broadcast_in_dim3A_693 : f32 to vector<16xf32>
    %scan3A_695 = arith.constant 0 : i32
    %scan3A_696 = arith.constant 64 : i32
    %scan3A_697 = arith.addi %scan3A_695, %scan3A_696 : i32
    %scan3A_698 = arith.constant 1 : i32
    %scan3A_699 = scf.for %scan3A_2032 = %scan3A_695 to %scan3A_697 step %scan3A_698 iter_args(%scan3A_2033 = %broadcast_in_dim3A_694) -> (vector<16xf32>)  : i32 {
      %add3A_2034 = vector.broadcast %scan3A_2032 : i32 to vector<16xi32>
      %add3A_2035 = arith.addi %mul3A_684, %add3A_2034 : vector<16xi32>
      %gather3A = tpu.vector_load_idx %arg10[%add3A_676, %add3A_2035] : memref<128x128xf32, #tpu.memory_space<vmem>>[vector<16xi32>, vector<16xi32>], vector<16xf32>,
      %add3A_2036 = vector.broadcast %scan3A_2032 : i32 to vector<16xi32>
      %add3A_2037 = arith.addi %mul3A_692, %add3A_2036 : vector<16xi32>
      %gather3A_2038 = tpu.vector_load_idx %arg11[%add3A_676, %add3A_2037] : memref<128x128xf32, #tpu.memory_space<vmem>>[vector<16xi32>, vector<16xi32>], vector<16xf32>,
      %sub3A_2039 = arith.subf %gather3A, %gather3A_2038 : vector<16xf32>
      %mul3A_2040 = arith.mulf %sub3A_2039, %sub3A_2039 : vector<16xf32>
      %add3A_2041 = arith.addf %scan3A_2033, %mul3A_2040 : vector<16xf32>
      scf.yield %add3A_2041 : vector<16xf32>
    }
    %scan3A_700 = arith.constant 64 : i32
    %sub3A_701 = arith.constant 2.000000e+00 : f32
    %sub3A_702 = vector.broadcast %sub3A_701 : f32 to vector<16xf32>
    %sub3A_703 = arith.subf %scan3A_699, %sub3A_702 : vector<16xf32>
    %div3A_704 = arith.constant 1.000000e+00 : f32
    %div3A_705 = vector.broadcast %div3A_704 : f32 to vector<16xf32>
    %div3A_706 = arith.divf %sub3A_703, %div3A_705 : vector<16xf32>
    %exp3A_707 = math.exp %div3A_706 : vector<16xf32>
    %add3A_708 = arith.constant 1.000000e+00 : f32
    %add3A_709 = vector.broadcast %add3A_708 : f32 to vector<16xf32>
    %add3A_710 = arith.addf %exp3A_707, %add3A_709 : vector<16xf32>
    %div3A_711 = arith.constant 1.000000e+00 : f32
    %div3A_712 = vector.broadcast %div3A_711 : f32 to vector<16xf32>
    %div3A_713 = arith.divf %div3A_712, %add3A_710 : vector<16xf32>
    %swap3A_714 = arith.constant 16 : index
    %swap3A_715 = tpu.vector_load %arg14[%swap3A_714] {strides = array<i32>} : memref<512xf32, #tpu.memory_space<vmem>>, vector<16xf32>,
    tpu.vector_store %arg14[%swap3A_714], %div3A_713 {strides = array<i32>} : memref<512xf32, #tpu.memory_space<vmem>>, vector<16xf32>,
    %add3A_716 = arith.constant 32 : i32
    %add3A_717 = vector.broadcast %add3A_716 : i32 to vector<16xi32>
    %add3A_718 = arith.addi %iota3A, %add3A_717 : vector<16xi32>
    %get3A_719 = arith.constant 32 : index
    %get3A_720 = tpu.vector_load %arg6[%get3A_719] {strides = array<i32>} : memref<512xi32, #tpu.memory_space<vmem>>, vector<16xi32>,
    %and3A_721 = arith.constant 1 : i32
    %and3A_722 = vector.broadcast %and3A_721 : i32 to vector<16xi32>
    %and3A_723 = arith.andi %get3A_720, %and3A_722 : vector<16xi32>
    %mul3A_724 = arith.constant 64 : i32
    %mul3A_725 = vector.broadcast %mul3A_724 : i32 to vector<16xi32>
    %mul3A_726 = arith.muli %and3A_723, %mul3A_725 : vector<16xi32>
    %get3A_727 = arith.constant 32 : index
    %get3A_728 = tpu.vector_load %arg7[%get3A_727] {strides = array<i32>} : memref<512xi32, #tpu.memory_space<vmem>>, vector<16xi32>,
    %and3A_729 = arith.constant 1 : i32
    %and3A_730 = vector.broadcast %and3A_729 : i32 to vector<16xi32>
    %and3A_731 = arith.andi %get3A_728, %and3A_730 : vector<16xi32>
    %mul3A_732 = arith.constant 64 : i32
    %mul3A_733 = vector.broadcast %mul3A_732 : i32 to vector<16xi32>
    %mul3A_734 = arith.muli %and3A_731, %mul3A_733 : vector<16xi32>
    %broadcast_in_dim3A_735 = arith.constant 0.000000e+00 : f32
    %broadcast_in_dim3A_736 = vector.broadcast %broadcast_in_dim3A_735 : f32 to vector<16xf32>
    %scan3A_737 = arith.constant 0 : i32
    %scan3A_738 = arith.constant 64 : i32
    %scan3A_739 = arith.addi %scan3A_737, %scan3A_738 : i32
    %scan3A_740 = arith.constant 1 : i32
    %scan3A_741 = scf.for %scan3A_2032 = %scan3A_737 to %scan3A_739 step %scan3A_740 iter_args(%scan3A_2033 = %broadcast_in_dim3A_736) -> (vector<16xf32>)  : i32 {
      %add3A_2034 = vector.broadcast %scan3A_2032 : i32 to vector<16xi32>
      %add3A_2035 = arith.addi %mul3A_726, %add3A_2034 : vector<16xi32>
      %gather3A = tpu.vector_load_idx %arg10[%add3A_718, %add3A_2035] : memref<128x128xf32, #tpu.memory_space<vmem>>[vector<16xi32>, vector<16xi32>], vector<16xf32>,
      %add3A_2036 = vector.broadcast %scan3A_2032 : i32 to vector<16xi32>
      %add3A_2037 = arith.addi %mul3A_734, %add3A_2036 : vector<16xi32>
      %gather3A_2038 = tpu.vector_load_idx %arg11[%add3A_718, %add3A_2037] : memref<128x128xf32, #tpu.memory_space<vmem>>[vector<16xi32>, vector<16xi32>], vector<16xf32>,
      %sub3A_2039 = arith.subf %gather3A, %gather3A_2038 : vector<16xf32>
      %mul3A_2040 = arith.mulf %sub3A_2039, %sub3A_2039 : vector<16xf32>
      %add3A_2041 = arith.addf %scan3A_2033, %mul3A_2040 : vector<16xf32>
      scf.yield %add3A_2041 : vector<16xf32>
    }
    %scan3A_742 = arith.constant 64 : i32
    %sub3A_743 = arith.constant 2.000000e+00 : f32
    %sub3A_744 = vector.broadcast %sub3A_743 : f32 to vector<16xf32>
    %sub3A_745 = arith.subf %scan3A_741, %sub3A_744 : vector<16xf32>
    %div3A_746 = arith.constant 1.000000e+00 : f32
    %div3A_747 = vector.broadcast %div3A_746 : f32 to vector<16xf32>
    %div3A_748 = arith.divf %sub3A_745, %div3A_747 : vector<16xf32>
    %exp3A_749 = math.exp %div3A_748 : vector<16xf32>
    %add3A_750 = arith.constant 1.000000e+00 : f32
    %add3A_751 = vector.broadcast %add3A_750 : f32 to vector<16xf32>
    %add3A_752 = arith.addf %exp3A_749, %add3A_751 : vector<16xf32>
    %div3A_753 = arith.constant 1.000000e+00 : f32
    %div3A_754 = vector.broadcast %div3A_753 : f32 to vector<16xf32>
    %div3A_755 = arith.divf %div3A_754, %add3A_752 : vector<16xf32>
    %swap3A_756 = arith.constant 32 : index
    %swap3A_757 = tpu.vector_load %arg14[%swap3A_756] {strides = array<i32>} : memref<512xf32, #tpu.memory_space<vmem>>, vector<16xf32>,
    tpu.vector_store %arg14[%swap3A_756], %div3A_755 {strides = array<i32>} : memref<512xf32, #tpu.memory_space<vmem>>, vector<16xf32>,
    %add3A_758 = arith.constant 48 : i32
    %add3A_759 = vector.broadcast %add3A_758 : i32 to vector<16xi32>
    %add3A_760 = arith.addi %iota3A, %add3A_759 : vector<16xi32>
    %get3A_761 = arith.constant 48 : index
    %get3A_762 = tpu.vector_load %arg6[%get3A_761] {strides = array<i32>} : memref<512xi32, #tpu.memory_space<vmem>>, vector<16xi32>,
    %and3A_763 = arith.constant 1 : i32
    %and3A_764 = vector.broadcast %and3A_763 : i32 to vector<16xi32>
    %and3A_765 = arith.andi %get3A_762, %and3A_764 : vector<16xi32>
    %mul3A_766 = arith.constant 64 : i32
    %mul3A_767 = vector.broadcast %mul3A_766 : i32 to vector<16xi32>
    %mul3A_768 = arith.muli %and3A_765, %mul3A_767 : vector<16xi32>
    %get3A_769 = arith.constant 48 : index
    %get3A_770 = tpu.vector_load %arg7[%get3A_769] {strides = array<i32>} : memref<512xi32, #tpu.memory_space<vmem>>, vector<16xi32>,
    %and3A_771 = arith.constant 1 : i32
    %and3A_772 = vector.broadcast %and3A_771 : i32 to vector<16xi32>
    %and3A_773 = arith.andi %get3A_770, %and3A_772 : vector<16xi32>
    %mul3A_774 = arith.constant 64 : i32
    %mul3A_775 = vector.broadcast %mul3A_774 : i32 to vector<16xi32>
    %mul3A_776 = arith.muli %and3A_773, %mul3A_775 : vector<16xi32>
    %broadcast_in_dim3A_777 = arith.constant 0.000000e+00 : f32
    %broadcast_in_dim3A_778 = vector.broadcast %broadcast_in_dim3A_777 : f32 to vector<16xf32>
    %scan3A_779 = arith.constant 0 : i32
    %scan3A_780 = arith.constant 64 : i32
    %scan3A_781 = arith.addi %scan3A_779, %scan3A_780 : i32
    %scan3A_782 = arith.constant 1 : i32
    %scan3A_783 = scf.for %scan3A_2032 = %scan3A_779 to %scan3A_781 step %scan3A_782 iter_args(%scan3A_2033 = %broadcast_in_dim3A_778) -> (vector<16xf32>)  : i32 {
      %add3A_2034 = vector.broadcast %scan3A_2032 : i32 to vector<16xi32>
      %add3A_2035 = arith.addi %mul3A_768, %add3A_2034 : vector<16xi32>
      %gather3A = tpu.vector_load_idx %arg10[%add3A_760, %add3A_2035] : memref<128x128xf32, #tpu.memory_space<vmem>>[vector<16xi32>, vector<16xi32>], vector<16xf32>,
      %add3A_2036 = vector.broadcast %scan3A_2032 : i32 to vector<16xi32>
      %add3A_2037 = arith.addi %mul3A_776, %add3A_2036 : vector<16xi32>
      %gather3A_2038 = tpu.vector_load_idx %arg11[%add3A_760, %add3A_2037] : memref<128x128xf32, #tpu.memory_space<vmem>>[vector<16xi32>, vector<16xi32>], vector<16xf32>,
      %sub3A_2039 = arith.subf %gather3A, %gather3A_2038 : vector<16xf32>
      %mul3A_2040 = arith.mulf %sub3A_2039, %sub3A_2039 : vector<16xf32>
      %add3A_2041 = arith.addf %scan3A_2033, %mul3A_2040 : vector<16xf32>
      scf.yield %add3A_2041 : vector<16xf32>
    }
    %scan3A_784 = arith.constant 64 : i32
    %sub3A_785 = arith.constant 2.000000e+00 : f32
    %sub3A_786 = vector.broadcast %sub3A_785 : f32 to vector<16xf32>
    %sub3A_787 = arith.subf %scan3A_783, %sub3A_786 : vector<16xf32>
    %div3A_788 = arith.constant 1.000000e+00 : f32
    %div3A_789 = vector.broadcast %div3A_788 : f32 to vector<16xf32>
    %div3A_790 = arith.divf %sub3A_787, %div3A_789 : vector<16xf32>
    %exp3A_791 = math.exp %div3A_790 : vector<16xf32>
    %add3A_792 = arith.constant 1.000000e+00 : f32
    %add3A_793 = vector.broadcast %add3A_792 : f32 to vector<16xf32>
    %add3A_794 = arith.addf %exp3A_791, %add3A_793 : vector<16xf32>
    %div3A_795 = arith.constant 1.000000e+00 : f32
    %div3A_796 = vector.broadcast %div3A_795 : f32 to vector<16xf32>
    %div3A_797 = arith.divf %div3A_796, %add3A_794 : vector<16xf32>
    %swap3A_798 = arith.constant 48 : index
    %swap3A_799 = tpu.vector_load %arg14[%swap3A_798] {strides = array<i32>} : memref<512xf32, #tpu.memory_space<vmem>>, vector<16xf32>,
    tpu.vector_store %arg14[%swap3A_798], %div3A_797 {strides = array<i32>} : memref<512xf32, #tpu.memory_space<vmem>>, vector<16xf32>,
    %add3A_800 = arith.constant 64 : i32
    %add3A_801 = vector.broadcast %add3A_800 : i32 to vector<16xi32>
    %add3A_802 = arith.addi %iota3A, %add3A_801 : vector<16xi32>
    %get3A_803 = arith.constant 64 : index
    %get3A_804 = tpu.vector_load %arg6[%get3A_803] {strides = array<i32>} : memref<512xi32, #tpu.memory_space<vmem>>, vector<16xi32>,
    %and3A_805 = arith.constant 1 : i32
    %and3A_806 = vector.broadcast %and3A_805 : i32 to vector<16xi32>
    %and3A_807 = arith.andi %get3A_804, %and3A_806 : vector<16xi32>
    %mul3A_808 = arith.constant 64 : i32
    %mul3A_809 = vector.broadcast %mul3A_808 : i32 to vector<16xi32>
    %mul3A_810 = arith.muli %and3A_807, %mul3A_809 : vector<16xi32>
    %get3A_811 = arith.constant 64 : index
    %get3A_812 = tpu.vector_load %arg7[%get3A_811] {strides = array<i32>} : memref<512xi32, #tpu.memory_space<vmem>>, vector<16xi32>,
    %and3A_813 = arith.constant 1 : i32
    %and3A_814 = vector.broadcast %and3A_813 : i32 to vector<16xi32>
    %and3A_815 = arith.andi %get3A_812, %and3A_814 : vector<16xi32>
    %mul3A_816 = arith.constant 64 : i32
    %mul3A_817 = vector.broadcast %mul3A_816 : i32 to vector<16xi32>
    %mul3A_818 = arith.muli %and3A_815, %mul3A_817 : vector<16xi32>
    %broadcast_in_dim3A_819 = arith.constant 0.000000e+00 : f32
    %broadcast_in_dim3A_820 = vector.broadcast %broadcast_in_dim3A_819 : f32 to vector<16xf32>
    %scan3A_821 = arith.constant 0 : i32
    %scan3A_822 = arith.constant 64 : i32
    %scan3A_823 = arith.addi %scan3A_821, %scan3A_822 : i32
    %scan3A_824 = arith.constant 1 : i32
    %scan3A_825 = scf.for %scan3A_2032 = %scan3A_821 to %scan3A_823 step %scan3A_824 iter_args(%scan3A_2033 = %broadcast_in_dim3A_820) -> (vector<16xf32>)  : i32 {
      %add3A_2034 = vector.broadcast %scan3A_2032 : i32 to vector<16xi32>
      %add3A_2035 = arith.addi %mul3A_810, %add3A_2034 : vector<16xi32>
      %gather3A = tpu.vector_load_idx %arg10[%add3A_802, %add3A_2035] : memref<128x128xf32, #tpu.memory_space<vmem>>[vector<16xi32>, vector<16xi32>], vector<16xf32>,
      %add3A_2036 = vector.broadcast %scan3A_2032 : i32 to vector<16xi32>
      %add3A_2037 = arith.addi %mul3A_818, %add3A_2036 : vector<16xi32>
      %gather3A_2038 = tpu.vector_load_idx %arg11[%add3A_802, %add3A_2037] : memref<128x128xf32, #tpu.memory_space<vmem>>[vector<16xi32>, vector<16xi32>], vector<16xf32>,
      %sub3A_2039 = arith.subf %gather3A, %gather3A_2038 : vector<16xf32>
      %mul3A_2040 = arith.mulf %sub3A_2039, %sub3A_2039 : vector<16xf32>
      %add3A_2041 = arith.addf %scan3A_2033, %mul3A_2040 : vector<16xf32>
      scf.yield %add3A_2041 : vector<16xf32>
    }
    %scan3A_826 = arith.constant 64 : i32
    %sub3A_827 = arith.constant 2.000000e+00 : f32
    %sub3A_828 = vector.broadcast %sub3A_827 : f32 to vector<16xf32>
    %sub3A_829 = arith.subf %scan3A_825, %sub3A_828 : vector<16xf32>
    %div3A_830 = arith.constant 1.000000e+00 : f32
    %div3A_831 = vector.broadcast %div3A_830 : f32 to vector<16xf32>
    %div3A_832 = arith.divf %sub3A_829, %div3A_831 : vector<16xf32>
    %exp3A_833 = math.exp %div3A_832 : vector<16xf32>
    %add3A_834 = arith.constant 1.000000e+00 : f32
    %add3A_835 = vector.broadcast %add3A_834 : f32 to vector<16xf32>
    %add3A_836 = arith.addf %exp3A_833, %add3A_835 : vector<16xf32>
    %div3A_837 = arith.constant 1.000000e+00 : f32
    %div3A_838 = vector.broadcast %div3A_837 : f32 to vector<16xf32>
    %div3A_839 = arith.divf %div3A_838, %add3A_836 : vector<16xf32>
    %swap3A_840 = arith.constant 64 : index
    %swap3A_841 = tpu.vector_load %arg14[%swap3A_840] {strides = array<i32>} : memref<512xf32, #tpu.memory_space<vmem>>, vector<16xf32>,
    tpu.vector_store %arg14[%swap3A_840], %div3A_839 {strides = array<i32>} : memref<512xf32, #tpu.memory_space<vmem>>, vector<16xf32>,
    %add3A_842 = arith.constant 80 : i32
    %add3A_843 = vector.broadcast %add3A_842 : i32 to vector<16xi32>
    %add3A_844 = arith.addi %iota3A, %add3A_843 : vector<16xi32>
    %get3A_845 = arith.constant 80 : index
    %get3A_846 = tpu.vector_load %arg6[%get3A_845] {strides = array<i32>} : memref<512xi32, #tpu.memory_space<vmem>>, vector<16xi32>,
    %and3A_847 = arith.constant 1 : i32
    %and3A_848 = vector.broadcast %and3A_847 : i32 to vector<16xi32>
    %and3A_849 = arith.andi %get3A_846, %and3A_848 : vector<16xi32>
    %mul3A_850 = arith.constant 64 : i32
    %mul3A_851 = vector.broadcast %mul3A_850 : i32 to vector<16xi32>
    %mul3A_852 = arith.muli %and3A_849, %mul3A_851 : vector<16xi32>
    %get3A_853 = arith.constant 80 : index
    %get3A_854 = tpu.vector_load %arg7[%get3A_853] {strides = array<i32>} : memref<512xi32, #tpu.memory_space<vmem>>, vector<16xi32>,
    %and3A_855 = arith.constant 1 : i32
    %and3A_856 = vector.broadcast %and3A_855 : i32 to vector<16xi32>
    %and3A_857 = arith.andi %get3A_854, %and3A_856 : vector<16xi32>
    %mul3A_858 = arith.constant 64 : i32
    %mul3A_859 = vector.broadcast %mul3A_858 : i32 to vector<16xi32>
    %mul3A_860 = arith.muli %and3A_857, %mul3A_859 : vector<16xi32>
    %broadcast_in_dim3A_861 = arith.constant 0.000000e+00 : f32
    %broadcast_in_dim3A_862 = vector.broadcast %broadcast_in_dim3A_861 : f32 to vector<16xf32>
    %scan3A_863 = arith.constant 0 : i32
    %scan3A_864 = arith.constant 64 : i32
    %scan3A_865 = arith.addi %scan3A_863, %scan3A_864 : i32
    %scan3A_866 = arith.constant 1 : i32
    %scan3A_867 = scf.for %scan3A_2032 = %scan3A_863 to %scan3A_865 step %scan3A_866 iter_args(%scan3A_2033 = %broadcast_in_dim3A_862) -> (vector<16xf32>)  : i32 {
      %add3A_2034 = vector.broadcast %scan3A_2032 : i32 to vector<16xi32>
      %add3A_2035 = arith.addi %mul3A_852, %add3A_2034 : vector<16xi32>
      %gather3A = tpu.vector_load_idx %arg10[%add3A_844, %add3A_2035] : memref<128x128xf32, #tpu.memory_space<vmem>>[vector<16xi32>, vector<16xi32>], vector<16xf32>,
      %add3A_2036 = vector.broadcast %scan3A_2032 : i32 to vector<16xi32>
      %add3A_2037 = arith.addi %mul3A_860, %add3A_2036 : vector<16xi32>
      %gather3A_2038 = tpu.vector_load_idx %arg11[%add3A_844, %add3A_2037] : memref<128x128xf32, #tpu.memory_space<vmem>>[vector<16xi32>, vector<16xi32>], vector<16xf32>,
      %sub3A_2039 = arith.subf %gather3A, %gather3A_2038 : vector<16xf32>
      %mul3A_2040 = arith.mulf %sub3A_2039, %sub3A_2039 : vector<16xf32>
      %add3A_2041 = arith.addf %scan3A_2033, %mul3A_2040 : vector<16xf32>
      scf.yield %add3A_2041 : vector<16xf32>
    }
    %scan3A_868 = arith.constant 64 : i32
    %sub3A_869 = arith.constant 2.000000e+00 : f32
    %sub3A_870 = vector.broadcast %sub3A_869 : f32 to vector<16xf32>
    %sub3A_871 = arith.subf %scan3A_867, %sub3A_870 : vector<16xf32>
    %div3A_872 = arith.constant 1.000000e+00 : f32
    %div3A_873 = vector.broadcast %div3A_872 : f32 to vector<16xf32>
    %div3A_874 = arith.divf %sub3A_871, %div3A_873 : vector<16xf32>
    %exp3A_875 = math.exp %div3A_874 : vector<16xf32>
    %add3A_876 = arith.constant 1.000000e+00 : f32
    %add3A_877 = vector.broadcast %add3A_876 : f32 to vector<16xf32>
    %add3A_878 = arith.addf %exp3A_875, %add3A_877 : vector<16xf32>
    %div3A_879 = arith.constant 1.000000e+00 : f32
    %div3A_880 = vector.broadcast %div3A_879 : f32 to vector<16xf32>
    %div3A_881 = arith.divf %div3A_880, %add3A_878 : vector<16xf32>
    %swap3A_882 = arith.constant 80 : index
    %swap3A_883 = tpu.vector_load %arg14[%swap3A_882] {strides = array<i32>} : memref<512xf32, #tpu.memory_space<vmem>>, vector<16xf32>,
    tpu.vector_store %arg14[%swap3A_882], %div3A_881 {strides = array<i32>} : memref<512xf32, #tpu.memory_space<vmem>>, vector<16xf32>,
    %add3A_884 = arith.constant 96 : i32
    %add3A_885 = vector.broadcast %add3A_884 : i32 to vector<16xi32>
    %add3A_886 = arith.addi %iota3A, %add3A_885 : vector<16xi32>
    %get3A_887 = arith.constant 96 : index
    %get3A_888 = tpu.vector_load %arg6[%get3A_887] {strides = array<i32>} : memref<512xi32, #tpu.memory_space<vmem>>, vector<16xi32>,
    %and3A_889 = arith.constant 1 : i32
    %and3A_890 = vector.broadcast %and3A_889 : i32 to vector<16xi32>
    %and3A_891 = arith.andi %get3A_888, %and3A_890 : vector<16xi32>
    %mul3A_892 = arith.constant 64 : i32
    %mul3A_893 = vector.broadcast %mul3A_892 : i32 to vector<16xi32>
    %mul3A_894 = arith.muli %and3A_891, %mul3A_893 : vector<16xi32>
    %get3A_895 = arith.constant 96 : index
    %get3A_896 = tpu.vector_load %arg7[%get3A_895] {strides = array<i32>} : memref<512xi32, #tpu.memory_space<vmem>>, vector<16xi32>,
    %and3A_897 = arith.constant 1 : i32
    %and3A_898 = vector.broadcast %and3A_897 : i32 to vector<16xi32>
    %and3A_899 = arith.andi %get3A_896, %and3A_898 : vector<16xi32>
    %mul3A_900 = arith.constant 64 : i32
    %mul3A_901 = vector.broadcast %mul3A_900 : i32 to vector<16xi32>
    %mul3A_902 = arith.muli %and3A_899, %mul3A_901 : vector<16xi32>
    %broadcast_in_dim3A_903 = arith.constant 0.000000e+00 : f32
    %broadcast_in_dim3A_904 = vector.broadcast %broadcast_in_dim3A_903 : f32 to vector<16xf32>
    %scan3A_905 = arith.constant 0 : i32
    %scan3A_906 = arith.constant 64 : i32
    %scan3A_907 = arith.addi %scan3A_905, %scan3A_906 : i32
    %scan3A_908 = arith.constant 1 : i32
    %scan3A_909 = scf.for %scan3A_2032 = %scan3A_905 to %scan3A_907 step %scan3A_908 iter_args(%scan3A_2033 = %broadcast_in_dim3A_904) -> (vector<16xf32>)  : i32 {
      %add3A_2034 = vector.broadcast %scan3A_2032 : i32 to vector<16xi32>
      %add3A_2035 = arith.addi %mul3A_894, %add3A_2034 : vector<16xi32>
      %gather3A = tpu.vector_load_idx %arg10[%add3A_886, %add3A_2035] : memref<128x128xf32, #tpu.memory_space<vmem>>[vector<16xi32>, vector<16xi32>], vector<16xf32>,
      %add3A_2036 = vector.broadcast %scan3A_2032 : i32 to vector<16xi32>
      %add3A_2037 = arith.addi %mul3A_902, %add3A_2036 : vector<16xi32>
      %gather3A_2038 = tpu.vector_load_idx %arg11[%add3A_886, %add3A_2037] : memref<128x128xf32, #tpu.memory_space<vmem>>[vector<16xi32>, vector<16xi32>], vector<16xf32>,
      %sub3A_2039 = arith.subf %gather3A, %gather3A_2038 : vector<16xf32>
      %mul3A_2040 = arith.mulf %sub3A_2039, %sub3A_2039 : vector<16xf32>
      %add3A_2041 = arith.addf %scan3A_2033, %mul3A_2040 : vector<16xf32>
      scf.yield %add3A_2041 : vector<16xf32>
    }
    %scan3A_910 = arith.constant 64 : i32
    %sub3A_911 = arith.constant 2.000000e+00 : f32
    %sub3A_912 = vector.broadcast %sub3A_911 : f32 to vector<16xf32>
    %sub3A_913 = arith.subf %scan3A_909, %sub3A_912 : vector<16xf32>
    %div3A_914 = arith.constant 1.000000e+00 : f32
    %div3A_915 = vector.broadcast %div3A_914 : f32 to vector<16xf32>
    %div3A_916 = arith.divf %sub3A_913, %div3A_915 : vector<16xf32>
    %exp3A_917 = math.exp %div3A_916 : vector<16xf32>
    %add3A_918 = arith.constant 1.000000e+00 : f32
    %add3A_919 = vector.broadcast %add3A_918 : f32 to vector<16xf32>
    %add3A_920 = arith.addf %exp3A_917, %add3A_919 : vector<16xf32>
    %div3A_921 = arith.constant 1.000000e+00 : f32
    %div3A_922 = vector.broadcast %div3A_921 : f32 to vector<16xf32>
    %div3A_923 = arith.divf %div3A_922, %add3A_920 : vector<16xf32>
    %swap3A_924 = arith.constant 96 : index
    %swap3A_925 = tpu.vector_load %arg14[%swap3A_924] {strides = array<i32>} : memref<512xf32, #tpu.memory_space<vmem>>, vector<16xf32>,
    tpu.vector_store %arg14[%swap3A_924], %div3A_923 {strides = array<i32>} : memref<512xf32, #tpu.memory_space<vmem>>, vector<16xf32>,
    %add3A_926 = arith.constant 112 : i32
    %add3A_927 = vector.broadcast %add3A_926 : i32 to vector<16xi32>
    %add3A_928 = arith.addi %iota3A, %add3A_927 : vector<16xi32>
    %get3A_929 = arith.constant 112 : index
    %get3A_930 = tpu.vector_load %arg6[%get3A_929] {strides = array<i32>} : memref<512xi32, #tpu.memory_space<vmem>>, vector<16xi32>,
    %and3A_931 = arith.constant 1 : i32
    %and3A_932 = vector.broadcast %and3A_931 : i32 to vector<16xi32>
    %and3A_933 = arith.andi %get3A_930, %and3A_932 : vector<16xi32>
    %mul3A_934 = arith.constant 64 : i32
    %mul3A_935 = vector.broadcast %mul3A_934 : i32 to vector<16xi32>
    %mul3A_936 = arith.muli %and3A_933, %mul3A_935 : vector<16xi32>
    %get3A_937 = arith.constant 112 : index
    %get3A_938 = tpu.vector_load %arg7[%get3A_937] {strides = array<i32>} : memref<512xi32, #tpu.memory_space<vmem>>, vector<16xi32>,
    %and3A_939 = arith.constant 1 : i32
    %and3A_940 = vector.broadcast %and3A_939 : i32 to vector<16xi32>
    %and3A_941 = arith.andi %get3A_938, %and3A_940 : vector<16xi32>
    %mul3A_942 = arith.constant 64 : i32
    %mul3A_943 = vector.broadcast %mul3A_942 : i32 to vector<16xi32>
    %mul3A_944 = arith.muli %and3A_941, %mul3A_943 : vector<16xi32>
    %broadcast_in_dim3A_945 = arith.constant 0.000000e+00 : f32
    %broadcast_in_dim3A_946 = vector.broadcast %broadcast_in_dim3A_945 : f32 to vector<16xf32>
    %scan3A_947 = arith.constant 0 : i32
    %scan3A_948 = arith.constant 64 : i32
    %scan3A_949 = arith.addi %scan3A_947, %scan3A_948 : i32
    %scan3A_950 = arith.constant 1 : i32
    %scan3A_951 = scf.for %scan3A_2032 = %scan3A_947 to %scan3A_949 step %scan3A_950 iter_args(%scan3A_2033 = %broadcast_in_dim3A_946) -> (vector<16xf32>)  : i32 {
      %add3A_2034 = vector.broadcast %scan3A_2032 : i32 to vector<16xi32>
      %add3A_2035 = arith.addi %mul3A_936, %add3A_2034 : vector<16xi32>
      %gather3A = tpu.vector_load_idx %arg10[%add3A_928, %add3A_2035] : memref<128x128xf32, #tpu.memory_space<vmem>>[vector<16xi32>, vector<16xi32>], vector<16xf32>,
      %add3A_2036 = vector.broadcast %scan3A_2032 : i32 to vector<16xi32>
      %add3A_2037 = arith.addi %mul3A_944, %add3A_2036 : vector<16xi32>
      %gather3A_2038 = tpu.vector_load_idx %arg11[%add3A_928, %add3A_2037] : memref<128x128xf32, #tpu.memory_space<vmem>>[vector<16xi32>, vector<16xi32>], vector<16xf32>,
      %sub3A_2039 = arith.subf %gather3A, %gather3A_2038 : vector<16xf32>
      %mul3A_2040 = arith.mulf %sub3A_2039, %sub3A_2039 : vector<16xf32>
      %add3A_2041 = arith.addf %scan3A_2033, %mul3A_2040 : vector<16xf32>
      scf.yield %add3A_2041 : vector<16xf32>
    }
    %scan3A_952 = arith.constant 64 : i32
    %sub3A_953 = arith.constant 2.000000e+00 : f32
    %sub3A_954 = vector.broadcast %sub3A_953 : f32 to vector<16xf32>
    %sub3A_955 = arith.subf %scan3A_951, %sub3A_954 : vector<16xf32>
    %div3A_956 = arith.constant 1.000000e+00 : f32
    %div3A_957 = vector.broadcast %div3A_956 : f32 to vector<16xf32>
    %div3A_958 = arith.divf %sub3A_955, %div3A_957 : vector<16xf32>
    %exp3A_959 = math.exp %div3A_958 : vector<16xf32>
    %add3A_960 = arith.constant 1.000000e+00 : f32
    %add3A_961 = vector.broadcast %add3A_960 : f32 to vector<16xf32>
    %add3A_962 = arith.addf %exp3A_959, %add3A_961 : vector<16xf32>
    %div3A_963 = arith.constant 1.000000e+00 : f32
    %div3A_964 = vector.broadcast %div3A_963 : f32 to vector<16xf32>
    %div3A_965 = arith.divf %div3A_964, %add3A_962 : vector<16xf32>
    %swap3A_966 = arith.constant 112 : index
    %swap3A_967 = tpu.vector_load %arg14[%swap3A_966] {strides = array<i32>} : memref<512xf32, #tpu.memory_space<vmem>>, vector<16xf32>,
    tpu.vector_store %arg14[%swap3A_966], %div3A_965 {strides = array<i32>} : memref<512xf32, #tpu.memory_space<vmem>>, vector<16xf32>,
    %dma_start3A_968 = arith.constant 256 : i32
    %dma_start3A_969 = tpu.memref_slice %arg8[%dma_start3A_968] : memref<512xi32, #tpu.memory_space<vmem>> -> memref<128xi32, #tpu.memory_space<vmem>>
    %dma_start3A_970 = arith.constant 0 : i32
    %dma_start3A_971 = arith.constant 0 : i32
    %dma_start3A_972 = tpu.memref_slice %arg2[%dma_start3A_970, %dma_start3A_971] : memref<500000x128xf32, #tpu.memory_space<hbm>> -> memref<500000x128xf32, #tpu.memory_space<hbm>>
    tpu.enqueue_indirect_dma source(%dma_start3A_972 : memref<500000x128xf32, #tpu.memory_space<hbm>>) target(%arg10 : memref<128x128xf32, #tpu.memory_space<vmem>>) offsets(%dma_start3A_969 : memref<128xi32, #tpu.memory_space<vmem>>) semaphore(%arg15 : memref<!tpu.dma_semaphore, #tpu.memory_space<semaphore_mem>>)
    %dma_start3A_973 = arith.constant 256 : i32
    %dma_start3A_974 = tpu.memref_slice %arg9[%dma_start3A_973] : memref<512xi32, #tpu.memory_space<vmem>> -> memref<128xi32, #tpu.memory_space<vmem>>
    %dma_start3A_975 = arith.constant 0 : i32
    %dma_start3A_976 = arith.constant 0 : i32
    %dma_start3A_977 = tpu.memref_slice %arg2[%dma_start3A_975, %dma_start3A_976] : memref<500000x128xf32, #tpu.memory_space<hbm>> -> memref<500000x128xf32, #tpu.memory_space<hbm>>
    tpu.enqueue_indirect_dma source(%dma_start3A_977 : memref<500000x128xf32, #tpu.memory_space<hbm>>) target(%arg11 : memref<128x128xf32, #tpu.memory_space<vmem>>) offsets(%dma_start3A_974 : memref<128xi32, #tpu.memory_space<vmem>>) semaphore(%arg16 : memref<!tpu.dma_semaphore, #tpu.memory_space<semaphore_mem>>)
    %dma_wait3A_978 = arith.constant 0 : i32
    %dma_wait3A_979 = arith.constant 0 : i32
    %dma_wait3A_980 = tpu.memref_slice %arg2[%dma_wait3A_978, %dma_wait3A_979] : memref<500000x128xf32, #tpu.memory_space<hbm>> -> memref<128x128xf32, #tpu.memory_space<hbm>>
    %dma_wait3A_981 = arith.constant 0 : i32
    %dma_wait3A_982 = arith.constant 0 : i32
    %dma_wait3A_983 = tpu.memref_slice %arg2[%dma_wait3A_981, %dma_wait3A_982] : memref<500000x128xf32, #tpu.memory_space<hbm>> -> memref<128x128xf32, #tpu.memory_space<hbm>>
    tpu.wait_dma2 semaphore(%arg17 : memref<!tpu.dma_semaphore, #tpu.memory_space<semaphore_mem>>) src(%dma_wait3A_983 : memref<128x128xf32, #tpu.memory_space<hbm>>) dst(%arg12 : memref<128x128xf32, #tpu.memory_space<vmem>>)
    %dma_wait3A_984 = arith.constant 0 : i32
    %dma_wait3A_985 = arith.constant 0 : i32
    %dma_wait3A_986 = tpu.memref_slice %arg2[%dma_wait3A_984, %dma_wait3A_985] : memref<500000x128xf32, #tpu.memory_space<hbm>> -> memref<128x128xf32, #tpu.memory_space<hbm>>
    %dma_wait3A_987 = arith.constant 0 : i32
    %dma_wait3A_988 = arith.constant 0 : i32
    %dma_wait3A_989 = tpu.memref_slice %arg2[%dma_wait3A_987, %dma_wait3A_988] : memref<500000x128xf32, #tpu.memory_space<hbm>> -> memref<128x128xf32, #tpu.memory_space<hbm>>
    tpu.wait_dma2 semaphore(%arg18 : memref<!tpu.dma_semaphore, #tpu.memory_space<semaphore_mem>>) src(%dma_wait3A_989 : memref<128x128xf32, #tpu.memory_space<hbm>>) dst(%arg13 : memref<128x128xf32, #tpu.memory_space<vmem>>)
    %add3A_990 = arith.constant 0 : i32
    %add3A_991 = vector.broadcast %add3A_990 : i32 to vector<16xi32>
    %add3A_992 = arith.addi %iota3A, %add3A_991 : vector<16xi32>
    %get3A_993 = arith.constant 128 : index
    %get3A_994 = tpu.vector_load %arg6[%get3A_993] {strides = array<i32>} : memref<512xi32, #tpu.memory_space<vmem>>, vector<16xi32>,
    %and3A_995 = arith.constant 1 : i32
    %and3A_996 = vector.broadcast %and3A_995 : i32 to vector<16xi32>
    %and3A_997 = arith.andi %get3A_994, %and3A_996 : vector<16xi32>
    %mul3A_998 = arith.constant 64 : i32
    %mul3A_999 = vector.broadcast %mul3A_998 : i32 to vector<16xi32>
    %mul3A_1000 = arith.muli %and3A_997, %mul3A_999 : vector<16xi32>
    %get3A_1001 = arith.constant 128 : index
    %get3A_1002 = tpu.vector_load %arg7[%get3A_1001] {strides = array<i32>} : memref<512xi32, #tpu.memory_space<vmem>>, vector<16xi32>,
    %and3A_1003 = arith.constant 1 : i32
    %and3A_1004 = vector.broadcast %and3A_1003 : i32 to vector<16xi32>
    %and3A_1005 = arith.andi %get3A_1002, %and3A_1004 : vector<16xi32>
    %mul3A_1006 = arith.constant 64 : i32
    %mul3A_1007 = vector.broadcast %mul3A_1006 : i32 to vector<16xi32>
    %mul3A_1008 = arith.muli %and3A_1005, %mul3A_1007 : vector<16xi32>
    %broadcast_in_dim3A_1009 = arith.constant 0.000000e+00 : f32
    %broadcast_in_dim3A_1010 = vector.broadcast %broadcast_in_dim3A_1009 : f32 to vector<16xf32>
    %scan3A_1011 = arith.constant 0 : i32
    %scan3A_1012 = arith.constant 64 : i32
    %scan3A_1013 = arith.addi %scan3A_1011, %scan3A_1012 : i32
    %scan3A_1014 = arith.constant 1 : i32
    %scan3A_1015 = scf.for %scan3A_2032 = %scan3A_1011 to %scan3A_1013 step %scan3A_1014 iter_args(%scan3A_2033 = %broadcast_in_dim3A_1010) -> (vector<16xf32>)  : i32 {
      %add3A_2034 = vector.broadcast %scan3A_2032 : i32 to vector<16xi32>
      %add3A_2035 = arith.addi %mul3A_1000, %add3A_2034 : vector<16xi32>
      %gather3A = tpu.vector_load_idx %arg12[%add3A_992, %add3A_2035] : memref<128x128xf32, #tpu.memory_space<vmem>>[vector<16xi32>, vector<16xi32>], vector<16xf32>,
      %add3A_2036 = vector.broadcast %scan3A_2032 : i32 to vector<16xi32>
      %add3A_2037 = arith.addi %mul3A_1008, %add3A_2036 : vector<16xi32>
      %gather3A_2038 = tpu.vector_load_idx %arg13[%add3A_992, %add3A_2037] : memref<128x128xf32, #tpu.memory_space<vmem>>[vector<16xi32>, vector<16xi32>], vector<16xf32>,
      %sub3A_2039 = arith.subf %gather3A, %gather3A_2038 : vector<16xf32>
      %mul3A_2040 = arith.mulf %sub3A_2039, %sub3A_2039 : vector<16xf32>
      %add3A_2041 = arith.addf %scan3A_2033, %mul3A_2040 : vector<16xf32>
      scf.yield %add3A_2041 : vector<16xf32>
    }
    %scan3A_1016 = arith.constant 64 : i32
    %sub3A_1017 = arith.constant 2.000000e+00 : f32
    %sub3A_1018 = vector.broadcast %sub3A_1017 : f32 to vector<16xf32>
    %sub3A_1019 = arith.subf %scan3A_1015, %sub3A_1018 : vector<16xf32>
    %div3A_1020 = arith.constant 1.000000e+00 : f32
    %div3A_1021 = vector.broadcast %div3A_1020 : f32 to vector<16xf32>
    %div3A_1022 = arith.divf %sub3A_1019, %div3A_1021 : vector<16xf32>
    %exp3A_1023 = math.exp %div3A_1022 : vector<16xf32>
    %add3A_1024 = arith.constant 1.000000e+00 : f32
    %add3A_1025 = vector.broadcast %add3A_1024 : f32 to vector<16xf32>
    %add3A_1026 = arith.addf %exp3A_1023, %add3A_1025 : vector<16xf32>
    %div3A_1027 = arith.constant 1.000000e+00 : f32
    %div3A_1028 = vector.broadcast %div3A_1027 : f32 to vector<16xf32>
    %div3A_1029 = arith.divf %div3A_1028, %add3A_1026 : vector<16xf32>
    %swap3A_1030 = arith.constant 128 : index
    %swap3A_1031 = tpu.vector_load %arg14[%swap3A_1030] {strides = array<i32>} : memref<512xf32, #tpu.memory_space<vmem>>, vector<16xf32>,
    tpu.vector_store %arg14[%swap3A_1030], %div3A_1029 {strides = array<i32>} : memref<512xf32, #tpu.memory_space<vmem>>, vector<16xf32>,
    %add3A_1032 = arith.constant 16 : i32
    %add3A_1033 = vector.broadcast %add3A_1032 : i32 to vector<16xi32>
    %add3A_1034 = arith.addi %iota3A, %add3A_1033 : vector<16xi32>
    %get3A_1035 = arith.constant 144 : index
    %get3A_1036 = tpu.vector_load %arg6[%get3A_1035] {strides = array<i32>} : memref<512xi32, #tpu.memory_space<vmem>>, vector<16xi32>,
    %and3A_1037 = arith.constant 1 : i32
    %and3A_1038 = vector.broadcast %and3A_1037 : i32 to vector<16xi32>
    %and3A_1039 = arith.andi %get3A_1036, %and3A_1038 : vector<16xi32>
    %mul3A_1040 = arith.constant 64 : i32
    %mul3A_1041 = vector.broadcast %mul3A_1040 : i32 to vector<16xi32>
    %mul3A_1042 = arith.muli %and3A_1039, %mul3A_1041 : vector<16xi32>
    %get3A_1043 = arith.constant 144 : index
    %get3A_1044 = tpu.vector_load %arg7[%get3A_1043] {strides = array<i32>} : memref<512xi32, #tpu.memory_space<vmem>>, vector<16xi32>,
    %and3A_1045 = arith.constant 1 : i32
    %and3A_1046 = vector.broadcast %and3A_1045 : i32 to vector<16xi32>
    %and3A_1047 = arith.andi %get3A_1044, %and3A_1046 : vector<16xi32>
    %mul3A_1048 = arith.constant 64 : i32
    %mul3A_1049 = vector.broadcast %mul3A_1048 : i32 to vector<16xi32>
    %mul3A_1050 = arith.muli %and3A_1047, %mul3A_1049 : vector<16xi32>
    %broadcast_in_dim3A_1051 = arith.constant 0.000000e+00 : f32
    %broadcast_in_dim3A_1052 = vector.broadcast %broadcast_in_dim3A_1051 : f32 to vector<16xf32>
    %scan3A_1053 = arith.constant 0 : i32
    %scan3A_1054 = arith.constant 64 : i32
    %scan3A_1055 = arith.addi %scan3A_1053, %scan3A_1054 : i32
    %scan3A_1056 = arith.constant 1 : i32
    %scan3A_1057 = scf.for %scan3A_2032 = %scan3A_1053 to %scan3A_1055 step %scan3A_1056 iter_args(%scan3A_2033 = %broadcast_in_dim3A_1052) -> (vector<16xf32>)  : i32 {
      %add3A_2034 = vector.broadcast %scan3A_2032 : i32 to vector<16xi32>
      %add3A_2035 = arith.addi %mul3A_1042, %add3A_2034 : vector<16xi32>
      %gather3A = tpu.vector_load_idx %arg12[%add3A_1034, %add3A_2035] : memref<128x128xf32, #tpu.memory_space<vmem>>[vector<16xi32>, vector<16xi32>], vector<16xf32>,
      %add3A_2036 = vector.broadcast %scan3A_2032 : i32 to vector<16xi32>
      %add3A_2037 = arith.addi %mul3A_1050, %add3A_2036 : vector<16xi32>
      %gather3A_2038 = tpu.vector_load_idx %arg13[%add3A_1034, %add3A_2037] : memref<128x128xf32, #tpu.memory_space<vmem>>[vector<16xi32>, vector<16xi32>], vector<16xf32>,
      %sub3A_2039 = arith.subf %gather3A, %gather3A_2038 : vector<16xf32>
      %mul3A_2040 = arith.mulf %sub3A_2039, %sub3A_2039 : vector<16xf32>
      %add3A_2041 = arith.addf %scan3A_2033, %mul3A_2040 : vector<16xf32>
      scf.yield %add3A_2041 : vector<16xf32>
    }
    %scan3A_1058 = arith.constant 64 : i32
    %sub3A_1059 = arith.constant 2.000000e+00 : f32
    %sub3A_1060 = vector.broadcast %sub3A_1059 : f32 to vector<16xf32>
    %sub3A_1061 = arith.subf %scan3A_1057, %sub3A_1060 : vector<16xf32>
    %div3A_1062 = arith.constant 1.000000e+00 : f32
    %div3A_1063 = vector.broadcast %div3A_1062 : f32 to vector<16xf32>
    %div3A_1064 = arith.divf %sub3A_1061, %div3A_1063 : vector<16xf32>
    %exp3A_1065 = math.exp %div3A_1064 : vector<16xf32>
    %add3A_1066 = arith.constant 1.000000e+00 : f32
    %add3A_1067 = vector.broadcast %add3A_1066 : f32 to vector<16xf32>
    %add3A_1068 = arith.addf %exp3A_1065, %add3A_1067 : vector<16xf32>
    %div3A_1069 = arith.constant 1.000000e+00 : f32
    %div3A_1070 = vector.broadcast %div3A_1069 : f32 to vector<16xf32>
    %div3A_1071 = arith.divf %div3A_1070, %add3A_1068 : vector<16xf32>
    %swap3A_1072 = arith.constant 144 : index
    %swap3A_1073 = tpu.vector_load %arg14[%swap3A_1072] {strides = array<i32>} : memref<512xf32, #tpu.memory_space<vmem>>, vector<16xf32>,
    tpu.vector_store %arg14[%swap3A_1072], %div3A_1071 {strides = array<i32>} : memref<512xf32, #tpu.memory_space<vmem>>, vector<16xf32>,
    %add3A_1074 = arith.constant 32 : i32
    %add3A_1075 = vector.broadcast %add3A_1074 : i32 to vector<16xi32>
    %add3A_1076 = arith.addi %iota3A, %add3A_1075 : vector<16xi32>
    %get3A_1077 = arith.constant 160 : index
    %get3A_1078 = tpu.vector_load %arg6[%get3A_1077] {strides = array<i32>} : memref<512xi32, #tpu.memory_space<vmem>>, vector<16xi32>,
    %and3A_1079 = arith.constant 1 : i32
    %and3A_1080 = vector.broadcast %and3A_1079 : i32 to vector<16xi32>
    %and3A_1081 = arith.andi %get3A_1078, %and3A_1080 : vector<16xi32>
    %mul3A_1082 = arith.constant 64 : i32
    %mul3A_1083 = vector.broadcast %mul3A_1082 : i32 to vector<16xi32>
    %mul3A_1084 = arith.muli %and3A_1081, %mul3A_1083 : vector<16xi32>
    %get3A_1085 = arith.constant 160 : index
    %get3A_1086 = tpu.vector_load %arg7[%get3A_1085] {strides = array<i32>} : memref<512xi32, #tpu.memory_space<vmem>>, vector<16xi32>,
    %and3A_1087 = arith.constant 1 : i32
    %and3A_1088 = vector.broadcast %and3A_1087 : i32 to vector<16xi32>
    %and3A_1089 = arith.andi %get3A_1086, %and3A_1088 : vector<16xi32>
    %mul3A_1090 = arith.constant 64 : i32
    %mul3A_1091 = vector.broadcast %mul3A_1090 : i32 to vector<16xi32>
    %mul3A_1092 = arith.muli %and3A_1089, %mul3A_1091 : vector<16xi32>
    %broadcast_in_dim3A_1093 = arith.constant 0.000000e+00 : f32
    %broadcast_in_dim3A_1094 = vector.broadcast %broadcast_in_dim3A_1093 : f32 to vector<16xf32>
    %scan3A_1095 = arith.constant 0 : i32
    %scan3A_1096 = arith.constant 64 : i32
    %scan3A_1097 = arith.addi %scan3A_1095, %scan3A_1096 : i32
    %scan3A_1098 = arith.constant 1 : i32
    %scan3A_1099 = scf.for %scan3A_2032 = %scan3A_1095 to %scan3A_1097 step %scan3A_1098 iter_args(%scan3A_2033 = %broadcast_in_dim3A_1094) -> (vector<16xf32>)  : i32 {
      %add3A_2034 = vector.broadcast %scan3A_2032 : i32 to vector<16xi32>
      %add3A_2035 = arith.addi %mul3A_1084, %add3A_2034 : vector<16xi32>
      %gather3A = tpu.vector_load_idx %arg12[%add3A_1076, %add3A_2035] : memref<128x128xf32, #tpu.memory_space<vmem>>[vector<16xi32>, vector<16xi32>], vector<16xf32>,
      %add3A_2036 = vector.broadcast %scan3A_2032 : i32 to vector<16xi32>
      %add3A_2037 = arith.addi %mul3A_1092, %add3A_2036 : vector<16xi32>
      %gather3A_2038 = tpu.vector_load_idx %arg13[%add3A_1076, %add3A_2037] : memref<128x128xf32, #tpu.memory_space<vmem>>[vector<16xi32>, vector<16xi32>], vector<16xf32>,
      %sub3A_2039 = arith.subf %gather3A, %gather3A_2038 : vector<16xf32>
      %mul3A_2040 = arith.mulf %sub3A_2039, %sub3A_2039 : vector<16xf32>
      %add3A_2041 = arith.addf %scan3A_2033, %mul3A_2040 : vector<16xf32>
      scf.yield %add3A_2041 : vector<16xf32>
    }
    %scan3A_1100 = arith.constant 64 : i32
    %sub3A_1101 = arith.constant 2.000000e+00 : f32
    %sub3A_1102 = vector.broadcast %sub3A_1101 : f32 to vector<16xf32>
    %sub3A_1103 = arith.subf %scan3A_1099, %sub3A_1102 : vector<16xf32>
    %div3A_1104 = arith.constant 1.000000e+00 : f32
    %div3A_1105 = vector.broadcast %div3A_1104 : f32 to vector<16xf32>
    %div3A_1106 = arith.divf %sub3A_1103, %div3A_1105 : vector<16xf32>
    %exp3A_1107 = math.exp %div3A_1106 : vector<16xf32>
    %add3A_1108 = arith.constant 1.000000e+00 : f32
    %add3A_1109 = vector.broadcast %add3A_1108 : f32 to vector<16xf32>
    %add3A_1110 = arith.addf %exp3A_1107, %add3A_1109 : vector<16xf32>
    %div3A_1111 = arith.constant 1.000000e+00 : f32
    %div3A_1112 = vector.broadcast %div3A_1111 : f32 to vector<16xf32>
    %div3A_1113 = arith.divf %div3A_1112, %add3A_1110 : vector<16xf32>
    %swap3A_1114 = arith.constant 160 : index
    %swap3A_1115 = tpu.vector_load %arg14[%swap3A_1114] {strides = array<i32>} : memref<512xf32, #tpu.memory_space<vmem>>, vector<16xf32>,
    tpu.vector_store %arg14[%swap3A_1114], %div3A_1113 {strides = array<i32>} : memref<512xf32, #tpu.memory_space<vmem>>, vector<16xf32>,
    %add3A_1116 = arith.constant 48 : i32
    %add3A_1117 = vector.broadcast %add3A_1116 : i32 to vector<16xi32>
    %add3A_1118 = arith.addi %iota3A, %add3A_1117 : vector<16xi32>
    %get3A_1119 = arith.constant 176 : index
    %get3A_1120 = tpu.vector_load %arg6[%get3A_1119] {strides = array<i32>} : memref<512xi32, #tpu.memory_space<vmem>>, vector<16xi32>,
    %and3A_1121 = arith.constant 1 : i32
    %and3A_1122 = vector.broadcast %and3A_1121 : i32 to vector<16xi32>
    %and3A_1123 = arith.andi %get3A_1120, %and3A_1122 : vector<16xi32>
    %mul3A_1124 = arith.constant 64 : i32
    %mul3A_1125 = vector.broadcast %mul3A_1124 : i32 to vector<16xi32>
    %mul3A_1126 = arith.muli %and3A_1123, %mul3A_1125 : vector<16xi32>
    %get3A_1127 = arith.constant 176 : index
    %get3A_1128 = tpu.vector_load %arg7[%get3A_1127] {strides = array<i32>} : memref<512xi32, #tpu.memory_space<vmem>>, vector<16xi32>,
    %and3A_1129 = arith.constant 1 : i32
    %and3A_1130 = vector.broadcast %and3A_1129 : i32 to vector<16xi32>
    %and3A_1131 = arith.andi %get3A_1128, %and3A_1130 : vector<16xi32>
    %mul3A_1132 = arith.constant 64 : i32
    %mul3A_1133 = vector.broadcast %mul3A_1132 : i32 to vector<16xi32>
    %mul3A_1134 = arith.muli %and3A_1131, %mul3A_1133 : vector<16xi32>
    %broadcast_in_dim3A_1135 = arith.constant 0.000000e+00 : f32
    %broadcast_in_dim3A_1136 = vector.broadcast %broadcast_in_dim3A_1135 : f32 to vector<16xf32>
    %scan3A_1137 = arith.constant 0 : i32
    %scan3A_1138 = arith.constant 64 : i32
    %scan3A_1139 = arith.addi %scan3A_1137, %scan3A_1138 : i32
    %scan3A_1140 = arith.constant 1 : i32
    %scan3A_1141 = scf.for %scan3A_2032 = %scan3A_1137 to %scan3A_1139 step %scan3A_1140 iter_args(%scan3A_2033 = %broadcast_in_dim3A_1136) -> (vector<16xf32>)  : i32 {
      %add3A_2034 = vector.broadcast %scan3A_2032 : i32 to vector<16xi32>
      %add3A_2035 = arith.addi %mul3A_1126, %add3A_2034 : vector<16xi32>
      %gather3A = tpu.vector_load_idx %arg12[%add3A_1118, %add3A_2035] : memref<128x128xf32, #tpu.memory_space<vmem>>[vector<16xi32>, vector<16xi32>], vector<16xf32>,
      %add3A_2036 = vector.broadcast %scan3A_2032 : i32 to vector<16xi32>
      %add3A_2037 = arith.addi %mul3A_1134, %add3A_2036 : vector<16xi32>
      %gather3A_2038 = tpu.vector_load_idx %arg13[%add3A_1118, %add3A_2037] : memref<128x128xf32, #tpu.memory_space<vmem>>[vector<16xi32>, vector<16xi32>], vector<16xf32>,
      %sub3A_2039 = arith.subf %gather3A, %gather3A_2038 : vector<16xf32>
      %mul3A_2040 = arith.mulf %sub3A_2039, %sub3A_2039 : vector<16xf32>
      %add3A_2041 = arith.addf %scan3A_2033, %mul3A_2040 : vector<16xf32>
      scf.yield %add3A_2041 : vector<16xf32>
    }
    %scan3A_1142 = arith.constant 64 : i32
    %sub3A_1143 = arith.constant 2.000000e+00 : f32
    %sub3A_1144 = vector.broadcast %sub3A_1143 : f32 to vector<16xf32>
    %sub3A_1145 = arith.subf %scan3A_1141, %sub3A_1144 : vector<16xf32>
    %div3A_1146 = arith.constant 1.000000e+00 : f32
    %div3A_1147 = vector.broadcast %div3A_1146 : f32 to vector<16xf32>
    %div3A_1148 = arith.divf %sub3A_1145, %div3A_1147 : vector<16xf32>
    %exp3A_1149 = math.exp %div3A_1148 : vector<16xf32>
    %add3A_1150 = arith.constant 1.000000e+00 : f32
    %add3A_1151 = vector.broadcast %add3A_1150 : f32 to vector<16xf32>
    %add3A_1152 = arith.addf %exp3A_1149, %add3A_1151 : vector<16xf32>
    %div3A_1153 = arith.constant 1.000000e+00 : f32
    %div3A_1154 = vector.broadcast %div3A_1153 : f32 to vector<16xf32>
    %div3A_1155 = arith.divf %div3A_1154, %add3A_1152 : vector<16xf32>
    %swap3A_1156 = arith.constant 176 : index
    %swap3A_1157 = tpu.vector_load %arg14[%swap3A_1156] {strides = array<i32>} : memref<512xf32, #tpu.memory_space<vmem>>, vector<16xf32>,
    tpu.vector_store %arg14[%swap3A_1156], %div3A_1155 {strides = array<i32>} : memref<512xf32, #tpu.memory_space<vmem>>, vector<16xf32>,
    %add3A_1158 = arith.constant 64 : i32
    %add3A_1159 = vector.broadcast %add3A_1158 : i32 to vector<16xi32>
    %add3A_1160 = arith.addi %iota3A, %add3A_1159 : vector<16xi32>
    %get3A_1161 = arith.constant 192 : index
    %get3A_1162 = tpu.vector_load %arg6[%get3A_1161] {strides = array<i32>} : memref<512xi32, #tpu.memory_space<vmem>>, vector<16xi32>,
    %and3A_1163 = arith.constant 1 : i32
    %and3A_1164 = vector.broadcast %and3A_1163 : i32 to vector<16xi32>
    %and3A_1165 = arith.andi %get3A_1162, %and3A_1164 : vector<16xi32>
    %mul3A_1166 = arith.constant 64 : i32
    %mul3A_1167 = vector.broadcast %mul3A_1166 : i32 to vector<16xi32>
    %mul3A_1168 = arith.muli %and3A_1165, %mul3A_1167 : vector<16xi32>
    %get3A_1169 = arith.constant 192 : index
    %get3A_1170 = tpu.vector_load %arg7[%get3A_1169] {strides = array<i32>} : memref<512xi32, #tpu.memory_space<vmem>>, vector<16xi32>,
    %and3A_1171 = arith.constant 1 : i32
    %and3A_1172 = vector.broadcast %and3A_1171 : i32 to vector<16xi32>
    %and3A_1173 = arith.andi %get3A_1170, %and3A_1172 : vector<16xi32>
    %mul3A_1174 = arith.constant 64 : i32
    %mul3A_1175 = vector.broadcast %mul3A_1174 : i32 to vector<16xi32>
    %mul3A_1176 = arith.muli %and3A_1173, %mul3A_1175 : vector<16xi32>
    %broadcast_in_dim3A_1177 = arith.constant 0.000000e+00 : f32
    %broadcast_in_dim3A_1178 = vector.broadcast %broadcast_in_dim3A_1177 : f32 to vector<16xf32>
    %scan3A_1179 = arith.constant 0 : i32
    %scan3A_1180 = arith.constant 64 : i32
    %scan3A_1181 = arith.addi %scan3A_1179, %scan3A_1180 : i32
    %scan3A_1182 = arith.constant 1 : i32
    %scan3A_1183 = scf.for %scan3A_2032 = %scan3A_1179 to %scan3A_1181 step %scan3A_1182 iter_args(%scan3A_2033 = %broadcast_in_dim3A_1178) -> (vector<16xf32>)  : i32 {
      %add3A_2034 = vector.broadcast %scan3A_2032 : i32 to vector<16xi32>
      %add3A_2035 = arith.addi %mul3A_1168, %add3A_2034 : vector<16xi32>
      %gather3A = tpu.vector_load_idx %arg12[%add3A_1160, %add3A_2035] : memref<128x128xf32, #tpu.memory_space<vmem>>[vector<16xi32>, vector<16xi32>], vector<16xf32>,
      %add3A_2036 = vector.broadcast %scan3A_2032 : i32 to vector<16xi32>
      %add3A_2037 = arith.addi %mul3A_1176, %add3A_2036 : vector<16xi32>
      %gather3A_2038 = tpu.vector_load_idx %arg13[%add3A_1160, %add3A_2037] : memref<128x128xf32, #tpu.memory_space<vmem>>[vector<16xi32>, vector<16xi32>], vector<16xf32>,
      %sub3A_2039 = arith.subf %gather3A, %gather3A_2038 : vector<16xf32>
      %mul3A_2040 = arith.mulf %sub3A_2039, %sub3A_2039 : vector<16xf32>
      %add3A_2041 = arith.addf %scan3A_2033, %mul3A_2040 : vector<16xf32>
      scf.yield %add3A_2041 : vector<16xf32>
    }
    %scan3A_1184 = arith.constant 64 : i32
    %sub3A_1185 = arith.constant 2.000000e+00 : f32
    %sub3A_1186 = vector.broadcast %sub3A_1185 : f32 to vector<16xf32>
    %sub3A_1187 = arith.subf %scan3A_1183, %sub3A_1186 : vector<16xf32>
    %div3A_1188 = arith.constant 1.000000e+00 : f32
    %div3A_1189 = vector.broadcast %div3A_1188 : f32 to vector<16xf32>
    %div3A_1190 = arith.divf %sub3A_1187, %div3A_1189 : vector<16xf32>
    %exp3A_1191 = math.exp %div3A_1190 : vector<16xf32>
    %add3A_1192 = arith.constant 1.000000e+00 : f32
    %add3A_1193 = vector.broadcast %add3A_1192 : f32 to vector<16xf32>
    %add3A_1194 = arith.addf %exp3A_1191, %add3A_1193 : vector<16xf32>
    %div3A_1195 = arith.constant 1.000000e+00 : f32
    %div3A_1196 = vector.broadcast %div3A_1195 : f32 to vector<16xf32>
    %div3A_1197 = arith.divf %div3A_1196, %add3A_1194 : vector<16xf32>
    %swap3A_1198 = arith.constant 192 : index
    %swap3A_1199 = tpu.vector_load %arg14[%swap3A_1198] {strides = array<i32>} : memref<512xf32, #tpu.memory_space<vmem>>, vector<16xf32>,
    tpu.vector_store %arg14[%swap3A_1198], %div3A_1197 {strides = array<i32>} : memref<512xf32, #tpu.memory_space<vmem>>, vector<16xf32>,
    %add3A_1200 = arith.constant 80 : i32
    %add3A_1201 = vector.broadcast %add3A_1200 : i32 to vector<16xi32>
    %add3A_1202 = arith.addi %iota3A, %add3A_1201 : vector<16xi32>
    %get3A_1203 = arith.constant 208 : index
    %get3A_1204 = tpu.vector_load %arg6[%get3A_1203] {strides = array<i32>} : memref<512xi32, #tpu.memory_space<vmem>>, vector<16xi32>,
    %and3A_1205 = arith.constant 1 : i32
    %and3A_1206 = vector.broadcast %and3A_1205 : i32 to vector<16xi32>
    %and3A_1207 = arith.andi %get3A_1204, %and3A_1206 : vector<16xi32>
    %mul3A_1208 = arith.constant 64 : i32
    %mul3A_1209 = vector.broadcast %mul3A_1208 : i32 to vector<16xi32>
    %mul3A_1210 = arith.muli %and3A_1207, %mul3A_1209 : vector<16xi32>
    %get3A_1211 = arith.constant 208 : index
    %get3A_1212 = tpu.vector_load %arg7[%get3A_1211] {strides = array<i32>} : memref<512xi32, #tpu.memory_space<vmem>>, vector<16xi32>,
    %and3A_1213 = arith.constant 1 : i32
    %and3A_1214 = vector.broadcast %and3A_1213 : i32 to vector<16xi32>
    %and3A_1215 = arith.andi %get3A_1212, %and3A_1214 : vector<16xi32>
    %mul3A_1216 = arith.constant 64 : i32
    %mul3A_1217 = vector.broadcast %mul3A_1216 : i32 to vector<16xi32>
    %mul3A_1218 = arith.muli %and3A_1215, %mul3A_1217 : vector<16xi32>
    %broadcast_in_dim3A_1219 = arith.constant 0.000000e+00 : f32
    %broadcast_in_dim3A_1220 = vector.broadcast %broadcast_in_dim3A_1219 : f32 to vector<16xf32>
    %scan3A_1221 = arith.constant 0 : i32
    %scan3A_1222 = arith.constant 64 : i32
    %scan3A_1223 = arith.addi %scan3A_1221, %scan3A_1222 : i32
    %scan3A_1224 = arith.constant 1 : i32
    %scan3A_1225 = scf.for %scan3A_2032 = %scan3A_1221 to %scan3A_1223 step %scan3A_1224 iter_args(%scan3A_2033 = %broadcast_in_dim3A_1220) -> (vector<16xf32>)  : i32 {
      %add3A_2034 = vector.broadcast %scan3A_2032 : i32 to vector<16xi32>
      %add3A_2035 = arith.addi %mul3A_1210, %add3A_2034 : vector<16xi32>
      %gather3A = tpu.vector_load_idx %arg12[%add3A_1202, %add3A_2035] : memref<128x128xf32, #tpu.memory_space<vmem>>[vector<16xi32>, vector<16xi32>], vector<16xf32>,
      %add3A_2036 = vector.broadcast %scan3A_2032 : i32 to vector<16xi32>
      %add3A_2037 = arith.addi %mul3A_1218, %add3A_2036 : vector<16xi32>
      %gather3A_2038 = tpu.vector_load_idx %arg13[%add3A_1202, %add3A_2037] : memref<128x128xf32, #tpu.memory_space<vmem>>[vector<16xi32>, vector<16xi32>], vector<16xf32>,
      %sub3A_2039 = arith.subf %gather3A, %gather3A_2038 : vector<16xf32>
      %mul3A_2040 = arith.mulf %sub3A_2039, %sub3A_2039 : vector<16xf32>
      %add3A_2041 = arith.addf %scan3A_2033, %mul3A_2040 : vector<16xf32>
      scf.yield %add3A_2041 : vector<16xf32>
    }
    %scan3A_1226 = arith.constant 64 : i32
    %sub3A_1227 = arith.constant 2.000000e+00 : f32
    %sub3A_1228 = vector.broadcast %sub3A_1227 : f32 to vector<16xf32>
    %sub3A_1229 = arith.subf %scan3A_1225, %sub3A_1228 : vector<16xf32>
    %div3A_1230 = arith.constant 1.000000e+00 : f32
    %div3A_1231 = vector.broadcast %div3A_1230 : f32 to vector<16xf32>
    %div3A_1232 = arith.divf %sub3A_1229, %div3A_1231 : vector<16xf32>
    %exp3A_1233 = math.exp %div3A_1232 : vector<16xf32>
    %add3A_1234 = arith.constant 1.000000e+00 : f32
    %add3A_1235 = vector.broadcast %add3A_1234 : f32 to vector<16xf32>
    %add3A_1236 = arith.addf %exp3A_1233, %add3A_1235 : vector<16xf32>
    %div3A_1237 = arith.constant 1.000000e+00 : f32
    %div3A_1238 = vector.broadcast %div3A_1237 : f32 to vector<16xf32>
    %div3A_1239 = arith.divf %div3A_1238, %add3A_1236 : vector<16xf32>
    %swap3A_1240 = arith.constant 208 : index
    %swap3A_1241 = tpu.vector_load %arg14[%swap3A_1240] {strides = array<i32>} : memref<512xf32, #tpu.memory_space<vmem>>, vector<16xf32>,
    tpu.vector_store %arg14[%swap3A_1240], %div3A_1239 {strides = array<i32>} : memref<512xf32, #tpu.memory_space<vmem>>, vector<16xf32>,
    %add3A_1242 = arith.constant 96 : i32
    %add3A_1243 = vector.broadcast %add3A_1242 : i32 to vector<16xi32>
    %add3A_1244 = arith.addi %iota3A, %add3A_1243 : vector<16xi32>
    %get3A_1245 = arith.constant 224 : index
    %get3A_1246 = tpu.vector_load %arg6[%get3A_1245] {strides = array<i32>} : memref<512xi32, #tpu.memory_space<vmem>>, vector<16xi32>,
    %and3A_1247 = arith.constant 1 : i32
    %and3A_1248 = vector.broadcast %and3A_1247 : i32 to vector<16xi32>
    %and3A_1249 = arith.andi %get3A_1246, %and3A_1248 : vector<16xi32>
    %mul3A_1250 = arith.constant 64 : i32
    %mul3A_1251 = vector.broadcast %mul3A_1250 : i32 to vector<16xi32>
    %mul3A_1252 = arith.muli %and3A_1249, %mul3A_1251 : vector<16xi32>
    %get3A_1253 = arith.constant 224 : index
    %get3A_1254 = tpu.vector_load %arg7[%get3A_1253] {strides = array<i32>} : memref<512xi32, #tpu.memory_space<vmem>>, vector<16xi32>,
    %and3A_1255 = arith.constant 1 : i32
    %and3A_1256 = vector.broadcast %and3A_1255 : i32 to vector<16xi32>
    %and3A_1257 = arith.andi %get3A_1254, %and3A_1256 : vector<16xi32>
    %mul3A_1258 = arith.constant 64 : i32
    %mul3A_1259 = vector.broadcast %mul3A_1258 : i32 to vector<16xi32>
    %mul3A_1260 = arith.muli %and3A_1257, %mul3A_1259 : vector<16xi32>
    %broadcast_in_dim3A_1261 = arith.constant 0.000000e+00 : f32
    %broadcast_in_dim3A_1262 = vector.broadcast %broadcast_in_dim3A_1261 : f32 to vector<16xf32>
    %scan3A_1263 = arith.constant 0 : i32
    %scan3A_1264 = arith.constant 64 : i32
    %scan3A_1265 = arith.addi %scan3A_1263, %scan3A_1264 : i32
    %scan3A_1266 = arith.constant 1 : i32
    %scan3A_1267 = scf.for %scan3A_2032 = %scan3A_1263 to %scan3A_1265 step %scan3A_1266 iter_args(%scan3A_2033 = %broadcast_in_dim3A_1262) -> (vector<16xf32>)  : i32 {
      %add3A_2034 = vector.broadcast %scan3A_2032 : i32 to vector<16xi32>
      %add3A_2035 = arith.addi %mul3A_1252, %add3A_2034 : vector<16xi32>
      %gather3A = tpu.vector_load_idx %arg12[%add3A_1244, %add3A_2035] : memref<128x128xf32, #tpu.memory_space<vmem>>[vector<16xi32>, vector<16xi32>], vector<16xf32>,
      %add3A_2036 = vector.broadcast %scan3A_2032 : i32 to vector<16xi32>
      %add3A_2037 = arith.addi %mul3A_1260, %add3A_2036 : vector<16xi32>
      %gather3A_2038 = tpu.vector_load_idx %arg13[%add3A_1244, %add3A_2037] : memref<128x128xf32, #tpu.memory_space<vmem>>[vector<16xi32>, vector<16xi32>], vector<16xf32>,
      %sub3A_2039 = arith.subf %gather3A, %gather3A_2038 : vector<16xf32>
      %mul3A_2040 = arith.mulf %sub3A_2039, %sub3A_2039 : vector<16xf32>
      %add3A_2041 = arith.addf %scan3A_2033, %mul3A_2040 : vector<16xf32>
      scf.yield %add3A_2041 : vector<16xf32>
    }
    %scan3A_1268 = arith.constant 64 : i32
    %sub3A_1269 = arith.constant 2.000000e+00 : f32
    %sub3A_1270 = vector.broadcast %sub3A_1269 : f32 to vector<16xf32>
    %sub3A_1271 = arith.subf %scan3A_1267, %sub3A_1270 : vector<16xf32>
    %div3A_1272 = arith.constant 1.000000e+00 : f32
    %div3A_1273 = vector.broadcast %div3A_1272 : f32 to vector<16xf32>
    %div3A_1274 = arith.divf %sub3A_1271, %div3A_1273 : vector<16xf32>
    %exp3A_1275 = math.exp %div3A_1274 : vector<16xf32>
    %add3A_1276 = arith.constant 1.000000e+00 : f32
    %add3A_1277 = vector.broadcast %add3A_1276 : f32 to vector<16xf32>
    %add3A_1278 = arith.addf %exp3A_1275, %add3A_1277 : vector<16xf32>
    %div3A_1279 = arith.constant 1.000000e+00 : f32
    %div3A_1280 = vector.broadcast %div3A_1279 : f32 to vector<16xf32>
    %div3A_1281 = arith.divf %div3A_1280, %add3A_1278 : vector<16xf32>
    %swap3A_1282 = arith.constant 224 : index
    %swap3A_1283 = tpu.vector_load %arg14[%swap3A_1282] {strides = array<i32>} : memref<512xf32, #tpu.memory_space<vmem>>, vector<16xf32>,
    tpu.vector_store %arg14[%swap3A_1282], %div3A_1281 {strides = array<i32>} : memref<512xf32, #tpu.memory_space<vmem>>, vector<16xf32>,
    %add3A_1284 = arith.constant 112 : i32
    %add3A_1285 = vector.broadcast %add3A_1284 : i32 to vector<16xi32>
    %add3A_1286 = arith.addi %iota3A, %add3A_1285 : vector<16xi32>
    %get3A_1287 = arith.constant 240 : index
    %get3A_1288 = tpu.vector_load %arg6[%get3A_1287] {strides = array<i32>} : memref<512xi32, #tpu.memory_space<vmem>>, vector<16xi32>,
    %and3A_1289 = arith.constant 1 : i32
    %and3A_1290 = vector.broadcast %and3A_1289 : i32 to vector<16xi32>
    %and3A_1291 = arith.andi %get3A_1288, %and3A_1290 : vector<16xi32>
    %mul3A_1292 = arith.constant 64 : i32
    %mul3A_1293 = vector.broadcast %mul3A_1292 : i32 to vector<16xi32>
    %mul3A_1294 = arith.muli %and3A_1291, %mul3A_1293 : vector<16xi32>
    %get3A_1295 = arith.constant 240 : index
    %get3A_1296 = tpu.vector_load %arg7[%get3A_1295] {strides = array<i32>} : memref<512xi32, #tpu.memory_space<vmem>>, vector<16xi32>,
    %and3A_1297 = arith.constant 1 : i32
    %and3A_1298 = vector.broadcast %and3A_1297 : i32 to vector<16xi32>
    %and3A_1299 = arith.andi %get3A_1296, %and3A_1298 : vector<16xi32>
    %mul3A_1300 = arith.constant 64 : i32
    %mul3A_1301 = vector.broadcast %mul3A_1300 : i32 to vector<16xi32>
    %mul3A_1302 = arith.muli %and3A_1299, %mul3A_1301 : vector<16xi32>
    %broadcast_in_dim3A_1303 = arith.constant 0.000000e+00 : f32
    %broadcast_in_dim3A_1304 = vector.broadcast %broadcast_in_dim3A_1303 : f32 to vector<16xf32>
    %scan3A_1305 = arith.constant 0 : i32
    %scan3A_1306 = arith.constant 64 : i32
    %scan3A_1307 = arith.addi %scan3A_1305, %scan3A_1306 : i32
    %scan3A_1308 = arith.constant 1 : i32
    %scan3A_1309 = scf.for %scan3A_2032 = %scan3A_1305 to %scan3A_1307 step %scan3A_1308 iter_args(%scan3A_2033 = %broadcast_in_dim3A_1304) -> (vector<16xf32>)  : i32 {
      %add3A_2034 = vector.broadcast %scan3A_2032 : i32 to vector<16xi32>
      %add3A_2035 = arith.addi %mul3A_1294, %add3A_2034 : vector<16xi32>
      %gather3A = tpu.vector_load_idx %arg12[%add3A_1286, %add3A_2035] : memref<128x128xf32, #tpu.memory_space<vmem>>[vector<16xi32>, vector<16xi32>], vector<16xf32>,
      %add3A_2036 = vector.broadcast %scan3A_2032 : i32 to vector<16xi32>
      %add3A_2037 = arith.addi %mul3A_1302, %add3A_2036 : vector<16xi32>
      %gather3A_2038 = tpu.vector_load_idx %arg13[%add3A_1286, %add3A_2037] : memref<128x128xf32, #tpu.memory_space<vmem>>[vector<16xi32>, vector<16xi32>], vector<16xf32>,
      %sub3A_2039 = arith.subf %gather3A, %gather3A_2038 : vector<16xf32>
      %mul3A_2040 = arith.mulf %sub3A_2039, %sub3A_2039 : vector<16xf32>
      %add3A_2041 = arith.addf %scan3A_2033, %mul3A_2040 : vector<16xf32>
      scf.yield %add3A_2041 : vector<16xf32>
    }
    %scan3A_1310 = arith.constant 64 : i32
    %sub3A_1311 = arith.constant 2.000000e+00 : f32
    %sub3A_1312 = vector.broadcast %sub3A_1311 : f32 to vector<16xf32>
    %sub3A_1313 = arith.subf %scan3A_1309, %sub3A_1312 : vector<16xf32>
    %div3A_1314 = arith.constant 1.000000e+00 : f32
    %div3A_1315 = vector.broadcast %div3A_1314 : f32 to vector<16xf32>
    %div3A_1316 = arith.divf %sub3A_1313, %div3A_1315 : vector<16xf32>
    %exp3A_1317 = math.exp %div3A_1316 : vector<16xf32>
    %add3A_1318 = arith.constant 1.000000e+00 : f32
    %add3A_1319 = vector.broadcast %add3A_1318 : f32 to vector<16xf32>
    %add3A_1320 = arith.addf %exp3A_1317, %add3A_1319 : vector<16xf32>
    %div3A_1321 = arith.constant 1.000000e+00 : f32
    %div3A_1322 = vector.broadcast %div3A_1321 : f32 to vector<16xf32>
    %div3A_1323 = arith.divf %div3A_1322, %add3A_1320 : vector<16xf32>
    %swap3A_1324 = arith.constant 240 : index
    %swap3A_1325 = tpu.vector_load %arg14[%swap3A_1324] {strides = array<i32>} : memref<512xf32, #tpu.memory_space<vmem>>, vector<16xf32>,
    tpu.vector_store %arg14[%swap3A_1324], %div3A_1323 {strides = array<i32>} : memref<512xf32, #tpu.memory_space<vmem>>, vector<16xf32>,
    %dma_start3A_1326 = arith.constant 384 : i32
    %dma_start3A_1327 = tpu.memref_slice %arg8[%dma_start3A_1326] : memref<512xi32, #tpu.memory_space<vmem>> -> memref<128xi32, #tpu.memory_space<vmem>>
    %dma_start3A_1328 = arith.constant 0 : i32
    %dma_start3A_1329 = arith.constant 0 : i32
    %dma_start3A_1330 = tpu.memref_slice %arg2[%dma_start3A_1328, %dma_start3A_1329] : memref<500000x128xf32, #tpu.memory_space<hbm>> -> memref<500000x128xf32, #tpu.memory_space<hbm>>
    tpu.enqueue_indirect_dma source(%dma_start3A_1330 : memref<500000x128xf32, #tpu.memory_space<hbm>>) target(%arg12 : memref<128x128xf32, #tpu.memory_space<vmem>>) offsets(%dma_start3A_1327 : memref<128xi32, #tpu.memory_space<vmem>>) semaphore(%arg17 : memref<!tpu.dma_semaphore, #tpu.memory_space<semaphore_mem>>)
    %dma_start3A_1331 = arith.constant 384 : i32
    %dma_start3A_1332 = tpu.memref_slice %arg9[%dma_start3A_1331] : memref<512xi32, #tpu.memory_space<vmem>> -> memref<128xi32, #tpu.memory_space<vmem>>
    %dma_start3A_1333 = arith.constant 0 : i32
    %dma_start3A_1334 = arith.constant 0 : i32
    %dma_start3A_1335 = tpu.memref_slice %arg2[%dma_start3A_1333, %dma_start3A_1334] : memref<500000x128xf32, #tpu.memory_space<hbm>> -> memref<500000x128xf32, #tpu.memory_space<hbm>>
    tpu.enqueue_indirect_dma source(%dma_start3A_1335 : memref<500000x128xf32, #tpu.memory_space<hbm>>) target(%arg13 : memref<128x128xf32, #tpu.memory_space<vmem>>) offsets(%dma_start3A_1332 : memref<128xi32, #tpu.memory_space<vmem>>) semaphore(%arg18 : memref<!tpu.dma_semaphore, #tpu.memory_space<semaphore_mem>>)
    %dma_wait3A_1336 = arith.constant 0 : i32
    %dma_wait3A_1337 = arith.constant 0 : i32
    %dma_wait3A_1338 = tpu.memref_slice %arg2[%dma_wait3A_1336, %dma_wait3A_1337] : memref<500000x128xf32, #tpu.memory_space<hbm>> -> memref<128x128xf32, #tpu.memory_space<hbm>>
    %dma_wait3A_1339 = arith.constant 0 : i32
    %dma_wait3A_1340 = arith.constant 0 : i32
    %dma_wait3A_1341 = tpu.memref_slice %arg2[%dma_wait3A_1339, %dma_wait3A_1340] : memref<500000x128xf32, #tpu.memory_space<hbm>> -> memref<128x128xf32, #tpu.memory_space<hbm>>
    tpu.wait_dma2 semaphore(%arg15 : memref<!tpu.dma_semaphore, #tpu.memory_space<semaphore_mem>>) src(%dma_wait3A_1341 : memref<128x128xf32, #tpu.memory_space<hbm>>) dst(%arg10 : memref<128x128xf32, #tpu.memory_space<vmem>>)
    %dma_wait3A_1342 = arith.constant 0 : i32
    %dma_wait3A_1343 = arith.constant 0 : i32
    %dma_wait3A_1344 = tpu.memref_slice %arg2[%dma_wait3A_1342, %dma_wait3A_1343] : memref<500000x128xf32, #tpu.memory_space<hbm>> -> memref<128x128xf32, #tpu.memory_space<hbm>>
    %dma_wait3A_1345 = arith.constant 0 : i32
    %dma_wait3A_1346 = arith.constant 0 : i32
    %dma_wait3A_1347 = tpu.memref_slice %arg2[%dma_wait3A_1345, %dma_wait3A_1346] : memref<500000x128xf32, #tpu.memory_space<hbm>> -> memref<128x128xf32, #tpu.memory_space<hbm>>
    tpu.wait_dma2 semaphore(%arg16 : memref<!tpu.dma_semaphore, #tpu.memory_space<semaphore_mem>>) src(%dma_wait3A_1347 : memref<128x128xf32, #tpu.memory_space<hbm>>) dst(%arg11 : memref<128x128xf32, #tpu.memory_space<vmem>>)
    %add3A_1348 = arith.constant 0 : i32
    %add3A_1349 = vector.broadcast %add3A_1348 : i32 to vector<16xi32>
    %add3A_1350 = arith.addi %iota3A, %add3A_1349 : vector<16xi32>
    %get3A_1351 = arith.constant 256 : index
    %get3A_1352 = tpu.vector_load %arg6[%get3A_1351] {strides = array<i32>} : memref<512xi32, #tpu.memory_space<vmem>>, vector<16xi32>,
    %and3A_1353 = arith.constant 1 : i32
    %and3A_1354 = vector.broadcast %and3A_1353 : i32 to vector<16xi32>
    %and3A_1355 = arith.andi %get3A_1352, %and3A_1354 : vector<16xi32>
    %mul3A_1356 = arith.constant 64 : i32
    %mul3A_1357 = vector.broadcast %mul3A_1356 : i32 to vector<16xi32>
    %mul3A_1358 = arith.muli %and3A_1355, %mul3A_1357 : vector<16xi32>
    %get3A_1359 = arith.constant 256 : index
    %get3A_1360 = tpu.vector_load %arg7[%get3A_1359] {strides = array<i32>} : memref<512xi32, #tpu.memory_space<vmem>>, vector<16xi32>,
    %and3A_1361 = arith.constant 1 : i32
    %and3A_1362 = vector.broadcast %and3A_1361 : i32 to vector<16xi32>
    %and3A_1363 = arith.andi %get3A_1360, %and3A_1362 : vector<16xi32>
    %mul3A_1364 = arith.constant 64 : i32
    %mul3A_1365 = vector.broadcast %mul3A_1364 : i32 to vector<16xi32>
    %mul3A_1366 = arith.muli %and3A_1363, %mul3A_1365 : vector<16xi32>
    %broadcast_in_dim3A_1367 = arith.constant 0.000000e+00 : f32
    %broadcast_in_dim3A_1368 = vector.broadcast %broadcast_in_dim3A_1367 : f32 to vector<16xf32>
    %scan3A_1369 = arith.constant 0 : i32
    %scan3A_1370 = arith.constant 64 : i32
    %scan3A_1371 = arith.addi %scan3A_1369, %scan3A_1370 : i32
    %scan3A_1372 = arith.constant 1 : i32
    %scan3A_1373 = scf.for %scan3A_2032 = %scan3A_1369 to %scan3A_1371 step %scan3A_1372 iter_args(%scan3A_2033 = %broadcast_in_dim3A_1368) -> (vector<16xf32>)  : i32 {
      %add3A_2034 = vector.broadcast %scan3A_2032 : i32 to vector<16xi32>
      %add3A_2035 = arith.addi %mul3A_1358, %add3A_2034 : vector<16xi32>
      %gather3A = tpu.vector_load_idx %arg10[%add3A_1350, %add3A_2035] : memref<128x128xf32, #tpu.memory_space<vmem>>[vector<16xi32>, vector<16xi32>], vector<16xf32>,
      %add3A_2036 = vector.broadcast %scan3A_2032 : i32 to vector<16xi32>
      %add3A_2037 = arith.addi %mul3A_1366, %add3A_2036 : vector<16xi32>
      %gather3A_2038 = tpu.vector_load_idx %arg11[%add3A_1350, %add3A_2037] : memref<128x128xf32, #tpu.memory_space<vmem>>[vector<16xi32>, vector<16xi32>], vector<16xf32>,
      %sub3A_2039 = arith.subf %gather3A, %gather3A_2038 : vector<16xf32>
      %mul3A_2040 = arith.mulf %sub3A_2039, %sub3A_2039 : vector<16xf32>
      %add3A_2041 = arith.addf %scan3A_2033, %mul3A_2040 : vector<16xf32>
      scf.yield %add3A_2041 : vector<16xf32>
    }
    %scan3A_1374 = arith.constant 64 : i32
    %sub3A_1375 = arith.constant 2.000000e+00 : f32
    %sub3A_1376 = vector.broadcast %sub3A_1375 : f32 to vector<16xf32>
    %sub3A_1377 = arith.subf %scan3A_1373, %sub3A_1376 : vector<16xf32>
    %div3A_1378 = arith.constant 1.000000e+00 : f32
    %div3A_1379 = vector.broadcast %div3A_1378 : f32 to vector<16xf32>
    %div3A_1380 = arith.divf %sub3A_1377, %div3A_1379 : vector<16xf32>
    %exp3A_1381 = math.exp %div3A_1380 : vector<16xf32>
    %add3A_1382 = arith.constant 1.000000e+00 : f32
    %add3A_1383 = vector.broadcast %add3A_1382 : f32 to vector<16xf32>
    %add3A_1384 = arith.addf %exp3A_1381, %add3A_1383 : vector<16xf32>
    %div3A_1385 = arith.constant 1.000000e+00 : f32
    %div3A_1386 = vector.broadcast %div3A_1385 : f32 to vector<16xf32>
    %div3A_1387 = arith.divf %div3A_1386, %add3A_1384 : vector<16xf32>
    %swap3A_1388 = arith.constant 256 : index
    %swap3A_1389 = tpu.vector_load %arg14[%swap3A_1388] {strides = array<i32>} : memref<512xf32, #tpu.memory_space<vmem>>, vector<16xf32>,
    tpu.vector_store %arg14[%swap3A_1388], %div3A_1387 {strides = array<i32>} : memref<512xf32, #tpu.memory_space<vmem>>, vector<16xf32>,
    %add3A_1390 = arith.constant 16 : i32
    %add3A_1391 = vector.broadcast %add3A_1390 : i32 to vector<16xi32>
    %add3A_1392 = arith.addi %iota3A, %add3A_1391 : vector<16xi32>
    %get3A_1393 = arith.constant 272 : index
    %get3A_1394 = tpu.vector_load %arg6[%get3A_1393] {strides = array<i32>} : memref<512xi32, #tpu.memory_space<vmem>>, vector<16xi32>,
    %and3A_1395 = arith.constant 1 : i32
    %and3A_1396 = vector.broadcast %and3A_1395 : i32 to vector<16xi32>
    %and3A_1397 = arith.andi %get3A_1394, %and3A_1396 : vector<16xi32>
    %mul3A_1398 = arith.constant 64 : i32
    %mul3A_1399 = vector.broadcast %mul3A_1398 : i32 to vector<16xi32>
    %mul3A_1400 = arith.muli %and3A_1397, %mul3A_1399 : vector<16xi32>
    %get3A_1401 = arith.constant 272 : index
    %get3A_1402 = tpu.vector_load %arg7[%get3A_1401] {strides = array<i32>} : memref<512xi32, #tpu.memory_space<vmem>>, vector<16xi32>,
    %and3A_1403 = arith.constant 1 : i32
    %and3A_1404 = vector.broadcast %and3A_1403 : i32 to vector<16xi32>
    %and3A_1405 = arith.andi %get3A_1402, %and3A_1404 : vector<16xi32>
    %mul3A_1406 = arith.constant 64 : i32
    %mul3A_1407 = vector.broadcast %mul3A_1406 : i32 to vector<16xi32>
    %mul3A_1408 = arith.muli %and3A_1405, %mul3A_1407 : vector<16xi32>
    %broadcast_in_dim3A_1409 = arith.constant 0.000000e+00 : f32
    %broadcast_in_dim3A_1410 = vector.broadcast %broadcast_in_dim3A_1409 : f32 to vector<16xf32>
    %scan3A_1411 = arith.constant 0 : i32
    %scan3A_1412 = arith.constant 64 : i32
    %scan3A_1413 = arith.addi %scan3A_1411, %scan3A_1412 : i32
    %scan3A_1414 = arith.constant 1 : i32
    %scan3A_1415 = scf.for %scan3A_2032 = %scan3A_1411 to %scan3A_1413 step %scan3A_1414 iter_args(%scan3A_2033 = %broadcast_in_dim3A_1410) -> (vector<16xf32>)  : i32 {
      %add3A_2034 = vector.broadcast %scan3A_2032 : i32 to vector<16xi32>
      %add3A_2035 = arith.addi %mul3A_1400, %add3A_2034 : vector<16xi32>
      %gather3A = tpu.vector_load_idx %arg10[%add3A_1392, %add3A_2035] : memref<128x128xf32, #tpu.memory_space<vmem>>[vector<16xi32>, vector<16xi32>], vector<16xf32>,
      %add3A_2036 = vector.broadcast %scan3A_2032 : i32 to vector<16xi32>
      %add3A_2037 = arith.addi %mul3A_1408, %add3A_2036 : vector<16xi32>
      %gather3A_2038 = tpu.vector_load_idx %arg11[%add3A_1392, %add3A_2037] : memref<128x128xf32, #tpu.memory_space<vmem>>[vector<16xi32>, vector<16xi32>], vector<16xf32>,
      %sub3A_2039 = arith.subf %gather3A, %gather3A_2038 : vector<16xf32>
      %mul3A_2040 = arith.mulf %sub3A_2039, %sub3A_2039 : vector<16xf32>
      %add3A_2041 = arith.addf %scan3A_2033, %mul3A_2040 : vector<16xf32>
      scf.yield %add3A_2041 : vector<16xf32>
    }
    %scan3A_1416 = arith.constant 64 : i32
    %sub3A_1417 = arith.constant 2.000000e+00 : f32
    %sub3A_1418 = vector.broadcast %sub3A_1417 : f32 to vector<16xf32>
    %sub3A_1419 = arith.subf %scan3A_1415, %sub3A_1418 : vector<16xf32>
    %div3A_1420 = arith.constant 1.000000e+00 : f32
    %div3A_1421 = vector.broadcast %div3A_1420 : f32 to vector<16xf32>
    %div3A_1422 = arith.divf %sub3A_1419, %div3A_1421 : vector<16xf32>
    %exp3A_1423 = math.exp %div3A_1422 : vector<16xf32>
    %add3A_1424 = arith.constant 1.000000e+00 : f32
    %add3A_1425 = vector.broadcast %add3A_1424 : f32 to vector<16xf32>
    %add3A_1426 = arith.addf %exp3A_1423, %add3A_1425 : vector<16xf32>
    %div3A_1427 = arith.constant 1.000000e+00 : f32
    %div3A_1428 = vector.broadcast %div3A_1427 : f32 to vector<16xf32>
    %div3A_1429 = arith.divf %div3A_1428, %add3A_1426 : vector<16xf32>
    %swap3A_1430 = arith.constant 272 : index
    %swap3A_1431 = tpu.vector_load %arg14[%swap3A_1430] {strides = array<i32>} : memref<512xf32, #tpu.memory_space<vmem>>, vector<16xf32>,
    tpu.vector_store %arg14[%swap3A_1430], %div3A_1429 {strides = array<i32>} : memref<512xf32, #tpu.memory_space<vmem>>, vector<16xf32>,
    %add3A_1432 = arith.constant 32 : i32
    %add3A_1433 = vector.broadcast %add3A_1432 : i32 to vector<16xi32>
    %add3A_1434 = arith.addi %iota3A, %add3A_1433 : vector<16xi32>
    %get3A_1435 = arith.constant 288 : index
    %get3A_1436 = tpu.vector_load %arg6[%get3A_1435] {strides = array<i32>} : memref<512xi32, #tpu.memory_space<vmem>>, vector<16xi32>,
    %and3A_1437 = arith.constant 1 : i32
    %and3A_1438 = vector.broadcast %and3A_1437 : i32 to vector<16xi32>
    %and3A_1439 = arith.andi %get3A_1436, %and3A_1438 : vector<16xi32>
    %mul3A_1440 = arith.constant 64 : i32
    %mul3A_1441 = vector.broadcast %mul3A_1440 : i32 to vector<16xi32>
    %mul3A_1442 = arith.muli %and3A_1439, %mul3A_1441 : vector<16xi32>
    %get3A_1443 = arith.constant 288 : index
    %get3A_1444 = tpu.vector_load %arg7[%get3A_1443] {strides = array<i32>} : memref<512xi32, #tpu.memory_space<vmem>>, vector<16xi32>,
    %and3A_1445 = arith.constant 1 : i32
    %and3A_1446 = vector.broadcast %and3A_1445 : i32 to vector<16xi32>
    %and3A_1447 = arith.andi %get3A_1444, %and3A_1446 : vector<16xi32>
    %mul3A_1448 = arith.constant 64 : i32
    %mul3A_1449 = vector.broadcast %mul3A_1448 : i32 to vector<16xi32>
    %mul3A_1450 = arith.muli %and3A_1447, %mul3A_1449 : vector<16xi32>
    %broadcast_in_dim3A_1451 = arith.constant 0.000000e+00 : f32
    %broadcast_in_dim3A_1452 = vector.broadcast %broadcast_in_dim3A_1451 : f32 to vector<16xf32>
    %scan3A_1453 = arith.constant 0 : i32
    %scan3A_1454 = arith.constant 64 : i32
    %scan3A_1455 = arith.addi %scan3A_1453, %scan3A_1454 : i32
    %scan3A_1456 = arith.constant 1 : i32
    %scan3A_1457 = scf.for %scan3A_2032 = %scan3A_1453 to %scan3A_1455 step %scan3A_1456 iter_args(%scan3A_2033 = %broadcast_in_dim3A_1452) -> (vector<16xf32>)  : i32 {
      %add3A_2034 = vector.broadcast %scan3A_2032 : i32 to vector<16xi32>
      %add3A_2035 = arith.addi %mul3A_1442, %add3A_2034 : vector<16xi32>
      %gather3A = tpu.vector_load_idx %arg10[%add3A_1434, %add3A_2035] : memref<128x128xf32, #tpu.memory_space<vmem>>[vector<16xi32>, vector<16xi32>], vector<16xf32>,
      %add3A_2036 = vector.broadcast %scan3A_2032 : i32 to vector<16xi32>
      %add3A_2037 = arith.addi %mul3A_1450, %add3A_2036 : vector<16xi32>
      %gather3A_2038 = tpu.vector_load_idx %arg11[%add3A_1434, %add3A_2037] : memref<128x128xf32, #tpu.memory_space<vmem>>[vector<16xi32>, vector<16xi32>], vector<16xf32>,
      %sub3A_2039 = arith.subf %gather3A, %gather3A_2038 : vector<16xf32>
      %mul3A_2040 = arith.mulf %sub3A_2039, %sub3A_2039 : vector<16xf32>
      %add3A_2041 = arith.addf %scan3A_2033, %mul3A_2040 : vector<16xf32>
      scf.yield %add3A_2041 : vector<16xf32>
    }
    %scan3A_1458 = arith.constant 64 : i32
    %sub3A_1459 = arith.constant 2.000000e+00 : f32
    %sub3A_1460 = vector.broadcast %sub3A_1459 : f32 to vector<16xf32>
    %sub3A_1461 = arith.subf %scan3A_1457, %sub3A_1460 : vector<16xf32>
    %div3A_1462 = arith.constant 1.000000e+00 : f32
    %div3A_1463 = vector.broadcast %div3A_1462 : f32 to vector<16xf32>
    %div3A_1464 = arith.divf %sub3A_1461, %div3A_1463 : vector<16xf32>
    %exp3A_1465 = math.exp %div3A_1464 : vector<16xf32>
    %add3A_1466 = arith.constant 1.000000e+00 : f32
    %add3A_1467 = vector.broadcast %add3A_1466 : f32 to vector<16xf32>
    %add3A_1468 = arith.addf %exp3A_1465, %add3A_1467 : vector<16xf32>
    %div3A_1469 = arith.constant 1.000000e+00 : f32
    %div3A_1470 = vector.broadcast %div3A_1469 : f32 to vector<16xf32>
    %div3A_1471 = arith.divf %div3A_1470, %add3A_1468 : vector<16xf32>
    %swap3A_1472 = arith.constant 288 : index
    %swap3A_1473 = tpu.vector_load %arg14[%swap3A_1472] {strides = array<i32>} : memref<512xf32, #tpu.memory_space<vmem>>, vector<16xf32>,
    tpu.vector_store %arg14[%swap3A_1472], %div3A_1471 {strides = array<i32>} : memref<512xf32, #tpu.memory_space<vmem>>, vector<16xf32>,
    %add3A_1474 = arith.constant 48 : i32
    %add3A_1475 = vector.broadcast %add3A_1474 : i32 to vector<16xi32>
    %add3A_1476 = arith.addi %iota3A, %add3A_1475 : vector<16xi32>
    %get3A_1477 = arith.constant 304 : index
    %get3A_1478 = tpu.vector_load %arg6[%get3A_1477] {strides = array<i32>} : memref<512xi32, #tpu.memory_space<vmem>>, vector<16xi32>,
    %and3A_1479 = arith.constant 1 : i32
    %and3A_1480 = vector.broadcast %and3A_1479 : i32 to vector<16xi32>
    %and3A_1481 = arith.andi %get3A_1478, %and3A_1480 : vector<16xi32>
    %mul3A_1482 = arith.constant 64 : i32
    %mul3A_1483 = vector.broadcast %mul3A_1482 : i32 to vector<16xi32>
    %mul3A_1484 = arith.muli %and3A_1481, %mul3A_1483 : vector<16xi32>
    %get3A_1485 = arith.constant 304 : index
    %get3A_1486 = tpu.vector_load %arg7[%get3A_1485] {strides = array<i32>} : memref<512xi32, #tpu.memory_space<vmem>>, vector<16xi32>,
    %and3A_1487 = arith.constant 1 : i32
    %and3A_1488 = vector.broadcast %and3A_1487 : i32 to vector<16xi32>
    %and3A_1489 = arith.andi %get3A_1486, %and3A_1488 : vector<16xi32>
    %mul3A_1490 = arith.constant 64 : i32
    %mul3A_1491 = vector.broadcast %mul3A_1490 : i32 to vector<16xi32>
    %mul3A_1492 = arith.muli %and3A_1489, %mul3A_1491 : vector<16xi32>
    %broadcast_in_dim3A_1493 = arith.constant 0.000000e+00 : f32
    %broadcast_in_dim3A_1494 = vector.broadcast %broadcast_in_dim3A_1493 : f32 to vector<16xf32>
    %scan3A_1495 = arith.constant 0 : i32
    %scan3A_1496 = arith.constant 64 : i32
    %scan3A_1497 = arith.addi %scan3A_1495, %scan3A_1496 : i32
    %scan3A_1498 = arith.constant 1 : i32
    %scan3A_1499 = scf.for %scan3A_2032 = %scan3A_1495 to %scan3A_1497 step %scan3A_1498 iter_args(%scan3A_2033 = %broadcast_in_dim3A_1494) -> (vector<16xf32>)  : i32 {
      %add3A_2034 = vector.broadcast %scan3A_2032 : i32 to vector<16xi32>
      %add3A_2035 = arith.addi %mul3A_1484, %add3A_2034 : vector<16xi32>
      %gather3A = tpu.vector_load_idx %arg10[%add3A_1476, %add3A_2035] : memref<128x128xf32, #tpu.memory_space<vmem>>[vector<16xi32>, vector<16xi32>], vector<16xf32>,
      %add3A_2036 = vector.broadcast %scan3A_2032 : i32 to vector<16xi32>
      %add3A_2037 = arith.addi %mul3A_1492, %add3A_2036 : vector<16xi32>
      %gather3A_2038 = tpu.vector_load_idx %arg11[%add3A_1476, %add3A_2037] : memref<128x128xf32, #tpu.memory_space<vmem>>[vector<16xi32>, vector<16xi32>], vector<16xf32>,
      %sub3A_2039 = arith.subf %gather3A, %gather3A_2038 : vector<16xf32>
      %mul3A_2040 = arith.mulf %sub3A_2039, %sub3A_2039 : vector<16xf32>
      %add3A_2041 = arith.addf %scan3A_2033, %mul3A_2040 : vector<16xf32>
      scf.yield %add3A_2041 : vector<16xf32>
    }
    %scan3A_1500 = arith.constant 64 : i32
    %sub3A_1501 = arith.constant 2.000000e+00 : f32
    %sub3A_1502 = vector.broadcast %sub3A_1501 : f32 to vector<16xf32>
    %sub3A_1503 = arith.subf %scan3A_1499, %sub3A_1502 : vector<16xf32>
    %div3A_1504 = arith.constant 1.000000e+00 : f32
    %div3A_1505 = vector.broadcast %div3A_1504 : f32 to vector<16xf32>
    %div3A_1506 = arith.divf %sub3A_1503, %div3A_1505 : vector<16xf32>
    %exp3A_1507 = math.exp %div3A_1506 : vector<16xf32>
    %add3A_1508 = arith.constant 1.000000e+00 : f32
    %add3A_1509 = vector.broadcast %add3A_1508 : f32 to vector<16xf32>
    %add3A_1510 = arith.addf %exp3A_1507, %add3A_1509 : vector<16xf32>
    %div3A_1511 = arith.constant 1.000000e+00 : f32
    %div3A_1512 = vector.broadcast %div3A_1511 : f32 to vector<16xf32>
    %div3A_1513 = arith.divf %div3A_1512, %add3A_1510 : vector<16xf32>
    %swap3A_1514 = arith.constant 304 : index
    %swap3A_1515 = tpu.vector_load %arg14[%swap3A_1514] {strides = array<i32>} : memref<512xf32, #tpu.memory_space<vmem>>, vector<16xf32>,
    tpu.vector_store %arg14[%swap3A_1514], %div3A_1513 {strides = array<i32>} : memref<512xf32, #tpu.memory_space<vmem>>, vector<16xf32>,
    %add3A_1516 = arith.constant 64 : i32
    %add3A_1517 = vector.broadcast %add3A_1516 : i32 to vector<16xi32>
    %add3A_1518 = arith.addi %iota3A, %add3A_1517 : vector<16xi32>
    %get3A_1519 = arith.constant 320 : index
    %get3A_1520 = tpu.vector_load %arg6[%get3A_1519] {strides = array<i32>} : memref<512xi32, #tpu.memory_space<vmem>>, vector<16xi32>,
    %and3A_1521 = arith.constant 1 : i32
    %and3A_1522 = vector.broadcast %and3A_1521 : i32 to vector<16xi32>
    %and3A_1523 = arith.andi %get3A_1520, %and3A_1522 : vector<16xi32>
    %mul3A_1524 = arith.constant 64 : i32
    %mul3A_1525 = vector.broadcast %mul3A_1524 : i32 to vector<16xi32>
    %mul3A_1526 = arith.muli %and3A_1523, %mul3A_1525 : vector<16xi32>
    %get3A_1527 = arith.constant 320 : index
    %get3A_1528 = tpu.vector_load %arg7[%get3A_1527] {strides = array<i32>} : memref<512xi32, #tpu.memory_space<vmem>>, vector<16xi32>,
    %and3A_1529 = arith.constant 1 : i32
    %and3A_1530 = vector.broadcast %and3A_1529 : i32 to vector<16xi32>
    %and3A_1531 = arith.andi %get3A_1528, %and3A_1530 : vector<16xi32>
    %mul3A_1532 = arith.constant 64 : i32
    %mul3A_1533 = vector.broadcast %mul3A_1532 : i32 to vector<16xi32>
    %mul3A_1534 = arith.muli %and3A_1531, %mul3A_1533 : vector<16xi32>
    %broadcast_in_dim3A_1535 = arith.constant 0.000000e+00 : f32
    %broadcast_in_dim3A_1536 = vector.broadcast %broadcast_in_dim3A_1535 : f32 to vector<16xf32>
    %scan3A_1537 = arith.constant 0 : i32
    %scan3A_1538 = arith.constant 64 : i32
    %scan3A_1539 = arith.addi %scan3A_1537, %scan3A_1538 : i32
    %scan3A_1540 = arith.constant 1 : i32
    %scan3A_1541 = scf.for %scan3A_2032 = %scan3A_1537 to %scan3A_1539 step %scan3A_1540 iter_args(%scan3A_2033 = %broadcast_in_dim3A_1536) -> (vector<16xf32>)  : i32 {
      %add3A_2034 = vector.broadcast %scan3A_2032 : i32 to vector<16xi32>
      %add3A_2035 = arith.addi %mul3A_1526, %add3A_2034 : vector<16xi32>
      %gather3A = tpu.vector_load_idx %arg10[%add3A_1518, %add3A_2035] : memref<128x128xf32, #tpu.memory_space<vmem>>[vector<16xi32>, vector<16xi32>], vector<16xf32>,
      %add3A_2036 = vector.broadcast %scan3A_2032 : i32 to vector<16xi32>
      %add3A_2037 = arith.addi %mul3A_1534, %add3A_2036 : vector<16xi32>
      %gather3A_2038 = tpu.vector_load_idx %arg11[%add3A_1518, %add3A_2037] : memref<128x128xf32, #tpu.memory_space<vmem>>[vector<16xi32>, vector<16xi32>], vector<16xf32>,
      %sub3A_2039 = arith.subf %gather3A, %gather3A_2038 : vector<16xf32>
      %mul3A_2040 = arith.mulf %sub3A_2039, %sub3A_2039 : vector<16xf32>
      %add3A_2041 = arith.addf %scan3A_2033, %mul3A_2040 : vector<16xf32>
      scf.yield %add3A_2041 : vector<16xf32>
    }
    %scan3A_1542 = arith.constant 64 : i32
    %sub3A_1543 = arith.constant 2.000000e+00 : f32
    %sub3A_1544 = vector.broadcast %sub3A_1543 : f32 to vector<16xf32>
    %sub3A_1545 = arith.subf %scan3A_1541, %sub3A_1544 : vector<16xf32>
    %div3A_1546 = arith.constant 1.000000e+00 : f32
    %div3A_1547 = vector.broadcast %div3A_1546 : f32 to vector<16xf32>
    %div3A_1548 = arith.divf %sub3A_1545, %div3A_1547 : vector<16xf32>
    %exp3A_1549 = math.exp %div3A_1548 : vector<16xf32>
    %add3A_1550 = arith.constant 1.000000e+00 : f32
    %add3A_1551 = vector.broadcast %add3A_1550 : f32 to vector<16xf32>
    %add3A_1552 = arith.addf %exp3A_1549, %add3A_1551 : vector<16xf32>
    %div3A_1553 = arith.constant 1.000000e+00 : f32
    %div3A_1554 = vector.broadcast %div3A_1553 : f32 to vector<16xf32>
    %div3A_1555 = arith.divf %div3A_1554, %add3A_1552 : vector<16xf32>
    %swap3A_1556 = arith.constant 320 : index
    %swap3A_1557 = tpu.vector_load %arg14[%swap3A_1556] {strides = array<i32>} : memref<512xf32, #tpu.memory_space<vmem>>, vector<16xf32>,
    tpu.vector_store %arg14[%swap3A_1556], %div3A_1555 {strides = array<i32>} : memref<512xf32, #tpu.memory_space<vmem>>, vector<16xf32>,
    %add3A_1558 = arith.constant 80 : i32
    %add3A_1559 = vector.broadcast %add3A_1558 : i32 to vector<16xi32>
    %add3A_1560 = arith.addi %iota3A, %add3A_1559 : vector<16xi32>
    %get3A_1561 = arith.constant 336 : index
    %get3A_1562 = tpu.vector_load %arg6[%get3A_1561] {strides = array<i32>} : memref<512xi32, #tpu.memory_space<vmem>>, vector<16xi32>,
    %and3A_1563 = arith.constant 1 : i32
    %and3A_1564 = vector.broadcast %and3A_1563 : i32 to vector<16xi32>
    %and3A_1565 = arith.andi %get3A_1562, %and3A_1564 : vector<16xi32>
    %mul3A_1566 = arith.constant 64 : i32
    %mul3A_1567 = vector.broadcast %mul3A_1566 : i32 to vector<16xi32>
    %mul3A_1568 = arith.muli %and3A_1565, %mul3A_1567 : vector<16xi32>
    %get3A_1569 = arith.constant 336 : index
    %get3A_1570 = tpu.vector_load %arg7[%get3A_1569] {strides = array<i32>} : memref<512xi32, #tpu.memory_space<vmem>>, vector<16xi32>,
    %and3A_1571 = arith.constant 1 : i32
    %and3A_1572 = vector.broadcast %and3A_1571 : i32 to vector<16xi32>
    %and3A_1573 = arith.andi %get3A_1570, %and3A_1572 : vector<16xi32>
    %mul3A_1574 = arith.constant 64 : i32
    %mul3A_1575 = vector.broadcast %mul3A_1574 : i32 to vector<16xi32>
    %mul3A_1576 = arith.muli %and3A_1573, %mul3A_1575 : vector<16xi32>
    %broadcast_in_dim3A_1577 = arith.constant 0.000000e+00 : f32
    %broadcast_in_dim3A_1578 = vector.broadcast %broadcast_in_dim3A_1577 : f32 to vector<16xf32>
    %scan3A_1579 = arith.constant 0 : i32
    %scan3A_1580 = arith.constant 64 : i32
    %scan3A_1581 = arith.addi %scan3A_1579, %scan3A_1580 : i32
    %scan3A_1582 = arith.constant 1 : i32
    %scan3A_1583 = scf.for %scan3A_2032 = %scan3A_1579 to %scan3A_1581 step %scan3A_1582 iter_args(%scan3A_2033 = %broadcast_in_dim3A_1578) -> (vector<16xf32>)  : i32 {
      %add3A_2034 = vector.broadcast %scan3A_2032 : i32 to vector<16xi32>
      %add3A_2035 = arith.addi %mul3A_1568, %add3A_2034 : vector<16xi32>
      %gather3A = tpu.vector_load_idx %arg10[%add3A_1560, %add3A_2035] : memref<128x128xf32, #tpu.memory_space<vmem>>[vector<16xi32>, vector<16xi32>], vector<16xf32>,
      %add3A_2036 = vector.broadcast %scan3A_2032 : i32 to vector<16xi32>
      %add3A_2037 = arith.addi %mul3A_1576, %add3A_2036 : vector<16xi32>
      %gather3A_2038 = tpu.vector_load_idx %arg11[%add3A_1560, %add3A_2037] : memref<128x128xf32, #tpu.memory_space<vmem>>[vector<16xi32>, vector<16xi32>], vector<16xf32>,
      %sub3A_2039 = arith.subf %gather3A, %gather3A_2038 : vector<16xf32>
      %mul3A_2040 = arith.mulf %sub3A_2039, %sub3A_2039 : vector<16xf32>
      %add3A_2041 = arith.addf %scan3A_2033, %mul3A_2040 : vector<16xf32>
      scf.yield %add3A_2041 : vector<16xf32>
    }
    %scan3A_1584 = arith.constant 64 : i32
    %sub3A_1585 = arith.constant 2.000000e+00 : f32
    %sub3A_1586 = vector.broadcast %sub3A_1585 : f32 to vector<16xf32>
    %sub3A_1587 = arith.subf %scan3A_1583, %sub3A_1586 : vector<16xf32>
    %div3A_1588 = arith.constant 1.000000e+00 : f32
    %div3A_1589 = vector.broadcast %div3A_1588 : f32 to vector<16xf32>
    %div3A_1590 = arith.divf %sub3A_1587, %div3A_1589 : vector<16xf32>
    %exp3A_1591 = math.exp %div3A_1590 : vector<16xf32>
    %add3A_1592 = arith.constant 1.000000e+00 : f32
    %add3A_1593 = vector.broadcast %add3A_1592 : f32 to vector<16xf32>
    %add3A_1594 = arith.addf %exp3A_1591, %add3A_1593 : vector<16xf32>
    %div3A_1595 = arith.constant 1.000000e+00 : f32
    %div3A_1596 = vector.broadcast %div3A_1595 : f32 to vector<16xf32>
    %div3A_1597 = arith.divf %div3A_1596, %add3A_1594 : vector<16xf32>
    %swap3A_1598 = arith.constant 336 : index
    %swap3A_1599 = tpu.vector_load %arg14[%swap3A_1598] {strides = array<i32>} : memref<512xf32, #tpu.memory_space<vmem>>, vector<16xf32>,
    tpu.vector_store %arg14[%swap3A_1598], %div3A_1597 {strides = array<i32>} : memref<512xf32, #tpu.memory_space<vmem>>, vector<16xf32>,
    %add3A_1600 = arith.constant 96 : i32
    %add3A_1601 = vector.broadcast %add3A_1600 : i32 to vector<16xi32>
    %add3A_1602 = arith.addi %iota3A, %add3A_1601 : vector<16xi32>
    %get3A_1603 = arith.constant 352 : index
    %get3A_1604 = tpu.vector_load %arg6[%get3A_1603] {strides = array<i32>} : memref<512xi32, #tpu.memory_space<vmem>>, vector<16xi32>,
    %and3A_1605 = arith.constant 1 : i32
    %and3A_1606 = vector.broadcast %and3A_1605 : i32 to vector<16xi32>
    %and3A_1607 = arith.andi %get3A_1604, %and3A_1606 : vector<16xi32>
    %mul3A_1608 = arith.constant 64 : i32
    %mul3A_1609 = vector.broadcast %mul3A_1608 : i32 to vector<16xi32>
    %mul3A_1610 = arith.muli %and3A_1607, %mul3A_1609 : vector<16xi32>
    %get3A_1611 = arith.constant 352 : index
    %get3A_1612 = tpu.vector_load %arg7[%get3A_1611] {strides = array<i32>} : memref<512xi32, #tpu.memory_space<vmem>>, vector<16xi32>,
    %and3A_1613 = arith.constant 1 : i32
    %and3A_1614 = vector.broadcast %and3A_1613 : i32 to vector<16xi32>
    %and3A_1615 = arith.andi %get3A_1612, %and3A_1614 : vector<16xi32>
    %mul3A_1616 = arith.constant 64 : i32
    %mul3A_1617 = vector.broadcast %mul3A_1616 : i32 to vector<16xi32>
    %mul3A_1618 = arith.muli %and3A_1615, %mul3A_1617 : vector<16xi32>
    %broadcast_in_dim3A_1619 = arith.constant 0.000000e+00 : f32
    %broadcast_in_dim3A_1620 = vector.broadcast %broadcast_in_dim3A_1619 : f32 to vector<16xf32>
    %scan3A_1621 = arith.constant 0 : i32
    %scan3A_1622 = arith.constant 64 : i32
    %scan3A_1623 = arith.addi %scan3A_1621, %scan3A_1622 : i32
    %scan3A_1624 = arith.constant 1 : i32
    %scan3A_1625 = scf.for %scan3A_2032 = %scan3A_1621 to %scan3A_1623 step %scan3A_1624 iter_args(%scan3A_2033 = %broadcast_in_dim3A_1620) -> (vector<16xf32>)  : i32 {
      %add3A_2034 = vector.broadcast %scan3A_2032 : i32 to vector<16xi32>
      %add3A_2035 = arith.addi %mul3A_1610, %add3A_2034 : vector<16xi32>
      %gather3A = tpu.vector_load_idx %arg10[%add3A_1602, %add3A_2035] : memref<128x128xf32, #tpu.memory_space<vmem>>[vector<16xi32>, vector<16xi32>], vector<16xf32>,
      %add3A_2036 = vector.broadcast %scan3A_2032 : i32 to vector<16xi32>
      %add3A_2037 = arith.addi %mul3A_1618, %add3A_2036 : vector<16xi32>
      %gather3A_2038 = tpu.vector_load_idx %arg11[%add3A_1602, %add3A_2037] : memref<128x128xf32, #tpu.memory_space<vmem>>[vector<16xi32>, vector<16xi32>], vector<16xf32>,
      %sub3A_2039 = arith.subf %gather3A, %gather3A_2038 : vector<16xf32>
      %mul3A_2040 = arith.mulf %sub3A_2039, %sub3A_2039 : vector<16xf32>
      %add3A_2041 = arith.addf %scan3A_2033, %mul3A_2040 : vector<16xf32>
      scf.yield %add3A_2041 : vector<16xf32>
    }
    %scan3A_1626 = arith.constant 64 : i32
    %sub3A_1627 = arith.constant 2.000000e+00 : f32
    %sub3A_1628 = vector.broadcast %sub3A_1627 : f32 to vector<16xf32>
    %sub3A_1629 = arith.subf %scan3A_1625, %sub3A_1628 : vector<16xf32>
    %div3A_1630 = arith.constant 1.000000e+00 : f32
    %div3A_1631 = vector.broadcast %div3A_1630 : f32 to vector<16xf32>
    %div3A_1632 = arith.divf %sub3A_1629, %div3A_1631 : vector<16xf32>
    %exp3A_1633 = math.exp %div3A_1632 : vector<16xf32>
    %add3A_1634 = arith.constant 1.000000e+00 : f32
    %add3A_1635 = vector.broadcast %add3A_1634 : f32 to vector<16xf32>
    %add3A_1636 = arith.addf %exp3A_1633, %add3A_1635 : vector<16xf32>
    %div3A_1637 = arith.constant 1.000000e+00 : f32
    %div3A_1638 = vector.broadcast %div3A_1637 : f32 to vector<16xf32>
    %div3A_1639 = arith.divf %div3A_1638, %add3A_1636 : vector<16xf32>
    %swap3A_1640 = arith.constant 352 : index
    %swap3A_1641 = tpu.vector_load %arg14[%swap3A_1640] {strides = array<i32>} : memref<512xf32, #tpu.memory_space<vmem>>, vector<16xf32>,
    tpu.vector_store %arg14[%swap3A_1640], %div3A_1639 {strides = array<i32>} : memref<512xf32, #tpu.memory_space<vmem>>, vector<16xf32>,
    %add3A_1642 = arith.constant 112 : i32
    %add3A_1643 = vector.broadcast %add3A_1642 : i32 to vector<16xi32>
    %add3A_1644 = arith.addi %iota3A, %add3A_1643 : vector<16xi32>
    %get3A_1645 = arith.constant 368 : index
    %get3A_1646 = tpu.vector_load %arg6[%get3A_1645] {strides = array<i32>} : memref<512xi32, #tpu.memory_space<vmem>>, vector<16xi32>,
    %and3A_1647 = arith.constant 1 : i32
    %and3A_1648 = vector.broadcast %and3A_1647 : i32 to vector<16xi32>
    %and3A_1649 = arith.andi %get3A_1646, %and3A_1648 : vector<16xi32>
    %mul3A_1650 = arith.constant 64 : i32
    %mul3A_1651 = vector.broadcast %mul3A_1650 : i32 to vector<16xi32>
    %mul3A_1652 = arith.muli %and3A_1649, %mul3A_1651 : vector<16xi32>
    %get3A_1653 = arith.constant 368 : index
    %get3A_1654 = tpu.vector_load %arg7[%get3A_1653] {strides = array<i32>} : memref<512xi32, #tpu.memory_space<vmem>>, vector<16xi32>,
    %and3A_1655 = arith.constant 1 : i32
    %and3A_1656 = vector.broadcast %and3A_1655 : i32 to vector<16xi32>
    %and3A_1657 = arith.andi %get3A_1654, %and3A_1656 : vector<16xi32>
    %mul3A_1658 = arith.constant 64 : i32
    %mul3A_1659 = vector.broadcast %mul3A_1658 : i32 to vector<16xi32>
    %mul3A_1660 = arith.muli %and3A_1657, %mul3A_1659 : vector<16xi32>
    %broadcast_in_dim3A_1661 = arith.constant 0.000000e+00 : f32
    %broadcast_in_dim3A_1662 = vector.broadcast %broadcast_in_dim3A_1661 : f32 to vector<16xf32>
    %scan3A_1663 = arith.constant 0 : i32
    %scan3A_1664 = arith.constant 64 : i32
    %scan3A_1665 = arith.addi %scan3A_1663, %scan3A_1664 : i32
    %scan3A_1666 = arith.constant 1 : i32
    %scan3A_1667 = scf.for %scan3A_2032 = %scan3A_1663 to %scan3A_1665 step %scan3A_1666 iter_args(%scan3A_2033 = %broadcast_in_dim3A_1662) -> (vector<16xf32>)  : i32 {
      %add3A_2034 = vector.broadcast %scan3A_2032 : i32 to vector<16xi32>
      %add3A_2035 = arith.addi %mul3A_1652, %add3A_2034 : vector<16xi32>
      %gather3A = tpu.vector_load_idx %arg10[%add3A_1644, %add3A_2035] : memref<128x128xf32, #tpu.memory_space<vmem>>[vector<16xi32>, vector<16xi32>], vector<16xf32>,
      %add3A_2036 = vector.broadcast %scan3A_2032 : i32 to vector<16xi32>
      %add3A_2037 = arith.addi %mul3A_1660, %add3A_2036 : vector<16xi32>
      %gather3A_2038 = tpu.vector_load_idx %arg11[%add3A_1644, %add3A_2037] : memref<128x128xf32, #tpu.memory_space<vmem>>[vector<16xi32>, vector<16xi32>], vector<16xf32>,
      %sub3A_2039 = arith.subf %gather3A, %gather3A_2038 : vector<16xf32>
      %mul3A_2040 = arith.mulf %sub3A_2039, %sub3A_2039 : vector<16xf32>
      %add3A_2041 = arith.addf %scan3A_2033, %mul3A_2040 : vector<16xf32>
      scf.yield %add3A_2041 : vector<16xf32>
    }
    %scan3A_1668 = arith.constant 64 : i32
    %sub3A_1669 = arith.constant 2.000000e+00 : f32
    %sub3A_1670 = vector.broadcast %sub3A_1669 : f32 to vector<16xf32>
    %sub3A_1671 = arith.subf %scan3A_1667, %sub3A_1670 : vector<16xf32>
    %div3A_1672 = arith.constant 1.000000e+00 : f32
    %div3A_1673 = vector.broadcast %div3A_1672 : f32 to vector<16xf32>
    %div3A_1674 = arith.divf %sub3A_1671, %div3A_1673 : vector<16xf32>
    %exp3A_1675 = math.exp %div3A_1674 : vector<16xf32>
    %add3A_1676 = arith.constant 1.000000e+00 : f32
    %add3A_1677 = vector.broadcast %add3A_1676 : f32 to vector<16xf32>
    %add3A_1678 = arith.addf %exp3A_1675, %add3A_1677 : vector<16xf32>
    %div3A_1679 = arith.constant 1.000000e+00 : f32
    %div3A_1680 = vector.broadcast %div3A_1679 : f32 to vector<16xf32>
    %div3A_1681 = arith.divf %div3A_1680, %add3A_1678 : vector<16xf32>
    %swap3A_1682 = arith.constant 368 : index
    %swap3A_1683 = tpu.vector_load %arg14[%swap3A_1682] {strides = array<i32>} : memref<512xf32, #tpu.memory_space<vmem>>, vector<16xf32>,
    tpu.vector_store %arg14[%swap3A_1682], %div3A_1681 {strides = array<i32>} : memref<512xf32, #tpu.memory_space<vmem>>, vector<16xf32>,
    %dma_wait3A_1684 = arith.constant 0 : i32
    %dma_wait3A_1685 = arith.constant 0 : i32
    %dma_wait3A_1686 = tpu.memref_slice %arg2[%dma_wait3A_1684, %dma_wait3A_1685] : memref<500000x128xf32, #tpu.memory_space<hbm>> -> memref<128x128xf32, #tpu.memory_space<hbm>>
    %dma_wait3A_1687 = arith.constant 0 : i32
    %dma_wait3A_1688 = arith.constant 0 : i32
    %dma_wait3A_1689 = tpu.memref_slice %arg2[%dma_wait3A_1687, %dma_wait3A_1688] : memref<500000x128xf32, #tpu.memory_space<hbm>> -> memref<128x128xf32, #tpu.memory_space<hbm>>
    tpu.wait_dma2 semaphore(%arg17 : memref<!tpu.dma_semaphore, #tpu.memory_space<semaphore_mem>>) src(%dma_wait3A_1689 : memref<128x128xf32, #tpu.memory_space<hbm>>) dst(%arg12 : memref<128x128xf32, #tpu.memory_space<vmem>>)
    %dma_wait3A_1690 = arith.constant 0 : i32
    %dma_wait3A_1691 = arith.constant 0 : i32
    %dma_wait3A_1692 = tpu.memref_slice %arg2[%dma_wait3A_1690, %dma_wait3A_1691] : memref<500000x128xf32, #tpu.memory_space<hbm>> -> memref<128x128xf32, #tpu.memory_space<hbm>>
    %dma_wait3A_1693 = arith.constant 0 : i32
    %dma_wait3A_1694 = arith.constant 0 : i32
    %dma_wait3A_1695 = tpu.memref_slice %arg2[%dma_wait3A_1693, %dma_wait3A_1694] : memref<500000x128xf32, #tpu.memory_space<hbm>> -> memref<128x128xf32, #tpu.memory_space<hbm>>
    tpu.wait_dma2 semaphore(%arg18 : memref<!tpu.dma_semaphore, #tpu.memory_space<semaphore_mem>>) src(%dma_wait3A_1695 : memref<128x128xf32, #tpu.memory_space<hbm>>) dst(%arg13 : memref<128x128xf32, #tpu.memory_space<vmem>>)
    %add3A_1696 = arith.constant 0 : i32
    %add3A_1697 = vector.broadcast %add3A_1696 : i32 to vector<16xi32>
    %add3A_1698 = arith.addi %iota3A, %add3A_1697 : vector<16xi32>
    %get3A_1699 = arith.constant 384 : index
    %get3A_1700 = tpu.vector_load %arg6[%get3A_1699] {strides = array<i32>} : memref<512xi32, #tpu.memory_space<vmem>>, vector<16xi32>,
    %and3A_1701 = arith.constant 1 : i32
    %and3A_1702 = vector.broadcast %and3A_1701 : i32 to vector<16xi32>
    %and3A_1703 = arith.andi %get3A_1700, %and3A_1702 : vector<16xi32>
    %mul3A_1704 = arith.constant 64 : i32
    %mul3A_1705 = vector.broadcast %mul3A_1704 : i32 to vector<16xi32>
    %mul3A_1706 = arith.muli %and3A_1703, %mul3A_1705 : vector<16xi32>
    %get3A_1707 = arith.constant 384 : index
    %get3A_1708 = tpu.vector_load %arg7[%get3A_1707] {strides = array<i32>} : memref<512xi32, #tpu.memory_space<vmem>>, vector<16xi32>,
    %and3A_1709 = arith.constant 1 : i32
    %and3A_1710 = vector.broadcast %and3A_1709 : i32 to vector<16xi32>
    %and3A_1711 = arith.andi %get3A_1708, %and3A_1710 : vector<16xi32>
    %mul3A_1712 = arith.constant 64 : i32
    %mul3A_1713 = vector.broadcast %mul3A_1712 : i32 to vector<16xi32>
    %mul3A_1714 = arith.muli %and3A_1711, %mul3A_1713 : vector<16xi32>
    %broadcast_in_dim3A_1715 = arith.constant 0.000000e+00 : f32
    %broadcast_in_dim3A_1716 = vector.broadcast %broadcast_in_dim3A_1715 : f32 to vector<16xf32>
    %scan3A_1717 = arith.constant 0 : i32
    %scan3A_1718 = arith.constant 64 : i32
    %scan3A_1719 = arith.addi %scan3A_1717, %scan3A_1718 : i32
    %scan3A_1720 = arith.constant 1 : i32
    %scan3A_1721 = scf.for %scan3A_2032 = %scan3A_1717 to %scan3A_1719 step %scan3A_1720 iter_args(%scan3A_2033 = %broadcast_in_dim3A_1716) -> (vector<16xf32>)  : i32 {
      %add3A_2034 = vector.broadcast %scan3A_2032 : i32 to vector<16xi32>
      %add3A_2035 = arith.addi %mul3A_1706, %add3A_2034 : vector<16xi32>
      %gather3A = tpu.vector_load_idx %arg12[%add3A_1698, %add3A_2035] : memref<128x128xf32, #tpu.memory_space<vmem>>[vector<16xi32>, vector<16xi32>], vector<16xf32>,
      %add3A_2036 = vector.broadcast %scan3A_2032 : i32 to vector<16xi32>
      %add3A_2037 = arith.addi %mul3A_1714, %add3A_2036 : vector<16xi32>
      %gather3A_2038 = tpu.vector_load_idx %arg13[%add3A_1698, %add3A_2037] : memref<128x128xf32, #tpu.memory_space<vmem>>[vector<16xi32>, vector<16xi32>], vector<16xf32>,
      %sub3A_2039 = arith.subf %gather3A, %gather3A_2038 : vector<16xf32>
      %mul3A_2040 = arith.mulf %sub3A_2039, %sub3A_2039 : vector<16xf32>
      %add3A_2041 = arith.addf %scan3A_2033, %mul3A_2040 : vector<16xf32>
      scf.yield %add3A_2041 : vector<16xf32>
    }
    %scan3A_1722 = arith.constant 64 : i32
    %sub3A_1723 = arith.constant 2.000000e+00 : f32
    %sub3A_1724 = vector.broadcast %sub3A_1723 : f32 to vector<16xf32>
    %sub3A_1725 = arith.subf %scan3A_1721, %sub3A_1724 : vector<16xf32>
    %div3A_1726 = arith.constant 1.000000e+00 : f32
    %div3A_1727 = vector.broadcast %div3A_1726 : f32 to vector<16xf32>
    %div3A_1728 = arith.divf %sub3A_1725, %div3A_1727 : vector<16xf32>
    %exp3A_1729 = math.exp %div3A_1728 : vector<16xf32>
    %add3A_1730 = arith.constant 1.000000e+00 : f32
    %add3A_1731 = vector.broadcast %add3A_1730 : f32 to vector<16xf32>
    %add3A_1732 = arith.addf %exp3A_1729, %add3A_1731 : vector<16xf32>
    %div3A_1733 = arith.constant 1.000000e+00 : f32
    %div3A_1734 = vector.broadcast %div3A_1733 : f32 to vector<16xf32>
    %div3A_1735 = arith.divf %div3A_1734, %add3A_1732 : vector<16xf32>
    %swap3A_1736 = arith.constant 384 : index
    %swap3A_1737 = tpu.vector_load %arg14[%swap3A_1736] {strides = array<i32>} : memref<512xf32, #tpu.memory_space<vmem>>, vector<16xf32>,
    tpu.vector_store %arg14[%swap3A_1736], %div3A_1735 {strides = array<i32>} : memref<512xf32, #tpu.memory_space<vmem>>, vector<16xf32>,
    %add3A_1738 = arith.constant 16 : i32
    %add3A_1739 = vector.broadcast %add3A_1738 : i32 to vector<16xi32>
    %add3A_1740 = arith.addi %iota3A, %add3A_1739 : vector<16xi32>
    %get3A_1741 = arith.constant 400 : index
    %get3A_1742 = tpu.vector_load %arg6[%get3A_1741] {strides = array<i32>} : memref<512xi32, #tpu.memory_space<vmem>>, vector<16xi32>,
    %and3A_1743 = arith.constant 1 : i32
    %and3A_1744 = vector.broadcast %and3A_1743 : i32 to vector<16xi32>
    %and3A_1745 = arith.andi %get3A_1742, %and3A_1744 : vector<16xi32>
    %mul3A_1746 = arith.constant 64 : i32
    %mul3A_1747 = vector.broadcast %mul3A_1746 : i32 to vector<16xi32>
    %mul3A_1748 = arith.muli %and3A_1745, %mul3A_1747 : vector<16xi32>
    %get3A_1749 = arith.constant 400 : index
    %get3A_1750 = tpu.vector_load %arg7[%get3A_1749] {strides = array<i32>} : memref<512xi32, #tpu.memory_space<vmem>>, vector<16xi32>,
    %and3A_1751 = arith.constant 1 : i32
    %and3A_1752 = vector.broadcast %and3A_1751 : i32 to vector<16xi32>
    %and3A_1753 = arith.andi %get3A_1750, %and3A_1752 : vector<16xi32>
    %mul3A_1754 = arith.constant 64 : i32
    %mul3A_1755 = vector.broadcast %mul3A_1754 : i32 to vector<16xi32>
    %mul3A_1756 = arith.muli %and3A_1753, %mul3A_1755 : vector<16xi32>
    %broadcast_in_dim3A_1757 = arith.constant 0.000000e+00 : f32
    %broadcast_in_dim3A_1758 = vector.broadcast %broadcast_in_dim3A_1757 : f32 to vector<16xf32>
    %scan3A_1759 = arith.constant 0 : i32
    %scan3A_1760 = arith.constant 64 : i32
    %scan3A_1761 = arith.addi %scan3A_1759, %scan3A_1760 : i32
    %scan3A_1762 = arith.constant 1 : i32
    %scan3A_1763 = scf.for %scan3A_2032 = %scan3A_1759 to %scan3A_1761 step %scan3A_1762 iter_args(%scan3A_2033 = %broadcast_in_dim3A_1758) -> (vector<16xf32>)  : i32 {
      %add3A_2034 = vector.broadcast %scan3A_2032 : i32 to vector<16xi32>
      %add3A_2035 = arith.addi %mul3A_1748, %add3A_2034 : vector<16xi32>
      %gather3A = tpu.vector_load_idx %arg12[%add3A_1740, %add3A_2035] : memref<128x128xf32, #tpu.memory_space<vmem>>[vector<16xi32>, vector<16xi32>], vector<16xf32>,
      %add3A_2036 = vector.broadcast %scan3A_2032 : i32 to vector<16xi32>
      %add3A_2037 = arith.addi %mul3A_1756, %add3A_2036 : vector<16xi32>
      %gather3A_2038 = tpu.vector_load_idx %arg13[%add3A_1740, %add3A_2037] : memref<128x128xf32, #tpu.memory_space<vmem>>[vector<16xi32>, vector<16xi32>], vector<16xf32>,
      %sub3A_2039 = arith.subf %gather3A, %gather3A_2038 : vector<16xf32>
      %mul3A_2040 = arith.mulf %sub3A_2039, %sub3A_2039 : vector<16xf32>
      %add3A_2041 = arith.addf %scan3A_2033, %mul3A_2040 : vector<16xf32>
      scf.yield %add3A_2041 : vector<16xf32>
    }
    %scan3A_1764 = arith.constant 64 : i32
    %sub3A_1765 = arith.constant 2.000000e+00 : f32
    %sub3A_1766 = vector.broadcast %sub3A_1765 : f32 to vector<16xf32>
    %sub3A_1767 = arith.subf %scan3A_1763, %sub3A_1766 : vector<16xf32>
    %div3A_1768 = arith.constant 1.000000e+00 : f32
    %div3A_1769 = vector.broadcast %div3A_1768 : f32 to vector<16xf32>
    %div3A_1770 = arith.divf %sub3A_1767, %div3A_1769 : vector<16xf32>
    %exp3A_1771 = math.exp %div3A_1770 : vector<16xf32>
    %add3A_1772 = arith.constant 1.000000e+00 : f32
    %add3A_1773 = vector.broadcast %add3A_1772 : f32 to vector<16xf32>
    %add3A_1774 = arith.addf %exp3A_1771, %add3A_1773 : vector<16xf32>
    %div3A_1775 = arith.constant 1.000000e+00 : f32
    %div3A_1776 = vector.broadcast %div3A_1775 : f32 to vector<16xf32>
    %div3A_1777 = arith.divf %div3A_1776, %add3A_1774 : vector<16xf32>
    %swap3A_1778 = arith.constant 400 : index
    %swap3A_1779 = tpu.vector_load %arg14[%swap3A_1778] {strides = array<i32>} : memref<512xf32, #tpu.memory_space<vmem>>, vector<16xf32>,
    tpu.vector_store %arg14[%swap3A_1778], %div3A_1777 {strides = array<i32>} : memref<512xf32, #tpu.memory_space<vmem>>, vector<16xf32>,
    %add3A_1780 = arith.constant 32 : i32
    %add3A_1781 = vector.broadcast %add3A_1780 : i32 to vector<16xi32>
    %add3A_1782 = arith.addi %iota3A, %add3A_1781 : vector<16xi32>
    %get3A_1783 = arith.constant 416 : index
    %get3A_1784 = tpu.vector_load %arg6[%get3A_1783] {strides = array<i32>} : memref<512xi32, #tpu.memory_space<vmem>>, vector<16xi32>,
    %and3A_1785 = arith.constant 1 : i32
    %and3A_1786 = vector.broadcast %and3A_1785 : i32 to vector<16xi32>
    %and3A_1787 = arith.andi %get3A_1784, %and3A_1786 : vector<16xi32>
    %mul3A_1788 = arith.constant 64 : i32
    %mul3A_1789 = vector.broadcast %mul3A_1788 : i32 to vector<16xi32>
    %mul3A_1790 = arith.muli %and3A_1787, %mul3A_1789 : vector<16xi32>
    %get3A_1791 = arith.constant 416 : index
    %get3A_1792 = tpu.vector_load %arg7[%get3A_1791] {strides = array<i32>} : memref<512xi32, #tpu.memory_space<vmem>>, vector<16xi32>,
    %and3A_1793 = arith.constant 1 : i32
    %and3A_1794 = vector.broadcast %and3A_1793 : i32 to vector<16xi32>
    %and3A_1795 = arith.andi %get3A_1792, %and3A_1794 : vector<16xi32>
    %mul3A_1796 = arith.constant 64 : i32
    %mul3A_1797 = vector.broadcast %mul3A_1796 : i32 to vector<16xi32>
    %mul3A_1798 = arith.muli %and3A_1795, %mul3A_1797 : vector<16xi32>
    %broadcast_in_dim3A_1799 = arith.constant 0.000000e+00 : f32
    %broadcast_in_dim3A_1800 = vector.broadcast %broadcast_in_dim3A_1799 : f32 to vector<16xf32>
    %scan3A_1801 = arith.constant 0 : i32
    %scan3A_1802 = arith.constant 64 : i32
    %scan3A_1803 = arith.addi %scan3A_1801, %scan3A_1802 : i32
    %scan3A_1804 = arith.constant 1 : i32
    %scan3A_1805 = scf.for %scan3A_2032 = %scan3A_1801 to %scan3A_1803 step %scan3A_1804 iter_args(%scan3A_2033 = %broadcast_in_dim3A_1800) -> (vector<16xf32>)  : i32 {
      %add3A_2034 = vector.broadcast %scan3A_2032 : i32 to vector<16xi32>
      %add3A_2035 = arith.addi %mul3A_1790, %add3A_2034 : vector<16xi32>
      %gather3A = tpu.vector_load_idx %arg12[%add3A_1782, %add3A_2035] : memref<128x128xf32, #tpu.memory_space<vmem>>[vector<16xi32>, vector<16xi32>], vector<16xf32>,
      %add3A_2036 = vector.broadcast %scan3A_2032 : i32 to vector<16xi32>
      %add3A_2037 = arith.addi %mul3A_1798, %add3A_2036 : vector<16xi32>
      %gather3A_2038 = tpu.vector_load_idx %arg13[%add3A_1782, %add3A_2037] : memref<128x128xf32, #tpu.memory_space<vmem>>[vector<16xi32>, vector<16xi32>], vector<16xf32>,
      %sub3A_2039 = arith.subf %gather3A, %gather3A_2038 : vector<16xf32>
      %mul3A_2040 = arith.mulf %sub3A_2039, %sub3A_2039 : vector<16xf32>
      %add3A_2041 = arith.addf %scan3A_2033, %mul3A_2040 : vector<16xf32>
      scf.yield %add3A_2041 : vector<16xf32>
    }
    %scan3A_1806 = arith.constant 64 : i32
    %sub3A_1807 = arith.constant 2.000000e+00 : f32
    %sub3A_1808 = vector.broadcast %sub3A_1807 : f32 to vector<16xf32>
    %sub3A_1809 = arith.subf %scan3A_1805, %sub3A_1808 : vector<16xf32>
    %div3A_1810 = arith.constant 1.000000e+00 : f32
    %div3A_1811 = vector.broadcast %div3A_1810 : f32 to vector<16xf32>
    %div3A_1812 = arith.divf %sub3A_1809, %div3A_1811 : vector<16xf32>
    %exp3A_1813 = math.exp %div3A_1812 : vector<16xf32>
    %add3A_1814 = arith.constant 1.000000e+00 : f32
    %add3A_1815 = vector.broadcast %add3A_1814 : f32 to vector<16xf32>
    %add3A_1816 = arith.addf %exp3A_1813, %add3A_1815 : vector<16xf32>
    %div3A_1817 = arith.constant 1.000000e+00 : f32
    %div3A_1818 = vector.broadcast %div3A_1817 : f32 to vector<16xf32>
    %div3A_1819 = arith.divf %div3A_1818, %add3A_1816 : vector<16xf32>
    %swap3A_1820 = arith.constant 416 : index
    %swap3A_1821 = tpu.vector_load %arg14[%swap3A_1820] {strides = array<i32>} : memref<512xf32, #tpu.memory_space<vmem>>, vector<16xf32>,
    tpu.vector_store %arg14[%swap3A_1820], %div3A_1819 {strides = array<i32>} : memref<512xf32, #tpu.memory_space<vmem>>, vector<16xf32>,
    %add3A_1822 = arith.constant 48 : i32
    %add3A_1823 = vector.broadcast %add3A_1822 : i32 to vector<16xi32>
    %add3A_1824 = arith.addi %iota3A, %add3A_1823 : vector<16xi32>
    %get3A_1825 = arith.constant 432 : index
    %get3A_1826 = tpu.vector_load %arg6[%get3A_1825] {strides = array<i32>} : memref<512xi32, #tpu.memory_space<vmem>>, vector<16xi32>,
    %and3A_1827 = arith.constant 1 : i32
    %and3A_1828 = vector.broadcast %and3A_1827 : i32 to vector<16xi32>
    %and3A_1829 = arith.andi %get3A_1826, %and3A_1828 : vector<16xi32>
    %mul3A_1830 = arith.constant 64 : i32
    %mul3A_1831 = vector.broadcast %mul3A_1830 : i32 to vector<16xi32>
    %mul3A_1832 = arith.muli %and3A_1829, %mul3A_1831 : vector<16xi32>
    %get3A_1833 = arith.constant 432 : index
    %get3A_1834 = tpu.vector_load %arg7[%get3A_1833] {strides = array<i32>} : memref<512xi32, #tpu.memory_space<vmem>>, vector<16xi32>,
    %and3A_1835 = arith.constant 1 : i32
    %and3A_1836 = vector.broadcast %and3A_1835 : i32 to vector<16xi32>
    %and3A_1837 = arith.andi %get3A_1834, %and3A_1836 : vector<16xi32>
    %mul3A_1838 = arith.constant 64 : i32
    %mul3A_1839 = vector.broadcast %mul3A_1838 : i32 to vector<16xi32>
    %mul3A_1840 = arith.muli %and3A_1837, %mul3A_1839 : vector<16xi32>
    %broadcast_in_dim3A_1841 = arith.constant 0.000000e+00 : f32
    %broadcast_in_dim3A_1842 = vector.broadcast %broadcast_in_dim3A_1841 : f32 to vector<16xf32>
    %scan3A_1843 = arith.constant 0 : i32
    %scan3A_1844 = arith.constant 64 : i32
    %scan3A_1845 = arith.addi %scan3A_1843, %scan3A_1844 : i32
    %scan3A_1846 = arith.constant 1 : i32
    %scan3A_1847 = scf.for %scan3A_2032 = %scan3A_1843 to %scan3A_1845 step %scan3A_1846 iter_args(%scan3A_2033 = %broadcast_in_dim3A_1842) -> (vector<16xf32>)  : i32 {
      %add3A_2034 = vector.broadcast %scan3A_2032 : i32 to vector<16xi32>
      %add3A_2035 = arith.addi %mul3A_1832, %add3A_2034 : vector<16xi32>
      %gather3A = tpu.vector_load_idx %arg12[%add3A_1824, %add3A_2035] : memref<128x128xf32, #tpu.memory_space<vmem>>[vector<16xi32>, vector<16xi32>], vector<16xf32>,
      %add3A_2036 = vector.broadcast %scan3A_2032 : i32 to vector<16xi32>
      %add3A_2037 = arith.addi %mul3A_1840, %add3A_2036 : vector<16xi32>
      %gather3A_2038 = tpu.vector_load_idx %arg13[%add3A_1824, %add3A_2037] : memref<128x128xf32, #tpu.memory_space<vmem>>[vector<16xi32>, vector<16xi32>], vector<16xf32>,
      %sub3A_2039 = arith.subf %gather3A, %gather3A_2038 : vector<16xf32>
      %mul3A_2040 = arith.mulf %sub3A_2039, %sub3A_2039 : vector<16xf32>
      %add3A_2041 = arith.addf %scan3A_2033, %mul3A_2040 : vector<16xf32>
      scf.yield %add3A_2041 : vector<16xf32>
    }
    %scan3A_1848 = arith.constant 64 : i32
    %sub3A_1849 = arith.constant 2.000000e+00 : f32
    %sub3A_1850 = vector.broadcast %sub3A_1849 : f32 to vector<16xf32>
    %sub3A_1851 = arith.subf %scan3A_1847, %sub3A_1850 : vector<16xf32>
    %div3A_1852 = arith.constant 1.000000e+00 : f32
    %div3A_1853 = vector.broadcast %div3A_1852 : f32 to vector<16xf32>
    %div3A_1854 = arith.divf %sub3A_1851, %div3A_1853 : vector<16xf32>
    %exp3A_1855 = math.exp %div3A_1854 : vector<16xf32>
    %add3A_1856 = arith.constant 1.000000e+00 : f32
    %add3A_1857 = vector.broadcast %add3A_1856 : f32 to vector<16xf32>
    %add3A_1858 = arith.addf %exp3A_1855, %add3A_1857 : vector<16xf32>
    %div3A_1859 = arith.constant 1.000000e+00 : f32
    %div3A_1860 = vector.broadcast %div3A_1859 : f32 to vector<16xf32>
    %div3A_1861 = arith.divf %div3A_1860, %add3A_1858 : vector<16xf32>
    %swap3A_1862 = arith.constant 432 : index
    %swap3A_1863 = tpu.vector_load %arg14[%swap3A_1862] {strides = array<i32>} : memref<512xf32, #tpu.memory_space<vmem>>, vector<16xf32>,
    tpu.vector_store %arg14[%swap3A_1862], %div3A_1861 {strides = array<i32>} : memref<512xf32, #tpu.memory_space<vmem>>, vector<16xf32>,
    %add3A_1864 = arith.constant 64 : i32
    %add3A_1865 = vector.broadcast %add3A_1864 : i32 to vector<16xi32>
    %add3A_1866 = arith.addi %iota3A, %add3A_1865 : vector<16xi32>
    %get3A_1867 = arith.constant 448 : index
    %get3A_1868 = tpu.vector_load %arg6[%get3A_1867] {strides = array<i32>} : memref<512xi32, #tpu.memory_space<vmem>>, vector<16xi32>,
    %and3A_1869 = arith.constant 1 : i32
    %and3A_1870 = vector.broadcast %and3A_1869 : i32 to vector<16xi32>
    %and3A_1871 = arith.andi %get3A_1868, %and3A_1870 : vector<16xi32>
    %mul3A_1872 = arith.constant 64 : i32
    %mul3A_1873 = vector.broadcast %mul3A_1872 : i32 to vector<16xi32>
    %mul3A_1874 = arith.muli %and3A_1871, %mul3A_1873 : vector<16xi32>
    %get3A_1875 = arith.constant 448 : index
    %get3A_1876 = tpu.vector_load %arg7[%get3A_1875] {strides = array<i32>} : memref<512xi32, #tpu.memory_space<vmem>>, vector<16xi32>,
    %and3A_1877 = arith.constant 1 : i32
    %and3A_1878 = vector.broadcast %and3A_1877 : i32 to vector<16xi32>
    %and3A_1879 = arith.andi %get3A_1876, %and3A_1878 : vector<16xi32>
    %mul3A_1880 = arith.constant 64 : i32
    %mul3A_1881 = vector.broadcast %mul3A_1880 : i32 to vector<16xi32>
    %mul3A_1882 = arith.muli %and3A_1879, %mul3A_1881 : vector<16xi32>
    %broadcast_in_dim3A_1883 = arith.constant 0.000000e+00 : f32
    %broadcast_in_dim3A_1884 = vector.broadcast %broadcast_in_dim3A_1883 : f32 to vector<16xf32>
    %scan3A_1885 = arith.constant 0 : i32
    %scan3A_1886 = arith.constant 64 : i32
    %scan3A_1887 = arith.addi %scan3A_1885, %scan3A_1886 : i32
    %scan3A_1888 = arith.constant 1 : i32
    %scan3A_1889 = scf.for %scan3A_2032 = %scan3A_1885 to %scan3A_1887 step %scan3A_1888 iter_args(%scan3A_2033 = %broadcast_in_dim3A_1884) -> (vector<16xf32>)  : i32 {
      %add3A_2034 = vector.broadcast %scan3A_2032 : i32 to vector<16xi32>
      %add3A_2035 = arith.addi %mul3A_1874, %add3A_2034 : vector<16xi32>
      %gather3A = tpu.vector_load_idx %arg12[%add3A_1866, %add3A_2035] : memref<128x128xf32, #tpu.memory_space<vmem>>[vector<16xi32>, vector<16xi32>], vector<16xf32>,
      %add3A_2036 = vector.broadcast %scan3A_2032 : i32 to vector<16xi32>
      %add3A_2037 = arith.addi %mul3A_1882, %add3A_2036 : vector<16xi32>
      %gather3A_2038 = tpu.vector_load_idx %arg13[%add3A_1866, %add3A_2037] : memref<128x128xf32, #tpu.memory_space<vmem>>[vector<16xi32>, vector<16xi32>], vector<16xf32>,
      %sub3A_2039 = arith.subf %gather3A, %gather3A_2038 : vector<16xf32>
      %mul3A_2040 = arith.mulf %sub3A_2039, %sub3A_2039 : vector<16xf32>
      %add3A_2041 = arith.addf %scan3A_2033, %mul3A_2040 : vector<16xf32>
      scf.yield %add3A_2041 : vector<16xf32>
    }
    %scan3A_1890 = arith.constant 64 : i32
    %sub3A_1891 = arith.constant 2.000000e+00 : f32
    %sub3A_1892 = vector.broadcast %sub3A_1891 : f32 to vector<16xf32>
    %sub3A_1893 = arith.subf %scan3A_1889, %sub3A_1892 : vector<16xf32>
    %div3A_1894 = arith.constant 1.000000e+00 : f32
    %div3A_1895 = vector.broadcast %div3A_1894 : f32 to vector<16xf32>
    %div3A_1896 = arith.divf %sub3A_1893, %div3A_1895 : vector<16xf32>
    %exp3A_1897 = math.exp %div3A_1896 : vector<16xf32>
    %add3A_1898 = arith.constant 1.000000e+00 : f32
    %add3A_1899 = vector.broadcast %add3A_1898 : f32 to vector<16xf32>
    %add3A_1900 = arith.addf %exp3A_1897, %add3A_1899 : vector<16xf32>
    %div3A_1901 = arith.constant 1.000000e+00 : f32
    %div3A_1902 = vector.broadcast %div3A_1901 : f32 to vector<16xf32>
    %div3A_1903 = arith.divf %div3A_1902, %add3A_1900 : vector<16xf32>
    %swap3A_1904 = arith.constant 448 : index
    %swap3A_1905 = tpu.vector_load %arg14[%swap3A_1904] {strides = array<i32>} : memref<512xf32, #tpu.memory_space<vmem>>, vector<16xf32>,
    tpu.vector_store %arg14[%swap3A_1904], %div3A_1903 {strides = array<i32>} : memref<512xf32, #tpu.memory_space<vmem>>, vector<16xf32>,
    %add3A_1906 = arith.constant 80 : i32
    %add3A_1907 = vector.broadcast %add3A_1906 : i32 to vector<16xi32>
    %add3A_1908 = arith.addi %iota3A, %add3A_1907 : vector<16xi32>
    %get3A_1909 = arith.constant 464 : index
    %get3A_1910 = tpu.vector_load %arg6[%get3A_1909] {strides = array<i32>} : memref<512xi32, #tpu.memory_space<vmem>>, vector<16xi32>,
    %and3A_1911 = arith.constant 1 : i32
    %and3A_1912 = vector.broadcast %and3A_1911 : i32 to vector<16xi32>
    %and3A_1913 = arith.andi %get3A_1910, %and3A_1912 : vector<16xi32>
    %mul3A_1914 = arith.constant 64 : i32
    %mul3A_1915 = vector.broadcast %mul3A_1914 : i32 to vector<16xi32>
    %mul3A_1916 = arith.muli %and3A_1913, %mul3A_1915 : vector<16xi32>
    %get3A_1917 = arith.constant 464 : index
    %get3A_1918 = tpu.vector_load %arg7[%get3A_1917] {strides = array<i32>} : memref<512xi32, #tpu.memory_space<vmem>>, vector<16xi32>,
    %and3A_1919 = arith.constant 1 : i32
    %and3A_1920 = vector.broadcast %and3A_1919 : i32 to vector<16xi32>
    %and3A_1921 = arith.andi %get3A_1918, %and3A_1920 : vector<16xi32>
    %mul3A_1922 = arith.constant 64 : i32
    %mul3A_1923 = vector.broadcast %mul3A_1922 : i32 to vector<16xi32>
    %mul3A_1924 = arith.muli %and3A_1921, %mul3A_1923 : vector<16xi32>
    %broadcast_in_dim3A_1925 = arith.constant 0.000000e+00 : f32
    %broadcast_in_dim3A_1926 = vector.broadcast %broadcast_in_dim3A_1925 : f32 to vector<16xf32>
    %scan3A_1927 = arith.constant 0 : i32
    %scan3A_1928 = arith.constant 64 : i32
    %scan3A_1929 = arith.addi %scan3A_1927, %scan3A_1928 : i32
    %scan3A_1930 = arith.constant 1 : i32
    %scan3A_1931 = scf.for %scan3A_2032 = %scan3A_1927 to %scan3A_1929 step %scan3A_1930 iter_args(%scan3A_2033 = %broadcast_in_dim3A_1926) -> (vector<16xf32>)  : i32 {
      %add3A_2034 = vector.broadcast %scan3A_2032 : i32 to vector<16xi32>
      %add3A_2035 = arith.addi %mul3A_1916, %add3A_2034 : vector<16xi32>
      %gather3A = tpu.vector_load_idx %arg12[%add3A_1908, %add3A_2035] : memref<128x128xf32, #tpu.memory_space<vmem>>[vector<16xi32>, vector<16xi32>], vector<16xf32>,
      %add3A_2036 = vector.broadcast %scan3A_2032 : i32 to vector<16xi32>
      %add3A_2037 = arith.addi %mul3A_1924, %add3A_2036 : vector<16xi32>
      %gather3A_2038 = tpu.vector_load_idx %arg13[%add3A_1908, %add3A_2037] : memref<128x128xf32, #tpu.memory_space<vmem>>[vector<16xi32>, vector<16xi32>], vector<16xf32>,
      %sub3A_2039 = arith.subf %gather3A, %gather3A_2038 : vector<16xf32>
      %mul3A_2040 = arith.mulf %sub3A_2039, %sub3A_2039 : vector<16xf32>
      %add3A_2041 = arith.addf %scan3A_2033, %mul3A_2040 : vector<16xf32>
      scf.yield %add3A_2041 : vector<16xf32>
    }
    %scan3A_1932 = arith.constant 64 : i32
    %sub3A_1933 = arith.constant 2.000000e+00 : f32
    %sub3A_1934 = vector.broadcast %sub3A_1933 : f32 to vector<16xf32>
    %sub3A_1935 = arith.subf %scan3A_1931, %sub3A_1934 : vector<16xf32>
    %div3A_1936 = arith.constant 1.000000e+00 : f32
    %div3A_1937 = vector.broadcast %div3A_1936 : f32 to vector<16xf32>
    %div3A_1938 = arith.divf %sub3A_1935, %div3A_1937 : vector<16xf32>
    %exp3A_1939 = math.exp %div3A_1938 : vector<16xf32>
    %add3A_1940 = arith.constant 1.000000e+00 : f32
    %add3A_1941 = vector.broadcast %add3A_1940 : f32 to vector<16xf32>
    %add3A_1942 = arith.addf %exp3A_1939, %add3A_1941 : vector<16xf32>
    %div3A_1943 = arith.constant 1.000000e+00 : f32
    %div3A_1944 = vector.broadcast %div3A_1943 : f32 to vector<16xf32>
    %div3A_1945 = arith.divf %div3A_1944, %add3A_1942 : vector<16xf32>
    %swap3A_1946 = arith.constant 464 : index
    %swap3A_1947 = tpu.vector_load %arg14[%swap3A_1946] {strides = array<i32>} : memref<512xf32, #tpu.memory_space<vmem>>, vector<16xf32>,
    tpu.vector_store %arg14[%swap3A_1946], %div3A_1945 {strides = array<i32>} : memref<512xf32, #tpu.memory_space<vmem>>, vector<16xf32>,
    %add3A_1948 = arith.constant 96 : i32
    %add3A_1949 = vector.broadcast %add3A_1948 : i32 to vector<16xi32>
    %add3A_1950 = arith.addi %iota3A, %add3A_1949 : vector<16xi32>
    %get3A_1951 = arith.constant 480 : index
    %get3A_1952 = tpu.vector_load %arg6[%get3A_1951] {strides = array<i32>} : memref<512xi32, #tpu.memory_space<vmem>>, vector<16xi32>,
    %and3A_1953 = arith.constant 1 : i32
    %and3A_1954 = vector.broadcast %and3A_1953 : i32 to vector<16xi32>
    %and3A_1955 = arith.andi %get3A_1952, %and3A_1954 : vector<16xi32>
    %mul3A_1956 = arith.constant 64 : i32
    %mul3A_1957 = vector.broadcast %mul3A_1956 : i32 to vector<16xi32>
    %mul3A_1958 = arith.muli %and3A_1955, %mul3A_1957 : vector<16xi32>
    %get3A_1959 = arith.constant 480 : index
    %get3A_1960 = tpu.vector_load %arg7[%get3A_1959] {strides = array<i32>} : memref<512xi32, #tpu.memory_space<vmem>>, vector<16xi32>,
    %and3A_1961 = arith.constant 1 : i32
    %and3A_1962 = vector.broadcast %and3A_1961 : i32 to vector<16xi32>
    %and3A_1963 = arith.andi %get3A_1960, %and3A_1962 : vector<16xi32>
    %mul3A_1964 = arith.constant 64 : i32
    %mul3A_1965 = vector.broadcast %mul3A_1964 : i32 to vector<16xi32>
    %mul3A_1966 = arith.muli %and3A_1963, %mul3A_1965 : vector<16xi32>
    %broadcast_in_dim3A_1967 = arith.constant 0.000000e+00 : f32
    %broadcast_in_dim3A_1968 = vector.broadcast %broadcast_in_dim3A_1967 : f32 to vector<16xf32>
    %scan3A_1969 = arith.constant 0 : i32
    %scan3A_1970 = arith.constant 64 : i32
    %scan3A_1971 = arith.addi %scan3A_1969, %scan3A_1970 : i32
    %scan3A_1972 = arith.constant 1 : i32
    %scan3A_1973 = scf.for %scan3A_2032 = %scan3A_1969 to %scan3A_1971 step %scan3A_1972 iter_args(%scan3A_2033 = %broadcast_in_dim3A_1968) -> (vector<16xf32>)  : i32 {
      %add3A_2034 = vector.broadcast %scan3A_2032 : i32 to vector<16xi32>
      %add3A_2035 = arith.addi %mul3A_1958, %add3A_2034 : vector<16xi32>
      %gather3A = tpu.vector_load_idx %arg12[%add3A_1950, %add3A_2035] : memref<128x128xf32, #tpu.memory_space<vmem>>[vector<16xi32>, vector<16xi32>], vector<16xf32>,
      %add3A_2036 = vector.broadcast %scan3A_2032 : i32 to vector<16xi32>
      %add3A_2037 = arith.addi %mul3A_1966, %add3A_2036 : vector<16xi32>
      %gather3A_2038 = tpu.vector_load_idx %arg13[%add3A_1950, %add3A_2037] : memref<128x128xf32, #tpu.memory_space<vmem>>[vector<16xi32>, vector<16xi32>], vector<16xf32>,
      %sub3A_2039 = arith.subf %gather3A, %gather3A_2038 : vector<16xf32>
      %mul3A_2040 = arith.mulf %sub3A_2039, %sub3A_2039 : vector<16xf32>
      %add3A_2041 = arith.addf %scan3A_2033, %mul3A_2040 : vector<16xf32>
      scf.yield %add3A_2041 : vector<16xf32>
    }
    %scan3A_1974 = arith.constant 64 : i32
    %sub3A_1975 = arith.constant 2.000000e+00 : f32
    %sub3A_1976 = vector.broadcast %sub3A_1975 : f32 to vector<16xf32>
    %sub3A_1977 = arith.subf %scan3A_1973, %sub3A_1976 : vector<16xf32>
    %div3A_1978 = arith.constant 1.000000e+00 : f32
    %div3A_1979 = vector.broadcast %div3A_1978 : f32 to vector<16xf32>
    %div3A_1980 = arith.divf %sub3A_1977, %div3A_1979 : vector<16xf32>
    %exp3A_1981 = math.exp %div3A_1980 : vector<16xf32>
    %add3A_1982 = arith.constant 1.000000e+00 : f32
    %add3A_1983 = vector.broadcast %add3A_1982 : f32 to vector<16xf32>
    %add3A_1984 = arith.addf %exp3A_1981, %add3A_1983 : vector<16xf32>
    %div3A_1985 = arith.constant 1.000000e+00 : f32
    %div3A_1986 = vector.broadcast %div3A_1985 : f32 to vector<16xf32>
    %div3A_1987 = arith.divf %div3A_1986, %add3A_1984 : vector<16xf32>
    %swap3A_1988 = arith.constant 480 : index
    %swap3A_1989 = tpu.vector_load %arg14[%swap3A_1988] {strides = array<i32>} : memref<512xf32, #tpu.memory_space<vmem>>, vector<16xf32>,
    tpu.vector_store %arg14[%swap3A_1988], %div3A_1987 {strides = array<i32>} : memref<512xf32, #tpu.memory_space<vmem>>, vector<16xf32>,
    %add3A_1990 = arith.constant 112 : i32
    %add3A_1991 = vector.broadcast %add3A_1990 : i32 to vector<16xi32>
    %add3A_1992 = arith.addi %iota3A, %add3A_1991 : vector<16xi32>
    %get3A_1993 = arith.constant 496 : index
    %get3A_1994 = tpu.vector_load %arg6[%get3A_1993] {strides = array<i32>} : memref<512xi32, #tpu.memory_space<vmem>>, vector<16xi32>,
    %and3A_1995 = arith.constant 1 : i32
    %and3A_1996 = vector.broadcast %and3A_1995 : i32 to vector<16xi32>
    %and3A_1997 = arith.andi %get3A_1994, %and3A_1996 : vector<16xi32>
    %mul3A_1998 = arith.constant 64 : i32
    %mul3A_1999 = vector.broadcast %mul3A_1998 : i32 to vector<16xi32>
    %mul3A_2000 = arith.muli %and3A_1997, %mul3A_1999 : vector<16xi32>
    %get3A_2001 = arith.constant 496 : index
    %get3A_2002 = tpu.vector_load %arg7[%get3A_2001] {strides = array<i32>} : memref<512xi32, #tpu.memory_space<vmem>>, vector<16xi32>,
    %and3A_2003 = arith.constant 1 : i32
    %and3A_2004 = vector.broadcast %and3A_2003 : i32 to vector<16xi32>
    %and3A_2005 = arith.andi %get3A_2002, %and3A_2004 : vector<16xi32>
    %mul3A_2006 = arith.constant 64 : i32
    %mul3A_2007 = vector.broadcast %mul3A_2006 : i32 to vector<16xi32>
    %mul3A_2008 = arith.muli %and3A_2005, %mul3A_2007 : vector<16xi32>
    %broadcast_in_dim3A_2009 = arith.constant 0.000000e+00 : f32
    %broadcast_in_dim3A_2010 = vector.broadcast %broadcast_in_dim3A_2009 : f32 to vector<16xf32>
    %scan3A_2011 = arith.constant 0 : i32
    %scan3A_2012 = arith.constant 64 : i32
    %scan3A_2013 = arith.addi %scan3A_2011, %scan3A_2012 : i32
    %scan3A_2014 = arith.constant 1 : i32
    %scan3A_2015 = scf.for %scan3A_2032 = %scan3A_2011 to %scan3A_2013 step %scan3A_2014 iter_args(%scan3A_2033 = %broadcast_in_dim3A_2010) -> (vector<16xf32>)  : i32 {
      %add3A_2034 = vector.broadcast %scan3A_2032 : i32 to vector<16xi32>
      %add3A_2035 = arith.addi %mul3A_2000, %add3A_2034 : vector<16xi32>
      %gather3A = tpu.vector_load_idx %arg12[%add3A_1992, %add3A_2035] : memref<128x128xf32, #tpu.memory_space<vmem>>[vector<16xi32>, vector<16xi32>], vector<16xf32>,
      %add3A_2036 = vector.broadcast %scan3A_2032 : i32 to vector<16xi32>
      %add3A_2037 = arith.addi %mul3A_2008, %add3A_2036 : vector<16xi32>
      %gather3A_2038 = tpu.vector_load_idx %arg13[%add3A_1992, %add3A_2037] : memref<128x128xf32, #tpu.memory_space<vmem>>[vector<16xi32>, vector<16xi32>], vector<16xf32>,
      %sub3A_2039 = arith.subf %gather3A, %gather3A_2038 : vector<16xf32>
      %mul3A_2040 = arith.mulf %sub3A_2039, %sub3A_2039 : vector<16xf32>
      %add3A_2041 = arith.addf %scan3A_2033, %mul3A_2040 : vector<16xf32>
      scf.yield %add3A_2041 : vector<16xf32>
    }
    %scan3A_2016 = arith.constant 64 : i32
    %sub3A_2017 = arith.constant 2.000000e+00 : f32
    %sub3A_2018 = vector.broadcast %sub3A_2017 : f32 to vector<16xf32>
    %sub3A_2019 = arith.subf %scan3A_2015, %sub3A_2018 : vector<16xf32>
    %div3A_2020 = arith.constant 1.000000e+00 : f32
    %div3A_2021 = vector.broadcast %div3A_2020 : f32 to vector<16xf32>
    %div3A_2022 = arith.divf %sub3A_2019, %div3A_2021 : vector<16xf32>
    %exp3A_2023 = math.exp %div3A_2022 : vector<16xf32>
    %add3A_2024 = arith.constant 1.000000e+00 : f32
    %add3A_2025 = vector.broadcast %add3A_2024 : f32 to vector<16xf32>
    %add3A_2026 = arith.addf %exp3A_2023, %add3A_2025 : vector<16xf32>
    %div3A_2027 = arith.constant 1.000000e+00 : f32
    %div3A_2028 = vector.broadcast %div3A_2027 : f32 to vector<16xf32>
    %div3A_2029 = arith.divf %div3A_2028, %add3A_2026 : vector<16xf32>
    %swap3A_2030 = arith.constant 496 : index
    %swap3A_2031 = tpu.vector_load %arg14[%swap3A_2030] {strides = array<i32>} : memref<512xf32, #tpu.memory_space<vmem>>, vector<16xf32>,
    tpu.vector_store %arg14[%swap3A_2030], %div3A_2029 {strides = array<i32>} : memref<512xf32, #tpu.memory_space<vmem>>, vector<16xf32>,
    "tpu.region"() ({
      %run_scoped3A = tpu.sem_alloc : memref<!tpu.dma_semaphore, #tpu.memory_space<semaphore_mem>>
      %dma_start3A_2032 = tpu.memref_slice %arg5[%mul3A_2] : memref<16384xf32, #tpu.memory_space<hbm>> -> memref<512xf32, #tpu.memory_space<hbm>>
      %dma_start3A_2033 = tpu.memref_slice %arg5[%mul3A_2] : memref<16384xf32, #tpu.memory_space<hbm>> -> memref<512xf32, #tpu.memory_space<hbm>>
      tpu.enqueue_dma source(%arg14 : memref<512xf32, #tpu.memory_space<vmem>>) target(%dma_start3A_2033 : memref<512xf32, #tpu.memory_space<hbm>>) target_semaphore(%run_scoped3A : memref<!tpu.dma_semaphore, #tpu.memory_space<semaphore_mem>>)
      %dma_wait3A_2034 = tpu.memref_slice %arg5[%mul3A_2] : memref<16384xf32, #tpu.memory_space<hbm>> -> memref<512xf32, #tpu.memory_space<hbm>>
      %dma_wait3A_2035 = tpu.memref_slice %arg5[%mul3A_2] : memref<16384xf32, #tpu.memory_space<hbm>> -> memref<512xf32, #tpu.memory_space<hbm>>
      tpu.wait_dma2 semaphore(%run_scoped3A : memref<!tpu.dma_semaphore, #tpu.memory_space<semaphore_mem>>) src(%arg14 : memref<512xf32, #tpu.memory_space<vmem>>) dst(%dma_wait3A_2035 : memref<512xf32, #tpu.memory_space<hbm>>)
      tpu.yield
    }) : () -> ()
    return
  }
}

</mosaic_0001>

<sc_bundles>
// kernel: _run.3.cloned.1.call-start
scs
__scs_entry_jumppad:
0x0: {  	(pc) =	sbr.rel $0x88, $3  }
0x1: {  	(tag) =	ssettag $0x0;
	lr =	simm.s32 $0x1  }
0x2: {  	[smem:$0x3F9E] =	sst lr;
	_ =	strace $0xD0000000  }
0x3: {  	_ = 	snop  }
0x4: {  	_ = 	snop  }
0x5: {  	_ = 	snop  }
0x6: {  	_ = 	snop  }
0x7: {  	_ = 	snop  }
__scs_overlays_trampoline_lowered:
0x8: {  	[smem:$0x3FAD] =	sst s0  }
0x9: {  	[smem:$0x3FAE] =	sst s1  }
0xa: {  	[smem:$0x3FAF] =	sst s2  }
0xb: {  	[smem:$0x3FB0] =	sst s3  }
0xc: {  	[smem:$0x3FB1] =	sst s4  }
0xd: {  	[smem:$0x3FB2] =	sst s5  }
0xe: {  	[smem:$0x3FB3] =	sst s6  }
0xf: {  	[smem:$0x3FB4] =	sst s7  }
0x10: {  	[smem:$0x3FB5] =	sst s8  }
0x11: {  	[smem:$0x3FB6] =	sst s9;
	s0 =	simm.s32 @!p0 $0x0  }
0x12: {  	s1 =	sld [smem:$0x3F9C];
	s0 =	simm.s32 @p0 $0x1  }
0x13: {  	[smem:$0x3FB7] =	sst s0;
	s0 =	simm.s32 @!p1 $0x0  }
0x14: {  	s2 =	sld [smem:$0x3F9B];
	s0 =	simm.s32 @p1 $0x1  }
0x15: {  	[smem:$0x3FB8] =	sst s0;
	s0 =	simm.s32 @!p2 $0x0  }
0x16: {  	s3 =	sld [smem:$0x3FDB];
	s0 =	simm.s32 @p2 $0x1  }
0x17: {  	s4 =	simm.s32 $0x1BF5;
	[smem:$0x3FBA] =	sst s0  }
0x18: {  	s0 =	sld [smem:$0x3F9D];
	_ =	swait.ge [sflag:s4], $0x0  }
0x19: {  	s7 =	sld [smem:$0x3F9E]  }
0x1a: {  	s8 =	sadd.s32 $0xFFFFE003, lr  }
0x1b: {  	s9 =	sadd.s32 $0xFFFFFEF7, lr;
	s5 =	simm.s32 $0xFFFFFFFF;
	p2 =	slt.u32 s8, $0xFFFFF086  }
0x1c: {  	p1 =	slt.u32 s9, $0xF7A;
	s5 =	simm.s32 @!p2 $0x0  }
0x1d: {  	s5 =	simm.s32 @p1 $0x1;
	p0 =	seq.s32 s7, s2  }
0x1e: {  	s7 =	smul.u32 @!p0 $0xF7A, s2;
	p2 =	seq.s32 @!p0 s5, $0x0  }
0x1f: {  	s9 =	smul.u32 $0xF7A, s1;
	s8 =	simm.s32 @!p0 $0x1BF5;
	p2 =	por !p2, p0  }
0x20: {  	[sflag:s8] =	ssyncset.s32 @!p0 $0xFFFFF086;
	s6 =	sadd.s32 @!p0 s3, s7;
	s7 =	simm.s32 @!p0 $0x108  }
0x21: {  	s3 =	sadd.s32 s3, s9;
	s6 =	sadd.s32 @!p0 $0x88, s6;
	s7 =	simm.s32 @p2 $0x1082  }
0x22: {  	[simem:s7], [sflag:s8] =	dma.local @!p0 [hbm:s6], $0xF7A  }
0x23: {  	s9 =	sor.u32 $0xD0000000, s2;
	s6 =	simm.s32 $0x108;
	_ =	swait.ge @!p0 [sflag:s8], $0x0  }
0x24: {  	s3 =	sadd.s32 $0x88, s3;
	s6 =	simm.s32 @!p1 $0x1082;
	[sflag:s4] =	ssyncset.s32 $0xFFFFF086  }
0x25: {  	[simem:s6], [sflag:s4] =	dma.local [hbm:s3], $0xF7A  }
0x26: {  	[smem:$0x3F9E] =	sst s1;
	(tag) =	ssettag s2;
	_ =	strace s9  }
0x27: {  	s1 =	sld [smem:$0x3FAE]  }
0x28: {  	s2 =	sld [smem:$0x3FAF]  }
0x29: {  	s4 =	sld [smem:$0x3FB1]  }
0x2a: {  	p0 =	seq.s32 s5, $0x0;
	s5 =	sld [smem:$0x3FB2]  }
0x2b: {  	s6 =	sld [smem:$0x3FB3]  }
0x2c: {  	s7 =	sld [smem:$0x3FB4]  }
0x2d: {  	s3 =	simm.s32 $0x108;
	s8 =	sld [smem:$0x3FB5]  }
0x2e: {  	s3 =	simm.s32 @!p0 $0x1082;
	s9 =	sld [smem:$0x3FB6]  }
0x2f: {  	lr =	sadd.s32 s0, s3;
	s0 =	sld [smem:$0x3FAD]  }
0x30: {  	s3 =	sld [smem:$0x3FB0]  }
0x31: {  	[smem:$0x3FB9] =	sst s10  }
0x32: {  	s10 =	sld [smem:$0x3FB7];
	_ =	sdelay $0x3  }
0x33: {  	p0 =	seq.s32 s10, $0x1;
	s10 =	sld [smem:$0x3FB9];
	_ =	sdelay $0x3  }
0x34: {  	[smem:$0x3FB9] =	sst s10  }
0x35: {  	s10 =	sld [smem:$0x3FB8];
	_ =	sdelay $0x3  }
0x36: {  	p1 =	seq.s32 s10, $0x1;
	s10 =	sld [smem:$0x3FB9];
	_ =	sdelay $0x3  }
0x37: {  	[smem:$0x3FB9] =	sst s10  }
0x38: {  	s10 =	sld [smem:$0x3FBA]  }
0x39: {  	_ = 	snop;
	(pc) =	sbr.ind lr, $3  }
0x3a: {  	_ = 	snop  }
0x3b: {  	_ = 	snop  }
0x3c: {  	p2 =	seq.s32 s10, $0x1;
	s10 =	sld [smem:$0x3FB9]  }
0x3d: {  	_ =	shalt  }
0x3e: {  	_ =	shalt  }
0x3f: {  	_ =	shalt  }
0x40: {  	_ =	shalt  }
0x41: {  	_ =	shalt  }
0x42: {  	_ =	shalt  }
0x43: {  	_ =	shalt  }
0x44: {  	_ =	shalt  }
0x45: {  	_ =	shalt  }
0x46: {  	_ =	shalt  }
0x47: {  	_ =	shalt  }
0x48: {  	_ =	shalt  }
0x49: {  	_ =	shalt  }
0x4a: {  	_ =	shalt  }
0x4b: {  	_ =	shalt  }
0x4c: {  	_ =	shalt  }
0x4d: {  	_ =	shalt  }
0x4e: {  	_ =	shalt  }
0x4f: {  	_ =	shalt  }
0x50: {  	_ =	shalt  }
0x51: {  	_ =	shalt  }
0x52: {  	_ =	shalt  }
0x53: {  	_ =	shalt  }
0x54: {  	_ =	shalt  }
0x55: {  	_ =	shalt  }
0x56: {  	_ =	shalt  }
0x57: {  	_ =	shalt  }
0x58: {  	_ =	shalt  }
0x59: {  	_ =	shalt  }
0x5a: {  	_ =	shalt  }
0x5b: {  	_ =	shalt  }
0x5c: {  	_ =	shalt  }
0x5d: {  	_ =	shalt  }
0x5e: {  	_ =	shalt  }
0x5f: {  	_ =	shalt  }
0x60: {  	_ =	shalt  }
0x61: {  	_ =	shalt  }
0x62: {  	_ =	shalt  }
0x63: {  	_ =	shalt  }
0x64: {  	_ =	shalt  }
0x65: {  	_ =	shalt  }
0x66: {  	_ =	shalt  }
0x67: {  	_ =	shalt  }
0x68: {  	_ =	shalt  }
0x69: {  	_ =	shalt  }
0x6a: {  	_ =	shalt  }
0x6b: {  	_ =	shalt  }
0x6c: {  	_ =	shalt  }
0x6d: {  	_ =	shalt  }
0x6e: {  	_ =	shalt  }
0x6f: {  	_ =	shalt  }
0x70: {  	_ =	shalt  }
0x71: {  	_ =	shalt  }
0x72: {  	_ =	shalt  }
0x73: {  	_ =	shalt  }
0x74: {  	_ =	shalt  }
0x75: {  	_ =	shalt  }
0x76: {  	_ =	shalt  }
0x77: {  	_ =	shalt  }
0x78: {  	_ =	shalt  }
0x79: {  	_ =	shalt  }
0x7a: {  	_ =	shalt  }
0x7b: {  	_ =	shalt  }
0x7c: {  	_ =	shalt  }
0x7d: {  	_ =	shalt  }
0x7e: {  	_ =	shalt  }
0x7f: {  	_ =	shalt  }
0x80: {  	_ =	shalt  }
0x81: {  	_ =	shalt  }
0x82: {  	_ =	shalt  }
0x83: {  	_ =	shalt  }
0x84: {  	_ =	shalt  }
0x85: {  	_ =	shalt  }
0x86: {  	_ =	shalt  }
0x87: {  	_ =	shalt  }
.Lfunc_end0:
.L_simem_size_0:
called_computation_lowered:
.L_overlay_start_0:
0x88: {  	s2 =	sld [smem:$0x3FD9]  }
0x89: {  	s3 =	sld [smem:$0x3FFE];
	_ =	sdelay $0x1  }
0x8a: {  	s1 =	srdreg.scid  }
0x8b: {  	s0 =	sand.u32 $0x1, s1  }
0x8c: {  	s18 =	sshll.u32 s0, $0xA;
	s2 =	sadd.s32 s3, s2  }
0x8d: {  	s2 =	sadd.s32 s2, s18  }
0x8e: {  	[smem:$0x3FC5] =	sst s2  }
0x8f: {  	_ = 	snop  }
0x90: {  	s2 =	sld [smem:$0x3FC9]  }
0x91: {  	s19 =	sld [smem:$0x3FC8]  }
0x92: {  	s4 =	sld [smem:$0x3FC7]  }
0x93: {  	s5 =	sld [smem:$0x3FD0];
	(tm) =	ssettm $0x1  }
0x94: {  	s6 =	sld [smem:$0x3FFB];
	_ =	sdelay $0x3  }
0x95: {  	_ =	strace s6  }
0x96: {  	s6 =	sld [smem:$0x3FFC];
	_ =	sdelay $0x3  }
0x97: {  	_ =	strace s6  }
0x98: {  	s6 =	sld [smem:$0x3FFD];
	_ =	sdelay $0x3  }
0x99: {  	_ =	strace s6  }
0x9a: {  	_ =	strace $0x8FFFFFFF  }
0x9b: {  	s20 =	sld [smem:$0x3FDB];
	_ =	sdelay $0x1  }
0x9c: {  	s7 =	simm.s32 $_scs_section_size  }
0x9d: {  	s8 =	simm.s32 $_size__tile_overlayer_lowered;
	s9 =	simm.s32 $_tile_overlayer_lowered  }
0x9e: {  	s23 =	simm.s32 $0x1BFF;
	s22 =	sshll.u32 s9, $0x1;
	s6 =	sadd.s32 s7, s20  }
0x9f: {  	s10 =	simm.s32 $0x0;
	s21 =	sshll.u32 s8, $0x1;
	s8 =	sadd.s32 s22, s6  }
0xa0: {  	[timem:s10], [sflag:s23] =	dma.local [hbm:s8], s21  }
0xa1: {  	_ =	swait.ge [sflag:s23], s21  }
0xa2: {  	s7 =	ssub.s32 $0x0, s21;
	[sflag:s23] =	ssyncset.done $0x0  }
0xa3: {  	[sflag:s23] =	ssyncadd.s32 s7;
	_ =	sdelay $0x1  }
0xa4: {  	s24 =	simm.s32 $0x1B8B  }
0xa5: {  	_ =	swait.ge [sflag:s24], $0x1  }
0xa6: {  	[sflag:s24] =	ssyncset.done $0x0  }
0xa7: {  	s25 =	simm.s32 $0x1B8E;
	[sflag:s24] =	ssyncadd.s32 $0xFFFFFFFF  }
0xa8: {  	s26 =	simm.s32 $execute0_lowered;
	[smem:$0x3FD2] =	sst s25  }
0xa9: {  	s7 =	sshll.u32 s26, $0x1;
	_ =	strace $0x80000046;
	[dreg:$0x1] =	wrdreg $0xFFFFFFFF  }
0xaa: {  	s28 =	simm.s32 $_size_execute0_lowered;
	s6 =	sadd.s32 s6, s7;
	[dreg:$0x0] =	wrdreg $0x0  }
0xab: {  	s7 =	sshll.u32 s28, $0x1;
	[dreg:$0x2] =	wrdreg s6  }
0xac: {  	[dreg:$0x3] =	wrdreg s7  }
0xad: {  	[dreg:$0x4] =	wrdreg $0xC0  }
0xae: {  	_ =	task [dreg:s10], $0x5FFFF  }
0xaf: {  	[dreg:$0x1] =	wrdreg $0xFFFFFFFF  }
0xb0: {  	[dreg:$0x0] =	wrdreg $0x60  }
0xb1: {  	[dreg:$0x2] =	wrdreg s2  }
0xb2: {  	[dreg:$0x3] =	wrdreg s19  }
0xb3: {  	[dreg:$0x4] =	wrdreg s4  }
0xb4: {  	[dreg:$0x5] =	wrdreg s5  }
0xb5: {  	[dreg:$0x6] =	wrdreg $0x9  }
0xb6: {  	_ =	task.clear_ibuf [dreg:s10], $0x7FFFF;
	_ =	strace $0x90000046  }
0xb7: {  	s29 =	simm.s32 $0x9;
	_ =	strace $0x80000048  }
0xb8: {  	_ =	swait.ge [sflag:s29], $0x1  }
0xb9: {  	[sflag:s29] =	ssyncadd.s32 $0xFFFFFFFF  }
0xba: {  	_ =	strace $0x90000048  }
0xbb: {  	_ =	sfence  }
0xbc: {  	s30 =	sld [smem:$0x0];
	_ =	sdelay $0x2  }
0xbd: {  	s31 =	sshll.u32 s1, $0xD;
	s1 =	sshrl.u32 s1, $0x2  }
0xbe: {  	s3 =	sand.u32 $0x4000, s31;
	s1 =	sadd.s32 s1, s30  }
0xbf: {  	s0 =	sor.u32 s3, s0;
	s1 =	sshll.u32 s1, $0x11  }
0xc0: {  	s0 =	sor.u32 s1, s0  }
0xc1: {  	s0 =	sadd.s32 $0x8F2B, s0  }
0xc2: {  	[sflag:s0] =	ssyncadd.remote.s32 $0x1  }
0xc3: {  	_ =	sfence.sel $0xFFFF  }
0xc4: {  	[dreg:$0x0] =	wrdreg $0xFFFFFFFF;
	(pc) =	sbr.abs _section_cstart, $3  }
0xc5: {  	[dreg:$0x1] =	wrdreg $0xFFFFFFFF  }
0xc6: {  	_ =	task.clear_ibuf [dreg:s10], $0x2FFFF;
	_ =	strace $0x9FFFFFFF  }
0xc7: {  	(tm) =	ssettm $0x7FFFFFFF  }
tec
execute0_lowered:
.L_overlay_start_1:
0x0: {  	(tag) =	ssettag $0x1  }
0x1: {  	s1 =	rddreg [dreg:$0x0]  }
0x2: {  	s4 =	rddreg [dreg:$0x1]  }
0x3: {  	s5 =	rddreg [dreg:$0x2]  }
0x4: {  	s6 =	rddreg [dreg:$0x3]  }
0x5: {  	s0 =	rddreg [dreg:$0x4];
	s7 =	srdreg.scid  }
0x6: {  	s3 =	simm.s32 $0x0;
	s2 =	stileid.u32;
	s11 =	simm.s32 $0x400  }
0x7: {  	s12 =	simm.s32 $0x800;
	s13 =	simm.s32 $0x600;
	s14 =	simm.s32 $0x4800  }
0x8: {  	s15 =	simm.s32 $0x480;
	s16 =	simm.s32 $0x8800;
	s17 =	simm.s32 $0x680  }
0x9: {  	s18 =	simm.s32 $0xC800;
	s19 =	simm.s32 $0x1;
	s20 =	simm.s32 $0x2  }
0xa: {  	s21 =	simm.s32 $0x500;
	s22 =	simm.s32 $0x700;
	s23 =	simm.s32 $0x3  }
0xb: {  	s24 =	simm.s32 $0x4;
	s25 =	simm.s32 $0x580;
	s26 =	simm.s32 $0x780  }
0xc: {  	v0 =	vlaneseq.u32;
	s28 =	simm.s32 $0x10800;
	s29 =	simm.s32 $0x0;
	s7 =	sand.u32 $0x1, s7  }
0xd: {  	s9 =	sshll.u32 s2, $0x7;
	[smem:$0x7FF] =	sst s3;
	v0 =	vmul.u32 $0x80, v0;
	s8 =	ssub.s32 $0x2, s7  }
0xe: {  	s7 =	sshll.u32 s7, $0x6;
	_ =	strace $0x80000047;
	s10 =	sshrl.u32 s8, $0x1  }
0xf: {  	s7 =	sor.u32 s7, s9;
	s9 =	simm.s32 $0x200;
	v1 =	vor.u32 $0x800, v0;
	s8 =	ssub.s32 s8, s10  }
0x10: {  	v2 =	vor.u32 $0x1000, v0;
	v3 =	vor.u32 $0x1800, v0;
	v4 =	vor.u32 $0x2000, v0;
	s4 =	sadd.s32 s4, s7;
	s5 =	sadd.s32 s5, s7;
	s6 =	sadd.s32 s6, s7  }
0x11: {  	v5 =	vor.u32 $0x2800, v0;
	v6 =	vor.u32 $0x3000, v0;
	v7 =	vor.u32 $0x3800, v0;
	s10 =	simm.s32 $0x80;
	s7 =	smax.u32 s8, $0x1;
	s8 =	simm.s32 $0x5  }
.LBB2_1:
0x12: {  	[tilespmem:s3], [sflag:$0x5] =	stream.linear.gather [hbm4b:s4+s3], $0x200, $0x38;
	[tilespmem:$0x10A00] =	vst v63  }
0x13: {  	_ =	swait.ge [sflag:s8], $0x200  }
0x14: {  	[sflag:s8] =	ssyncset.done $0x0  }
0x15: {  	[sflag:s8] =	ssyncadd.s32 $0xFFFFFE00  }
0x16: {  	[tilespmem:s9], [sflag:$0x5] =	stream.linear.gather [hbm4b:s5+s3], $0x200, $0x38;
	[tilespmem:$0x10A00] =	vst v63  }
0x17: {  	_ =	swait.ge [sflag:s8], $0x200  }
0x18: {  	[sflag:s8] =	ssyncset.done $0x0  }
0x19: {  	[sflag:s8] =	ssyncadd.s32 $0xFFFFFE00  }
0x1a: {  	v8 =	vld [tilespmem:$0x200]  }
0x1b: {  	v9 =	vld [tilespmem:$0x0];
	_ =	sdelay $0x1  }
0x1c: {  	v10 =	vld [tilespmem:$0x210]  }
0x1d: {  	v11 =	vld [tilespmem:$0x10]  }
0x1e: {  	v8 =	vadd.s32 $0x7A120, v8  }
0x1f: {  	v12 =	vld [tilespmem:$0x220];
	v9 =	vshrl.u32 v9, $0x1;
	[tilespmem:$0x200] =	vst v8  }
0x20: {  	[tilespmem:$0x400] =	vst v9;
	v8 =	vshrl.u32 v8, $0x1  }
0x21: {  	v9 =	vld [tilespmem:$0x20];
	[tilespmem:$0x600] =	vst v8;
	v8 =	vadd.s32 $0x7A120, v10  }
0x22: {  	v10 =	vshrl.u32 v11, $0x1;
	v11 =	vld [tilespmem:$0x230];
	[tilespmem:$0x210] =	vst v8  }
0x23: {  	[tilespmem:$0x410] =	vst v10;
	v8 =	vshrl.u32 v8, $0x1;
	v10 =	vld [tilespmem:$0x30]  }
0x24: {  	[tilespmem:$0x610] =	vst v8;
	v8 =	vadd.s32 $0x7A120, v12  }
0x25: {  	v12 =	vld [tilespmem:$0x240];
	[tilespmem:$0x220] =	vst v8;
	v8 =	vshrl.u32 v8, $0x1  }
0x26: {  	v9 =	vshrl.u32 v9, $0x1;
	[tilespmem:$0x620] =	vst v8  }
0x27: {  	[tilespmem:$0x420] =	vst v9;
	v9 =	vld [tilespmem:$0x40];
	v8 =	vadd.s32 $0x7A120, v11  }
0x28: {  	v11 =	vld [tilespmem:$0x250];
	[tilespmem:$0x230] =	vst v8;
	v10 =	vshrl.u32 v10, $0x1  }
0x29: {  	v8 =	vshrl.u32 v8, $0x1;
	[tilespmem:$0x430] =	vst v10  }
0x2a: {  	v10 =	vld [tilespmem:$0x50];
	[tilespmem:$0x630] =	vst v8;
	v8 =	vadd.s32 $0x7A120, v12  }
0x2b: {  	v12 =	vld [tilespmem:$0x260];
	[tilespmem:$0x240] =	vst v8;
	v8 =	vshrl.u32 v8, $0x1  }
0x2c: {  	[tilespmem:$0x640] =	vst v8;
	v9 =	vshrl.u32 v9, $0x1  }
0x2d: {  	v8 =	vadd.s32 $0x7A120, v11;
	v11 =	vld [tilespmem:$0x270];
	[tilespmem:$0x440] =	vst v9  }
0x2e: {  	v9 =	vld [tilespmem:$0x60];
	[tilespmem:$0x250] =	vst v8;
	v8 =	vshrl.u32 v8, $0x1  }
0x2f: {  	v10 =	vshrl.u32 v10, $0x1;
	[tilespmem:$0x650] =	vst v8  }
0x30: {  	v8 =	vadd.s32 $0x7A120, v12;
	[tilespmem:$0x450] =	vst v10;
	v10 =	vld [tilespmem:$0x70]  }
0x31: {  	v12 =	vld [tilespmem:$0x280];
	[tilespmem:$0x260] =	vst v8;
	v8 =	vshrl.u32 v8, $0x1  }
0x32: {  	[tilespmem:$0x660] =	vst v8;
	v8 =	vadd.s32 $0x7A120, v11  }
0x33: {  	v11 =	vld [tilespmem:$0x290];
	v9 =	vshrl.u32 v9, $0x1;
	[tilespmem:$0x270] =	vst v8  }
0x34: {  	v8 =	vshrl.u32 v8, $0x1;
	[tilespmem:$0x460] =	vst v9  }
0x35: {  	v9 =	vld [tilespmem:$0x80];
	[tilespmem:$0x670] =	vst v8;
	v10 =	vshrl.u32 v10, $0x1  }
0x36: {  	v8 =	vadd.s32 $0x7A120, v12;
	[tilespmem:$0x470] =	vst v10;
	v10 =	vld [tilespmem:$0x90]  }
0x37: {  	v12 =	vld [tilespmem:$0x2A0];
	[tilespmem:$0x280] =	vst v8;
	v8 =	vshrl.u32 v8, $0x1  }
0x38: {  	[tilespmem:$0x680] =	vst v8;
	v8 =	vadd.s32 $0x7A120, v11  }
0x39: {  	v11 =	vld [tilespmem:$0x2B0];
	[tilespmem:$0x290] =	vst v8;
	v8 =	vshrl.u32 v8, $0x1  }
0x3a: {  	v9 =	vshrl.u32 v9, $0x1;
	[tilespmem:$0x690] =	vst v8  }
0x3b: {  	[tilespmem:$0x480] =	vst v9;
	v9 =	vld [tilespmem:$0xA0];
	v10 =	vshrl.u32 v10, $0x1  }
0x3c: {  	v8 =	vadd.s32 $0x7A120, v12;
	[tilespmem:$0x490] =	vst v10;
	v10 =	vld [tilespmem:$0xB0]  }
0x3d: {  	v12 =	vld [tilespmem:$0x2C0];
	[tilespmem:$0x2A0] =	vst v8;
	v8 =	vshrl.u32 v8, $0x1  }
0x3e: {  	[tilespmem:$0x6A0] =	vst v8;
	v8 =	vadd.s32 $0x7A120, v11  }
0x3f: {  	v11 =	vld [tilespmem:$0x2D0];
	[tilespmem:$0x2B0] =	vst v8;
	v8 =	vshrl.u32 v8, $0x1  }
0x40: {  	[tilespmem:$0x6B0] =	vst v8;
	v9 =	vshrl.u32 v9, $0x1  }
0x41: {  	[tilespmem:$0x4A0] =	vst v9;
	v9 =	vld [tilespmem:$0xC0];
	v10 =	vshrl.u32 v10, $0x1  }
0x42: {  	v8 =	vadd.s32 $0x7A120, v12;
	[tilespmem:$0x4B0] =	vst v10;
	v10 =	vld [tilespmem:$0xD0]  }
0x43: {  	v12 =	vld [tilespmem:$0x2E0];
	[tilespmem:$0x2C0] =	vst v8;
	v8 =	vshrl.u32 v8, $0x1  }
0x44: {  	[tilespmem:$0x6C0] =	vst v8;
	v8 =	vadd.s32 $0x7A120, v11  }
0x45: {  	v11 =	vld [tilespmem:$0x2F0];
	[tilespmem:$0x2D0] =	vst v8;
	v8 =	vshrl.u32 v8, $0x1  }
0x46: {  	[tilespmem:$0x6D0] =	vst v8;
	v9 =	vshrl.u32 v9, $0x1  }
0x47: {  	[tilespmem:$0x4C0] =	vst v9;
	v9 =	vld [tilespmem:$0xE0];
	v10 =	vshrl.u32 v10, $0x1  }
0x48: {  	v8 =	vadd.s32 $0x7A120, v12;
	[tilespmem:$0x4D0] =	vst v10;
	v10 =	vld [tilespmem:$0xF0]  }
0x49: {  	v12 =	vld [tilespmem:$0x300];
	[tilespmem:$0x2E0] =	vst v8;
	v8 =	vshrl.u32 v8, $0x1  }
0x4a: {  	[tilespmem:$0x6E0] =	vst v8;
	v8 =	vadd.s32 $0x7A120, v11  }
0x4b: {  	v11 =	vld [tilespmem:$0x310];
	[tilespmem:$0x2F0] =	vst v8;
	v8 =	vshrl.u32 v8, $0x1  }
0x4c: {  	[tilespmem:$0x6F0] =	vst v8;
	v9 =	vshrl.u32 v9, $0x1  }
0x4d: {  	[tilespmem:$0x4E0] =	vst v9;
	v9 =	vld [tilespmem:$0x100];
	v10 =	vshrl.u32 v10, $0x1  }
0x4e: {  	v8 =	vadd.s32 $0x7A120, v12;
	[tilespmem:$0x4F0] =	vst v10;
	v10 =	vld [tilespmem:$0x110]  }
0x4f: {  	v12 =	vld [tilespmem:$0x320];
	[tilespmem:$0x300] =	vst v8;
	v8 =	vshrl.u32 v8, $0x1  }
0x50: {  	[tilespmem:$0x700] =	vst v8;
	v8 =	vadd.s32 $0x7A120, v11  }
0x51: {  	v11 =	vld [tilespmem:$0x330];
	[tilespmem:$0x310] =	vst v8;
	v8 =	vshrl.u32 v8, $0x1  }
0x52: {  	[tilespmem:$0x710] =	vst v8;
	v9 =	vshrl.u32 v9, $0x1  }
0x53: {  	[tilespmem:$0x500] =	vst v9;
	v9 =	vld [tilespmem:$0x120];
	v10 =	vshrl.u32 v10, $0x1  }
0x54: {  	v8 =	vadd.s32 $0x7A120, v12;
	[tilespmem:$0x510] =	vst v10;
	v10 =	vld [tilespmem:$0x130]  }
0x55: {  	v12 =	vld [tilespmem:$0x340];
	[tilespmem:$0x320] =	vst v8;
	v8 =	vshrl.u32 v8, $0x1  }
0x56: {  	[tilespmem:$0x720] =	vst v8;
	v8 =	vadd.s32 $0x7A120, v11  }
0x57: {  	v11 =	vld [tilespmem:$0x350];
	[tilespmem:$0x330] =	vst v8;
	v8 =	vshrl.u32 v8, $0x1  }
0x58: {  	[tilespmem:$0x730] =	vst v8;
	v9 =	vshrl.u32 v9, $0x1  }
0x59: {  	[tilespmem:$0x520] =	vst v9;
	v9 =	vld [tilespmem:$0x140];
	v10 =	vshrl.u32 v10, $0x1  }
0x5a: {  	v8 =	vadd.s32 $0x7A120, v12;
	[tilespmem:$0x530] =	vst v10;
	v10 =	vld [tilespmem:$0x150]  }
0x5b: {  	v12 =	vld [tilespmem:$0x360];
	[tilespmem:$0x340] =	vst v8;
	v8 =	vshrl.u32 v8, $0x1  }
0x5c: {  	[tilespmem:$0x740] =	vst v8;
	v8 =	vadd.s32 $0x7A120, v11  }
0x5d: {  	v11 =	vld [tilespmem:$0x370];
	[tilespmem:$0x350] =	vst v8;
	v8 =	vshrl.u32 v8, $0x1  }
0x5e: {  	[tilespmem:$0x750] =	vst v8;
	v9 =	vshrl.u32 v9, $0x1  }
0x5f: {  	[tilespmem:$0x540] =	vst v9;
	v9 =	vld [tilespmem:$0x160];
	v10 =	vshrl.u32 v10, $0x1  }
0x60: {  	v8 =	vadd.s32 $0x7A120, v12;
	[tilespmem:$0x550] =	vst v10;
	v10 =	vld [tilespmem:$0x170]  }
0x61: {  	v12 =	vld [tilespmem:$0x380];
	[tilespmem:$0x360] =	vst v8;
	v8 =	vshrl.u32 v8, $0x1  }
0x62: {  	[tilespmem:$0x760] =	vst v8;
	v8 =	vadd.s32 $0x7A120, v11  }
0x63: {  	v11 =	vld [tilespmem:$0x390];
	[tilespmem:$0x370] =	vst v8;
	v8 =	vshrl.u32 v8, $0x1  }
0x64: {  	[tilespmem:$0x770] =	vst v8;
	v9 =	vshrl.u32 v9, $0x1  }
0x65: {  	[tilespmem:$0x560] =	vst v9;
	v9 =	vld [tilespmem:$0x180];
	v10 =	vshrl.u32 v10, $0x1  }
0x66: {  	v8 =	vadd.s32 $0x7A120, v12;
	[tilespmem:$0x570] =	vst v10;
	v10 =	vld [tilespmem:$0x190]  }
0x67: {  	v12 =	vld [tilespmem:$0x3A0];
	[tilespmem:$0x380] =	vst v8;
	v8 =	vshrl.u32 v8, $0x1  }
0x68: {  	[tilespmem:$0x780] =	vst v8;
	v8 =	vadd.s32 $0x7A120, v11  }
0x69: {  	v11 =	vld [tilespmem:$0x3B0];
	[tilespmem:$0x390] =	vst v8;
	v8 =	vshrl.u32 v8, $0x1  }
0x6a: {  	[tilespmem:$0x790] =	vst v8;
	v9 =	vshrl.u32 v9, $0x1  }
0x6b: {  	[tilespmem:$0x580] =	vst v9;
	v9 =	vld [tilespmem:$0x1A0];
	v10 =	vshrl.u32 v10, $0x1  }
0x6c: {  	v8 =	vadd.s32 $0x7A120, v12;
	[tilespmem:$0x590] =	vst v10;
	v10 =	vld [tilespmem:$0x1B0]  }
0x6d: {  	v12 =	vld [tilespmem:$0x3C0];
	[tilespmem:$0x3A0] =	vst v8;
	v8 =	vshrl.u32 v8, $0x1  }
0x6e: {  	[tilespmem:$0x7A0] =	vst v8;
	v8 =	vadd.s32 $0x7A120, v11  }
0x6f: {  	v11 =	vld [tilespmem:$0x3D0];
	[tilespmem:$0x3B0] =	vst v8;
	v8 =	vshrl.u32 v8, $0x1  }
0x70: {  	[tilespmem:$0x7B0] =	vst v8;
	v9 =	vshrl.u32 v9, $0x1  }
0x71: {  	[tilespmem:$0x5A0] =	vst v9;
	v9 =	vld [tilespmem:$0x1C0];
	v10 =	vshrl.u32 v10, $0x1  }
0x72: {  	v8 =	vadd.s32 $0x7A120, v12;
	[tilespmem:$0x5B0] =	vst v10;
	v10 =	vld [tilespmem:$0x1D0]  }
0x73: {  	v12 =	vld [tilespmem:$0x3E0];
	[tilespmem:$0x3C0] =	vst v8;
	v8 =	vshrl.u32 v8, $0x1  }
0x74: {  	[tilespmem:$0x7C0] =	vst v8;
	v8 =	vadd.s32 $0x7A120, v11  }
0x75: {  	v11 =	vld [tilespmem:$0x3F0];
	[tilespmem:$0x3D0] =	vst v8;
	v8 =	vshrl.u32 v8, $0x1  }
0x76: {  	[tilespmem:$0x7D0] =	vst v8;
	v9 =	vshrl.u32 v9, $0x1  }
0x77: {  	[tilespmem:$0x5C0] =	vst v9;
	v9 =	vld [tilespmem:$0x1E0];
	v10 =	vshrl.u32 v10, $0x1  }
0x78: {  	v8 =	vadd.s32 $0x7A120, v12;
	[tilespmem:$0x5D0] =	vst v10;
	v10 =	vld [tilespmem:$0x1F0]  }
0x79: {  	[tilespmem:$0x3E0] =	vst v8;
	v8 =	vshrl.u32 v8, $0x1  }
0x7a: {  	[tilespmem:$0x7E0] =	vst v8;
	v8 =	vadd.s32 $0x7A120, v11  }
0x7b: {  	[tilespmem:$0x3F0] =	vst v8;
	v8 =	vshrl.u32 v8, $0x1  }
0x7c: {  	[tilespmem:$0x7F0] =	vst v8;
	v9 =	vshrl.u32 v9, $0x1  }
0x7d: {  	[tilespmem:$0x5E0] =	vst v9;
	v9 =	vshrl.u32 v10, $0x1  }
0x7e: {  	[tilespmem:$0x5F0] =	vst v9  }
0x7f: {  	[tilespmem:s12], [sflag:$0x1] =	stream.indirect.gather [hbm4b:s1+s10], $0x80, s11, s10, $0xb8;
	[tilespmem:$0x10A00] =	vst v63  }
0x80: {  	_ = 	snop  }
0x81: {  	[tilespmem:s14], [sflag:$0x2] =	stream.indirect.gather [hbm4b:s1+s10], $0x80, s13, s10, $0xb8;
	[tilespmem:$0x10A00] =	vst v63  }
0x82: {  	_ = 	snop  }
0x83: {  	[tilespmem:s16], [sflag:$0x3] =	stream.indirect.gather [hbm4b:s1+s10], $0x80, s15, s10, $0xb8;
	[tilespmem:$0x10A00] =	vst v63  }
0x84: {  	_ = 	snop  }
0x85: {  	[tilespmem:s18], [sflag:$0x4] =	stream.indirect.gather [hbm4b:s1+s10], $0x80, s17, s10, $0xb8;
	[tilespmem:$0x10A00] =	vst v63  }
0x86: {  	_ =	swait.ge [sflag:s19], $0x4000  }
0x87: {  	[sflag:s19] =	ssyncset.done $0x0  }
0x88: {  	[sflag:s19] =	ssyncadd.s32 $0xFFFFC000  }
0x89: {  	_ =	swait.ge [sflag:s20], $0x4000  }
0x8a: {  	[sflag:s20] =	ssyncset.done $0x0  }
0x8b: {  	[sflag:s20] =	ssyncadd.s32 $0xFFFFC000  }
0x8c: {  	v8 =	vld [tilespmem:$0x0]  }
0x8d: {  	v9 =	vld [tilespmem:$0x200];
	_ =	sdelay $0x3  }
0x8e: {  	v8 =	vshll.u32 v8, $0x6  }
0x8f: {  	v9 =	vshll.u32 v9, $0x6;
	v8 =	vand.u32 $0x40, v8  }
0x90: {  	v9 =	vand.u32 $0x40, v9;
	v8 =	vor.u32 v0, v8  }
0x91: {  	v9 =	vor.u32 v0, v9;
	v10 =	vor.u32 s3, v8  }
0x92: {  	v11 =	vor.u32 s3, v9;
	_ =	sdelay $0x2  }
0x93: {  	s30 =	simm.s32 $0x1  }
0x94: {  	v12 =	vor.u32 s30, v8;
	v14 =	vld.idx.msk [tilespmem:v10+s12+$0x0], $0xffff  }
0x95: {  	v13 =	vor.u32 s30, v9;
	v11 =	vld.idx.msk [tilespmem:v11+s14+$0x0], $0xffff;
	_ =	sdelay $0x3  }
0x96: {  	s30 =	simm.s32 $0x2;
	v10 =	vimm.f32 $0.0e+00;
	v12 =	vld.idx.msk [tilespmem:v12+s12+$0x0], $0xffff  }
.LBB2_2:
0x97: {  	v15 =	vor.u32 s30, v8;
	v14 =	vsub.f32 v14, v11;
	v11 =	vld.idx.msk [tilespmem:v13+s14+$0x0], $0xffff;
	p0 =	sne.s32 s30, $0x3F  }
.Ltmp0:
0x98: {  	v13 =	vor.u32 s30, v9;
	s30 =	sadd.s32 $0x1, s30;
	(pc) =	sbr.rel @p0 .LBB2_2-.Ltmp0, $3  }
0x99: {  	v16 =	vmul.f32 v14, v14;
	_ =	sdelay $0x1  }
0x9a: {  	v10 =	vadd.f32 v16, v10  }
0x9b: {  	v14 =	vmov v12;
	v12 =	vld.idx.msk [tilespmem:v15+s12+$0x0], $0xffff  }
0x9c: {  	_ =	sdelay $0x3  }
0x9d: {  	v8 =	vld.idx.msk [tilespmem:v13+s14+$0x0], $0xffff;
	_ =	sdelay $0x2  }
0x9e: {  	v9 =	vsub.f32 v14, v11;
	_ =	sdelay $0x1  }
0x9f: {  	v9 =	vmul.f32 v9, v9;
	v8 =	vsub.f32 v12, v8;
	_ =	sdelay $0x1  }
0xa0: {  	v9 =	vadd.f32 v9, v10;
	v8 =	vmul.f32 v8, v8;
	_ =	sdelay $0x1  }
0xa1: {  	v8 =	vadd.f32 v8, v9;
	_ =	sdelay $0x1  }
0xa2: {  	v8 =	vadd.f32 $-2.000000000e+00, v8;
	_ =	sdelay $0x1  }
0xa3: {  	v8 =	vmul.f32 $1.442695020e+00, v8;
	_ =	sdelay $0x1  }
0xa4: {  	(erf) = vpow2.f32 v8;
	_ =	sdelay $0x8  }
0xa5: {  	v8 =	vpop (erf)  }
0xa6: {  	v9 =	vld [tilespmem:$0x10];
	v8 =	vadd.f32 $1.000000000e+00, v8  }
0xa7: {  	v10 =	vld [tilespmem:$0x210]  }
0xa8: {  	(erf) = vrcp.f32 v8;
	_ =	sdelay $0x2  }
0xa9: {  	v8 =	vshll.u32 v9, $0x6  }
0xaa: {  	v9 =	vshll.u32 v10, $0x6;
	v8 =	vand.u32 $0x40, v8  }
0xab: {  	s30 =	simm.s32 $0x0;
	v9 =	vand.u32 $0x40, v9;
	v8 =	vor.u32 v1, v8  }
0xac: {  	v9 =	vor.u32 v1, v9;
	v10 =	vor.u32 s30, v8  }
0xad: {  	v11 =	vor.u32 s30, v9;
	_ =	sdelay $0x1  }
0xae: {  	v13 =	vpop (erf)  }
0xaf: {  	s30 =	simm.s32 $0x1;
	[tilespmem:$0x10800] =	vst v13  }
0xb0: {  	v12 =	vor.u32 s30, v8;
	v14 =	vld.idx.msk [tilespmem:v10+s12+$0x0], $0xffff  }
0xb1: {  	v13 =	vor.u32 s30, v9;
	v11 =	vld.idx.msk [tilespmem:v11+s14+$0x0], $0xffff;
	_ =	sdelay $0x3  }
0xb2: {  	s30 =	simm.s32 $0x2;
	v10 =	vimm.f32 $0.0e+00;
	v12 =	vld.idx.msk [tilespmem:v12+s12+$0x0], $0xffff  }
.LBB2_4:
0xb3: {  	v15 =	vor.u32 s30, v8;
	v14 =	vsub.f32 v14, v11;
	v11 =	vld.idx.msk [tilespmem:v13+s14+$0x0], $0xffff;
	p0 =	sne.s32 s30, $0x3F  }
.Ltmp1:
0xb4: {  	v13 =	vor.u32 s30, v9;
	s30 =	sadd.s32 $0x1, s30;
	(pc) =	sbr.rel @p0 .LBB2_4-.Ltmp1, $3  }
0xb5: {  	v16 =	vmul.f32 v14, v14;
	_ =	sdelay $0x1  }
0xb6: {  	v10 =	vadd.f32 v16, v10  }
0xb7: {  	v14 =	vmov v12;
	v12 =	vld.idx.msk [tilespmem:v15+s12+$0x0], $0xffff  }
0xb8: {  	_ =	sdelay $0x3  }
0xb9: {  	v8 =	vld.idx.msk [tilespmem:v13+s14+$0x0], $0xffff;
	_ =	sdelay $0x2  }
0xba: {  	v9 =	vsub.f32 v14, v11;
	_ =	sdelay $0x1  }
0xbb: {  	v9 =	vmul.f32 v9, v9;
	v8 =	vsub.f32 v12, v8;
	_ =	sdelay $0x1  }
0xbc: {  	v9 =	vadd.f32 v9, v10;
	v8 =	vmul.f32 v8, v8;
	_ =	sdelay $0x1  }
0xbd: {  	v8 =	vadd.f32 v8, v9;
	_ =	sdelay $0x1  }
0xbe: {  	v8 =	vadd.f32 $-2.000000000e+00, v8;
	_ =	sdelay $0x1  }
0xbf: {  	v8 =	vmul.f32 $1.442695020e+00, v8;
	_ =	sdelay $0x1  }
0xc0: {  	(erf) = vpow2.f32 v8;
	_ =	sdelay $0x8  }
0xc1: {  	v8 =	vpop (erf)  }
0xc2: {  	v9 =	vld [tilespmem:$0x20];
	v8 =	vadd.f32 $1.000000000e+00, v8  }
0xc3: {  	v10 =	vld [tilespmem:$0x220]  }
0xc4: {  	(erf) = vrcp.f32 v8;
	_ =	sdelay $0x2  }
0xc5: {  	v8 =	vshll.u32 v9, $0x6  }
0xc6: {  	v9 =	vshll.u32 v10, $0x6;
	v8 =	vand.u32 $0x40, v8  }
0xc7: {  	s30 =	simm.s32 $0x0;
	v9 =	vand.u32 $0x40, v9;
	v8 =	vor.u32 v2, v8  }
0xc8: {  	v9 =	vor.u32 v2, v9;
	v10 =	vor.u32 s30, v8  }
0xc9: {  	v11 =	vor.u32 s30, v9;
	_ =	sdelay $0x1  }
0xca: {  	v13 =	vpop (erf)  }
0xcb: {  	s30 =	simm.s32 $0x1;
	[tilespmem:$0x10810] =	vst v13  }
0xcc: {  	v12 =	vor.u32 s30, v8;
	v14 =	vld.idx.msk [tilespmem:v10+s12+$0x0], $0xffff  }
0xcd: {  	v13 =	vor.u32 s30, v9;
	v11 =	vld.idx.msk [tilespmem:v11+s14+$0x0], $0xffff;
	_ =	sdelay $0x3  }
0xce: {  	s30 =	simm.s32 $0x2;
	v10 =	vimm.f32 $0.0e+00;
	v12 =	vld.idx.msk [tilespmem:v12+s12+$0x0], $0xffff  }
.LBB2_6:
0xcf: {  	v15 =	vor.u32 s30, v8;
	v14 =	vsub.f32 v14, v11;
	v11 =	vld.idx.msk [tilespmem:v13+s14+$0x0], $0xffff;
	p0 =	sne.s32 s30, $0x3F  }
.Ltmp2:
0xd0: {  	v13 =	vor.u32 s30, v9;
	s30 =	sadd.s32 $0x1, s30;
	(pc) =	sbr.rel @p0 .LBB2_6-.Ltmp2, $3  }
0xd1: {  	v16 =	vmul.f32 v14, v14;
	_ =	sdelay $0x1  }
0xd2: {  	v10 =	vadd.f32 v16, v10  }
0xd3: {  	v14 =	vmov v12;
	v12 =	vld.idx.msk [tilespmem:v15+s12+$0x0], $0xffff  }
0xd4: {  	_ =	sdelay $0x3  }
0xd5: {  	v8 =	vld.idx.msk [tilespmem:v13+s14+$0x0], $0xffff;
	_ =	sdelay $0x2  }
0xd6: {  	v9 =	vsub.f32 v14, v11;
	_ =	sdelay $0x1  }
0xd7: {  	v9 =	vmul.f32 v9, v9;
	v8 =	vsub.f32 v12, v8;
	_ =	sdelay $0x1  }
0xd8: {  	v9 =	vadd.f32 v9, v10;
	v8 =	vmul.f32 v8, v8;
	_ =	sdelay $0x1  }
0xd9: {  	v8 =	vadd.f32 v8, v9;
	_ =	sdelay $0x1  }
0xda: {  	v8 =	vadd.f32 $-2.000000000e+00, v8;
	_ =	sdelay $0x1  }
0xdb: {  	v8 =	vmul.f32 $1.442695020e+00, v8;
	_ =	sdelay $0x1  }
0xdc: {  	(erf) = vpow2.f32 v8;
	_ =	sdelay $0x8  }
0xdd: {  	v8 =	vpop (erf)  }
0xde: {  	v9 =	vld [tilespmem:$0x30];
	v8 =	vadd.f32 $1.000000000e+00, v8  }
0xdf: {  	v10 =	vld [tilespmem:$0x230]  }
0xe0: {  	(erf) = vrcp.f32 v8;
	_ =	sdelay $0x2  }
0xe1: {  	v8 =	vshll.u32 v9, $0x6  }
0xe2: {  	v9 =	vshll.u32 v10, $0x6;
	v8 =	vand.u32 $0x40, v8  }
0xe3: {  	s30 =	simm.s32 $0x0;
	v9 =	vand.u32 $0x40, v9;
	v8 =	vor.u32 v3, v8  }
0xe4: {  	v9 =	vor.u32 v3, v9;
	v10 =	vor.u32 s30, v8  }
0xe5: {  	v11 =	vor.u32 s30, v9;
	_ =	sdelay $0x1  }
0xe6: {  	v13 =	vpop (erf)  }
0xe7: {  	s30 =	simm.s32 $0x1;
	[tilespmem:$0x10820] =	vst v13  }
0xe8: {  	v12 =	vor.u32 s30, v8;
	v14 =	vld.idx.msk [tilespmem:v10+s12+$0x0], $0xffff  }
0xe9: {  	v13 =	vor.u32 s30, v9;
	v11 =	vld.idx.msk [tilespmem:v11+s14+$0x0], $0xffff;
	_ =	sdelay $0x3  }
0xea: {  	s30 =	simm.s32 $0x2;
	v10 =	vimm.f32 $0.0e+00;
	v12 =	vld.idx.msk [tilespmem:v12+s12+$0x0], $0xffff  }
.LBB2_8:
0xeb: {  	v15 =	vor.u32 s30, v8;
	v14 =	vsub.f32 v14, v11;
	v11 =	vld.idx.msk [tilespmem:v13+s14+$0x0], $0xffff;
	p0 =	sne.s32 s30, $0x3F  }
.Ltmp3:
0xec: {  	v13 =	vor.u32 s30, v9;
	s30 =	sadd.s32 $0x1, s30;
	(pc) =	sbr.rel @p0 .LBB2_8-.Ltmp3, $3  }
0xed: {  	v16 =	vmul.f32 v14, v14;
	_ =	sdelay $0x1  }
0xee: {  	v10 =	vadd.f32 v16, v10  }
0xef: {  	v14 =	vmov v12;
	v12 =	vld.idx.msk [tilespmem:v15+s12+$0x0], $0xffff  }
0xf0: {  	_ =	sdelay $0x3  }
0xf1: {  	v8 =	vld.idx.msk [tilespmem:v13+s14+$0x0], $0xffff;
	_ =	sdelay $0x2  }
0xf2: {  	v9 =	vsub.f32 v14, v11;
	_ =	sdelay $0x1  }
0xf3: {  	v9 =	vmul.f32 v9, v9;
	v8 =	vsub.f32 v12, v8;
	_ =	sdelay $0x1  }
0xf4: {  	v9 =	vadd.f32 v9, v10;
	v8 =	vmul.f32 v8, v8;
	_ =	sdelay $0x1  }
0xf5: {  	v8 =	vadd.f32 v8, v9;
	_ =	sdelay $0x1  }
0xf6: {  	v8 =	vadd.f32 $-2.000000000e+00, v8;
	_ =	sdelay $0x1  }
0xf7: {  	v8 =	vmul.f32 $1.442695020e+00, v8;
	_ =	sdelay $0x1  }
0xf8: {  	(erf) = vpow2.f32 v8;
	_ =	sdelay $0x8  }
0xf9: {  	v8 =	vpop (erf)  }
0xfa: {  	v9 =	vld [tilespmem:$0x40];
	v8 =	vadd.f32 $1.000000000e+00, v8  }
0xfb: {  	v10 =	vld [tilespmem:$0x240]  }
0xfc: {  	(erf) = vrcp.f32 v8;
	_ =	sdelay $0x2  }
0xfd: {  	v8 =	vshll.u32 v9, $0x6  }
0xfe: {  	v9 =	vshll.u32 v10, $0x6;
	v8 =	vand.u32 $0x40, v8  }
0xff: {  	s30 =	simm.s32 $0x0;
	v9 =	vand.u32 $0x40, v9;
	v8 =	vor.u32 v4, v8  }
0x100: {  	v9 =	vor.u32 v4, v9;
	v10 =	vor.u32 s30, v8  }
0x101: {  	v11 =	vor.u32 s30, v9;
	_ =	sdelay $0x1  }
0x102: {  	v13 =	vpop (erf)  }
0x103: {  	s30 =	simm.s32 $0x1;
	[tilespmem:$0x10830] =	vst v13  }
0x104: {  	v12 =	vor.u32 s30, v8;
	v14 =	vld.idx.msk [tilespmem:v10+s12+$0x0], $0xffff  }
0x105: {  	v13 =	vor.u32 s30, v9;
	v11 =	vld.idx.msk [tilespmem:v11+s14+$0x0], $0xffff;
	_ =	sdelay $0x3  }
0x106: {  	s30 =	simm.s32 $0x2;
	v10 =	vimm.f32 $0.0e+00;
	v12 =	vld.idx.msk [tilespmem:v12+s12+$0x0], $0xffff  }
.LBB2_10:
0x107: {  	v15 =	vor.u32 s30, v8;
	v14 =	vsub.f32 v14, v11;
	v11 =	vld.idx.msk [tilespmem:v13+s14+$0x0], $0xffff;
	p0 =	sne.s32 s30, $0x3F  }
.Ltmp4:
0x108: {  	v13 =	vor.u32 s30, v9;
	s30 =	sadd.s32 $0x1, s30;
	(pc) =	sbr.rel @p0 .LBB2_10-.Ltmp4, $3  }
0x109: {  	v16 =	vmul.f32 v14, v14;
	_ =	sdelay $0x1  }
0x10a: {  	v10 =	vadd.f32 v16, v10  }
0x10b: {  	v14 =	vmov v12;
	v12 =	vld.idx.msk [tilespmem:v15+s12+$0x0], $0xffff  }
0x10c: {  	_ =	sdelay $0x3  }
0x10d: {  	v8 =	vld.idx.msk [tilespmem:v13+s14+$0x0], $0xffff;
	_ =	sdelay $0x2  }
0x10e: {  	v9 =	vsub.f32 v14, v11;
	_ =	sdelay $0x1  }
0x10f: {  	v9 =	vmul.f32 v9, v9;
	v8 =	vsub.f32 v12, v8;
	_ =	sdelay $0x1  }
0x110: {  	v9 =	vadd.f32 v9, v10;
	v8 =	vmul.f32 v8, v8;
	_ =	sdelay $0x1  }
0x111: {  	v8 =	vadd.f32 v8, v9;
	_ =	sdelay $0x1  }
0x112: {  	v8 =	vadd.f32 $-2.000000000e+00, v8;
	_ =	sdelay $0x1  }
0x113: {  	v8 =	vmul.f32 $1.442695020e+00, v8;
	_ =	sdelay $0x1  }
0x114: {  	(erf) = vpow2.f32 v8;
	_ =	sdelay $0x8  }
0x115: {  	v8 =	vpop (erf)  }
0x116: {  	v9 =	vld [tilespmem:$0x50];
	v8 =	vadd.f32 $1.000000000e+00, v8  }
0x117: {  	v10 =	vld [tilespmem:$0x250]  }
0x118: {  	(erf) = vrcp.f32 v8;
	_ =	sdelay $0x2  }
0x119: {  	v8 =	vshll.u32 v9, $0x6  }
0x11a: {  	v9 =	vshll.u32 v10, $0x6;
	v8 =	vand.u32 $0x40, v8  }
0x11b: {  	s30 =	simm.s32 $0x0;
	v9 =	vand.u32 $0x40, v9;
	v8 =	vor.u32 v5, v8  }
0x11c: {  	v9 =	vor.u32 v5, v9;
	v10 =	vor.u32 s30, v8  }
0x11d: {  	v11 =	vor.u32 s30, v9;
	_ =	sdelay $0x1  }
0x11e: {  	v13 =	vpop (erf)  }
0x11f: {  	s30 =	simm.s32 $0x1;
	[tilespmem:$0x10840] =	vst v13  }
0x120: {  	v12 =	vor.u32 s30, v8;
	v14 =	vld.idx.msk [tilespmem:v10+s12+$0x0], $0xffff  }
0x121: {  	v13 =	vor.u32 s30, v9;
	v11 =	vld.idx.msk [tilespmem:v11+s14+$0x0], $0xffff;
	_ =	sdelay $0x3  }
0x122: {  	s30 =	simm.s32 $0x2;
	v10 =	vimm.f32 $0.0e+00;
	v12 =	vld.idx.msk [tilespmem:v12+s12+$0x0], $0xffff  }
.LBB2_12:
0x123: {  	v15 =	vor.u32 s30, v8;
	v14 =	vsub.f32 v14, v11;
	v11 =	vld.idx.msk [tilespmem:v13+s14+$0x0], $0xffff;
	p0 =	sne.s32 s30, $0x3F  }
.Ltmp5:
0x124: {  	v13 =	vor.u32 s30, v9;
	s30 =	sadd.s32 $0x1, s30;
	(pc) =	sbr.rel @p0 .LBB2_12-.Ltmp5, $3  }
0x125: {  	v16 =	vmul.f32 v14, v14;
	_ =	sdelay $0x1  }
0x126: {  	v10 =	vadd.f32 v16, v10  }
0x127: {  	v14 =	vmov v12;
	v12 =	vld.idx.msk [tilespmem:v15+s12+$0x0], $0xffff  }
0x128: {  	_ =	sdelay $0x3  }
0x129: {  	v8 =	vld.idx.msk [tilespmem:v13+s14+$0x0], $0xffff;
	_ =	sdelay $0x2  }
0x12a: {  	v9 =	vsub.f32 v14, v11;
	_ =	sdelay $0x1  }
0x12b: {  	v9 =	vmul.f32 v9, v9;
	v8 =	vsub.f32 v12, v8;
	_ =	sdelay $0x1  }
0x12c: {  	v9 =	vadd.f32 v9, v10;
	v8 =	vmul.f32 v8, v8;
	_ =	sdelay $0x1  }
0x12d: {  	v8 =	vadd.f32 v8, v9;
	_ =	sdelay $0x1  }
0x12e: {  	v8 =	vadd.f32 $-2.000000000e+00, v8;
	_ =	sdelay $0x1  }
0x12f: {  	v8 =	vmul.f32 $1.442695020e+00, v8;
	_ =	sdelay $0x1  }
0x130: {  	(erf) = vpow2.f32 v8;
	_ =	sdelay $0x8  }
0x131: {  	v8 =	vpop (erf)  }
0x132: {  	v9 =	vld [tilespmem:$0x60];
	v8 =	vadd.f32 $1.000000000e+00, v8  }
0x133: {  	v10 =	vld [tilespmem:$0x260]  }
0x134: {  	(erf) = vrcp.f32 v8;
	_ =	sdelay $0x2  }
0x135: {  	v8 =	vshll.u32 v9, $0x6  }
0x136: {  	v9 =	vshll.u32 v10, $0x6;
	v8 =	vand.u32 $0x40, v8  }
0x137: {  	s30 =	simm.s32 $0x0;
	v9 =	vand.u32 $0x40, v9;
	v8 =	vor.u32 v6, v8  }
0x138: {  	v9 =	vor.u32 v6, v9;
	v10 =	vor.u32 s30, v8  }
0x139: {  	v11 =	vor.u32 s30, v9;
	_ =	sdelay $0x1  }
0x13a: {  	v13 =	vpop (erf)  }
0x13b: {  	s30 =	simm.s32 $0x1;
	[tilespmem:$0x10850] =	vst v13  }
0x13c: {  	v12 =	vor.u32 s30, v8;
	v14 =	vld.idx.msk [tilespmem:v10+s12+$0x0], $0xffff  }
0x13d: {  	v13 =	vor.u32 s30, v9;
	v11 =	vld.idx.msk [tilespmem:v11+s14+$0x0], $0xffff;
	_ =	sdelay $0x3  }
0x13e: {  	s30 =	simm.s32 $0x2;
	v10 =	vimm.f32 $0.0e+00;
	v12 =	vld.idx.msk [tilespmem:v12+s12+$0x0], $0xffff  }
.LBB2_14:
0x13f: {  	v15 =	vor.u32 s30, v8;
	v14 =	vsub.f32 v14, v11;
	v11 =	vld.idx.msk [tilespmem:v13+s14+$0x0], $0xffff;
	p0 =	sne.s32 s30, $0x3F  }
.Ltmp6:
0x140: {  	v13 =	vor.u32 s30, v9;
	s30 =	sadd.s32 $0x1, s30;
	(pc) =	sbr.rel @p0 .LBB2_14-.Ltmp6, $3  }
0x141: {  	v16 =	vmul.f32 v14, v14;
	_ =	sdelay $0x1  }
0x142: {  	v10 =	vadd.f32 v16, v10  }
0x143: {  	v14 =	vmov v12;
	v12 =	vld.idx.msk [tilespmem:v15+s12+$0x0], $0xffff  }
0x144: {  	_ =	sdelay $0x3  }
0x145: {  	v8 =	vld.idx.msk [tilespmem:v13+s14+$0x0], $0xffff;
	_ =	sdelay $0x2  }
0x146: {  	v9 =	vsub.f32 v14, v11;
	_ =	sdelay $0x1  }
0x147: {  	v9 =	vmul.f32 v9, v9;
	v8 =	vsub.f32 v12, v8;
	_ =	sdelay $0x1  }
0x148: {  	v9 =	vadd.f32 v9, v10;
	v8 =	vmul.f32 v8, v8;
	_ =	sdelay $0x1  }
0x149: {  	v8 =	vadd.f32 v8, v9;
	_ =	sdelay $0x1  }
0x14a: {  	v8 =	vadd.f32 $-2.000000000e+00, v8;
	_ =	sdelay $0x1  }
0x14b: {  	v8 =	vmul.f32 $1.442695020e+00, v8;
	_ =	sdelay $0x1  }
0x14c: {  	(erf) = vpow2.f32 v8;
	_ =	sdelay $0x8  }
0x14d: {  	v8 =	vpop (erf)  }
0x14e: {  	v9 =	vld [tilespmem:$0x70];
	v8 =	vadd.f32 $1.000000000e+00, v8  }
0x14f: {  	v10 =	vld [tilespmem:$0x270]  }
0x150: {  	(erf) = vrcp.f32 v8;
	_ =	sdelay $0x2  }
0x151: {  	v8 =	vshll.u32 v9, $0x6  }
0x152: {  	v9 =	vshll.u32 v10, $0x6;
	v8 =	vand.u32 $0x40, v8  }
0x153: {  	s30 =	simm.s32 $0x0;
	v9 =	vand.u32 $0x40, v9;
	v8 =	vor.u32 v7, v8  }
0x154: {  	v9 =	vor.u32 v7, v9;
	v10 =	vor.u32 s30, v8  }
0x155: {  	v11 =	vor.u32 s30, v9;
	_ =	sdelay $0x1  }
0x156: {  	v13 =	vpop (erf)  }
0x157: {  	s30 =	simm.s32 $0x1;
	[tilespmem:$0x10860] =	vst v13  }
0x158: {  	v12 =	vor.u32 s30, v8;
	v14 =	vld.idx.msk [tilespmem:v10+s12+$0x0], $0xffff  }
0x159: {  	v13 =	vor.u32 s30, v9;
	v11 =	vld.idx.msk [tilespmem:v11+s14+$0x0], $0xffff;
	_ =	sdelay $0x3  }
0x15a: {  	s30 =	simm.s32 $0x2;
	v10 =	vimm.f32 $0.0e+00;
	v12 =	vld.idx.msk [tilespmem:v12+s12+$0x0], $0xffff  }
.LBB2_16:
0x15b: {  	v15 =	vor.u32 s30, v8;
	v14 =	vsub.f32 v14, v11;
	v11 =	vld.idx.msk [tilespmem:v13+s14+$0x0], $0xffff;
	p0 =	sne.s32 s30, $0x3F  }
.Ltmp7:
0x15c: {  	v13 =	vor.u32 s30, v9;
	s30 =	sadd.s32 $0x1, s30;
	(pc) =	sbr.rel @p0 .LBB2_16-.Ltmp7, $3  }
0x15d: {  	v16 =	vmul.f32 v14, v14;
	_ =	sdelay $0x1  }
0x15e: {  	v10 =	vadd.f32 v16, v10  }
0x15f: {  	v14 =	vmov v12;
	v12 =	vld.idx.msk [tilespmem:v15+s12+$0x0], $0xffff  }
0x160: {  	_ =	sdelay $0x3  }
0x161: {  	v8 =	vld.idx.msk [tilespmem:v13+s14+$0x0], $0xffff;
	_ =	sdelay $0x2  }
0x162: {  	v9 =	vsub.f32 v14, v11;
	_ =	sdelay $0x1  }
0x163: {  	v9 =	vmul.f32 v9, v9;
	v8 =	vsub.f32 v12, v8;
	_ =	sdelay $0x1  }
0x164: {  	v9 =	vadd.f32 v9, v10;
	v8 =	vmul.f32 v8, v8;
	_ =	sdelay $0x1  }
0x165: {  	v8 =	vadd.f32 v8, v9;
	_ =	sdelay $0x1  }
0x166: {  	v8 =	vadd.f32 $-2.000000000e+00, v8;
	_ =	sdelay $0x1  }
0x167: {  	v8 =	vmul.f32 $1.442695020e+00, v8;
	_ =	sdelay $0x1  }
0x168: {  	(erf) = vpow2.f32 v8;
	_ =	sdelay $0x8  }
0x169: {  	v8 =	vpop (erf)  }
0x16a: {  	v8 =	vadd.f32 $1.000000000e+00, v8;
	_ =	sdelay $0x1  }
0x16b: {  	(erf) = vrcp.f32 v8;
	_ =	sdelay $0x8  }
0x16c: {  	v8 =	vpop (erf)  }
0x16d: {  	[tilespmem:$0x10870] =	vst v8  }
0x16e: {  	[tilespmem:s12], [sflag:$0x1] =	stream.indirect.gather [hbm4b:s1+s10], $0x80, s21, s10, $0xb8;
	[tilespmem:$0x10A00] =	vst v63  }
0x16f: {  	_ = 	snop  }
0x170: {  	[tilespmem:s14], [sflag:$0x2] =	stream.indirect.gather [hbm4b:s1+s10], $0x80, s22, s10, $0xb8;
	[tilespmem:$0x10A00] =	vst v63  }
0x171: {  	_ =	swait.ge [sflag:s23], $0x4000  }
0x172: {  	[sflag:s23] =	ssyncset.done $0x0  }
0x173: {  	[sflag:s23] =	ssyncadd.s32 $0xFFFFC000  }
0x174: {  	_ =	swait.ge [sflag:s24], $0x4000  }
0x175: {  	[sflag:s24] =	ssyncset.done $0x0  }
0x176: {  	[sflag:s24] =	ssyncadd.s32 $0xFFFFC000  }
0x177: {  	v8 =	vld [tilespmem:$0x80]  }
0x178: {  	v9 =	vld [tilespmem:$0x280];
	_ =	sdelay $0x3  }
0x179: {  	v8 =	vshll.u32 v8, $0x6  }
0x17a: {  	v9 =	vshll.u32 v9, $0x6;
	v8 =	vand.u32 $0x40, v8  }
0x17b: {  	s30 =	simm.s32 $0x0;
	v9 =	vand.u32 $0x40, v9;
	v8 =	vor.u32 v0, v8  }
0x17c: {  	v9 =	vor.u32 v0, v9;
	v10 =	vor.u32 s30, v8  }
0x17d: {  	v11 =	vor.u32 s30, v9;
	_ =	sdelay $0x2  }
0x17e: {  	s30 =	simm.s32 $0x1  }
0x17f: {  	v12 =	vor.u32 s30, v8;
	v14 =	vld.idx.msk [tilespmem:v10+s16+$0x0], $0xffff  }
0x180: {  	v13 =	vor.u32 s30, v9;
	v11 =	vld.idx.msk [tilespmem:v11+s18+$0x0], $0xffff;
	_ =	sdelay $0x3  }
0x181: {  	s30 =	simm.s32 $0x2;
	v10 =	vimm.f32 $0.0e+00;
	v12 =	vld.idx.msk [tilespmem:v12+s16+$0x0], $0xffff  }
.LBB2_18:
0x182: {  	v15 =	vor.u32 s30, v8;
	v14 =	vsub.f32 v14, v11;
	v11 =	vld.idx.msk [tilespmem:v13+s18+$0x0], $0xffff;
	p0 =	sne.s32 s30, $0x3F  }
.Ltmp8:
0x183: {  	v13 =	vor.u32 s30, v9;
	s30 =	sadd.s32 $0x1, s30;
	(pc) =	sbr.rel @p0 .LBB2_18-.Ltmp8, $3  }
0x184: {  	v16 =	vmul.f32 v14, v14;
	_ =	sdelay $0x1  }
0x185: {  	v10 =	vadd.f32 v16, v10  }
0x186: {  	v14 =	vmov v12;
	v12 =	vld.idx.msk [tilespmem:v15+s16+$0x0], $0xffff  }
0x187: {  	_ =	sdelay $0x3  }
0x188: {  	v8 =	vld.idx.msk [tilespmem:v13+s18+$0x0], $0xffff;
	_ =	sdelay $0x2  }
0x189: {  	v9 =	vsub.f32 v14, v11;
	_ =	sdelay $0x1  }
0x18a: {  	v9 =	vmul.f32 v9, v9;
	v8 =	vsub.f32 v12, v8;
	_ =	sdelay $0x1  }
0x18b: {  	v9 =	vadd.f32 v9, v10;
	v8 =	vmul.f32 v8, v8;
	_ =	sdelay $0x1  }
0x18c: {  	v8 =	vadd.f32 v8, v9;
	_ =	sdelay $0x1  }
0x18d: {  	v8 =	vadd.f32 $-2.000000000e+00, v8;
	_ =	sdelay $0x1  }
0x18e: {  	v8 =	vmul.f32 $1.442695020e+00, v8;
	_ =	sdelay $0x1  }
0x18f: {  	(erf) = vpow2.f32 v8;
	_ =	sdelay $0x8  }
0x190: {  	v8 =	vpop (erf)  }
0x191: {  	v9 =	vld [tilespmem:$0x90];
	v8 =	vadd.f32 $1.000000000e+00, v8  }
0x192: {  	v10 =	vld [tilespmem:$0x290]  }
0x193: {  	(erf) = vrcp.f32 v8;
	_ =	sdelay $0x2  }
0x194: {  	v8 =	vshll.u32 v9, $0x6  }
0x195: {  	v9 =	vshll.u32 v10, $0x6;
	v8 =	vand.u32 $0x40, v8  }
0x196: {  	s30 =	simm.s32 $0x0;
	v9 =	vand.u32 $0x40, v9;
	v8 =	vor.u32 v1, v8  }
0x197: {  	v9 =	vor.u32 v1, v9;
	v10 =	vor.u32 s30, v8  }
0x198: {  	v11 =	vor.u32 s30, v9;
	_ =	sdelay $0x1  }
0x199: {  	v13 =	vpop (erf)  }
0x19a: {  	s30 =	simm.s32 $0x1;
	[tilespmem:$0x10880] =	vst v13  }
0x19b: {  	v12 =	vor.u32 s30, v8;
	v14 =	vld.idx.msk [tilespmem:v10+s16+$0x0], $0xffff  }
0x19c: {  	v13 =	vor.u32 s30, v9;
	v11 =	vld.idx.msk [tilespmem:v11+s18+$0x0], $0xffff;
	_ =	sdelay $0x3  }
0x19d: {  	s30 =	simm.s32 $0x2;
	v10 =	vimm.f32 $0.0e+00;
	v12 =	vld.idx.msk [tilespmem:v12+s16+$0x0], $0xffff  }
.LBB2_20:
0x19e: {  	v15 =	vor.u32 s30, v8;
	v14 =	vsub.f32 v14, v11;
	v11 =	vld.idx.msk [tilespmem:v13+s18+$0x0], $0xffff;
	p0 =	sne.s32 s30, $0x3F  }
.Ltmp9:
0x19f: {  	v13 =	vor.u32 s30, v9;
	s30 =	sadd.s32 $0x1, s30;
	(pc) =	sbr.rel @p0 .LBB2_20-.Ltmp9, $3  }
0x1a0: {  	v16 =	vmul.f32 v14, v14;
	_ =	sdelay $0x1  }
0x1a1: {  	v10 =	vadd.f32 v16, v10  }
0x1a2: {  	v14 =	vmov v12;
	v12 =	vld.idx.msk [tilespmem:v15+s16+$0x0], $0xffff  }
0x1a3: {  	_ =	sdelay $0x3  }
0x1a4: {  	v8 =	vld.idx.msk [tilespmem:v13+s18+$0x0], $0xffff;
	_ =	sdelay $0x2  }
0x1a5: {  	v9 =	vsub.f32 v14, v11;
	_ =	sdelay $0x1  }
0x1a6: {  	v9 =	vmul.f32 v9, v9;
	v8 =	vsub.f32 v12, v8;
	_ =	sdelay $0x1  }
0x1a7: {  	v9 =	vadd.f32 v9, v10;
	v8 =	vmul.f32 v8, v8;
	_ =	sdelay $0x1  }
0x1a8: {  	v8 =	vadd.f32 v8, v9;
	_ =	sdelay $0x1  }
0x1a9: {  	v8 =	vadd.f32 $-2.000000000e+00, v8;
	_ =	sdelay $0x1  }
0x1aa: {  	v8 =	vmul.f32 $1.442695020e+00, v8;
	_ =	sdelay $0x1  }
0x1ab: {  	(erf) = vpow2.f32 v8;
	_ =	sdelay $0x8  }
0x1ac: {  	v8 =	vpop (erf)  }
0x1ad: {  	v9 =	vld [tilespmem:$0xA0];
	v8 =	vadd.f32 $1.000000000e+00, v8  }
0x1ae: {  	v10 =	vld [tilespmem:$0x2A0]  }
0x1af: {  	(erf) = vrcp.f32 v8;
	_ =	sdelay $0x2  }
0x1b0: {  	v8 =	vshll.u32 v9, $0x6  }
0x1b1: {  	v9 =	vshll.u32 v10, $0x6;
	v8 =	vand.u32 $0x40, v8  }
0x1b2: {  	s30 =	simm.s32 $0x0;
	v9 =	vand.u32 $0x40, v9;
	v8 =	vor.u32 v2, v8  }
0x1b3: {  	v9 =	vor.u32 v2, v9;
	v10 =	vor.u32 s30, v8  }
0x1b4: {  	v11 =	vor.u32 s30, v9;
	_ =	sdelay $0x1  }
0x1b5: {  	v13 =	vpop (erf)  }
0x1b6: {  	s30 =	simm.s32 $0x1;
	[tilespmem:$0x10890] =	vst v13  }
0x1b7: {  	v12 =	vor.u32 s30, v8;
	v14 =	vld.idx.msk [tilespmem:v10+s16+$0x0], $0xffff  }
0x1b8: {  	v13 =	vor.u32 s30, v9;
	v11 =	vld.idx.msk [tilespmem:v11+s18+$0x0], $0xffff;
	_ =	sdelay $0x3  }
0x1b9: {  	s30 =	simm.s32 $0x2;
	v10 =	vimm.f32 $0.0e+00;
	v12 =	vld.idx.msk [tilespmem:v12+s16+$0x0], $0xffff  }
.LBB2_22:
0x1ba: {  	v15 =	vor.u32 s30, v8;
	v14 =	vsub.f32 v14, v11;
	v11 =	vld.idx.msk [tilespmem:v13+s18+$0x0], $0xffff;
	p0 =	sne.s32 s30, $0x3F  }
.Ltmp10:
0x1bb: {  	v13 =	vor.u32 s30, v9;
	s30 =	sadd.s32 $0x1, s30;
	(pc) =	sbr.rel @p0 .LBB2_22-.Ltmp10, $3  }
0x1bc: {  	v16 =	vmul.f32 v14, v14;
	_ =	sdelay $0x1  }
0x1bd: {  	v10 =	vadd.f32 v16, v10  }
0x1be: {  	v14 =	vmov v12;
	v12 =	vld.idx.msk [tilespmem:v15+s16+$0x0], $0xffff  }
0x1bf: {  	_ =	sdelay $0x3  }
0x1c0: {  	v8 =	vld.idx.msk [tilespmem:v13+s18+$0x0], $0xffff;
	_ =	sdelay $0x2  }
0x1c1: {  	v9 =	vsub.f32 v14, v11;
	_ =	sdelay $0x1  }
0x1c2: {  	v9 =	vmul.f32 v9, v9;
	v8 =	vsub.f32 v12, v8;
	_ =	sdelay $0x1  }
0x1c3: {  	v9 =	vadd.f32 v9, v10;
	v8 =	vmul.f32 v8, v8;
	_ =	sdelay $0x1  }
0x1c4: {  	v8 =	vadd.f32 v8, v9;
	_ =	sdelay $0x1  }
0x1c5: {  	v8 =	vadd.f32 $-2.000000000e+00, v8;
	_ =	sdelay $0x1  }
0x1c6: {  	v8 =	vmul.f32 $1.442695020e+00, v8;
	_ =	sdelay $0x1  }
0x1c7: {  	(erf) = vpow2.f32 v8;
	_ =	sdelay $0x8  }
0x1c8: {  	v8 =	vpop (erf)  }
0x1c9: {  	v9 =	vld [tilespmem:$0xB0];
	v8 =	vadd.f32 $1.000000000e+00, v8  }
0x1ca: {  	v10 =	vld [tilespmem:$0x2B0]  }
0x1cb: {  	(erf) = vrcp.f32 v8;
	_ =	sdelay $0x2  }
0x1cc: {  	v8 =	vshll.u32 v9, $0x6  }
0x1cd: {  	v9 =	vshll.u32 v10, $0x6;
	v8 =	vand.u32 $0x40, v8  }
0x1ce: {  	s30 =	simm.s32 $0x0;
	v9 =	vand.u32 $0x40, v9;
	v8 =	vor.u32 v3, v8  }
0x1cf: {  	v9 =	vor.u32 v3, v9;
	v10 =	vor.u32 s30, v8  }
0x1d0: {  	v11 =	vor.u32 s30, v9;
	_ =	sdelay $0x1  }
0x1d1: {  	v13 =	vpop (erf)  }
0x1d2: {  	s30 =	simm.s32 $0x1;
	[tilespmem:$0x108A0] =	vst v13  }
0x1d3: {  	v12 =	vor.u32 s30, v8;
	v14 =	vld.idx.msk [tilespmem:v10+s16+$0x0], $0xffff  }
0x1d4: {  	v13 =	vor.u32 s30, v9;
	v11 =	vld.idx.msk [tilespmem:v11+s18+$0x0], $0xffff;
	_ =	sdelay $0x3  }
0x1d5: {  	s30 =	simm.s32 $0x2;
	v10 =	vimm.f32 $0.0e+00;
	v12 =	vld.idx.msk [tilespmem:v12+s16+$0x0], $0xffff  }
.LBB2_24:
0x1d6: {  	v15 =	vor.u32 s30, v8;
	v14 =	vsub.f32 v14, v11;
	v11 =	vld.idx.msk [tilespmem:v13+s18+$0x0], $0xffff;
	p0 =	sne.s32 s30, $0x3F  }
.Ltmp11:
0x1d7: {  	v13 =	vor.u32 s30, v9;
	s30 =	sadd.s32 $0x1, s30;
	(pc) =	sbr.rel @p0 .LBB2_24-.Ltmp11, $3  }
0x1d8: {  	v16 =	vmul.f32 v14, v14;
	_ =	sdelay $0x1  }
0x1d9: {  	v10 =	vadd.f32 v16, v10  }
0x1da: {  	v14 =	vmov v12;
	v12 =	vld.idx.msk [tilespmem:v15+s16+$0x0], $0xffff  }
0x1db: {  	_ =	sdelay $0x3  }
0x1dc: {  	v8 =	vld.idx.msk [tilespmem:v13+s18+$0x0], $0xffff;
	_ =	sdelay $0x2  }
0x1dd: {  	v9 =	vsub.f32 v14, v11;
	_ =	sdelay $0x1  }
0x1de: {  	v9 =	vmul.f32 v9, v9;
	v8 =	vsub.f32 v12, v8;
	_ =	sdelay $0x1  }
0x1df: {  	v9 =	vadd.f32 v9, v10;
	v8 =	vmul.f32 v8, v8;
	_ =	sdelay $0x1  }
0x1e0: {  	v8 =	vadd.f32 v8, v9;
	_ =	sdelay $0x1  }
0x1e1: {  	v8 =	vadd.f32 $-2.000000000e+00, v8;
	_ =	sdelay $0x1  }
0x1e2: {  	v8 =	vmul.f32 $1.442695020e+00, v8;
	_ =	sdelay $0x1  }
0x1e3: {  	(erf) = vpow2.f32 v8;
	_ =	sdelay $0x8  }
0x1e4: {  	v8 =	vpop (erf)  }
0x1e5: {  	v9 =	vld [tilespmem:$0xC0];
	v8 =	vadd.f32 $1.000000000e+00, v8  }
0x1e6: {  	v10 =	vld [tilespmem:$0x2C0]  }
0x1e7: {  	(erf) = vrcp.f32 v8;
	_ =	sdelay $0x2  }
0x1e8: {  	v8 =	vshll.u32 v9, $0x6  }
0x1e9: {  	v9 =	vshll.u32 v10, $0x6;
	v8 =	vand.u32 $0x40, v8  }
0x1ea: {  	s30 =	simm.s32 $0x0;
	v9 =	vand.u32 $0x40, v9;
	v8 =	vor.u32 v4, v8  }
0x1eb: {  	v9 =	vor.u32 v4, v9;
	v10 =	vor.u32 s30, v8  }
0x1ec: {  	v11 =	vor.u32 s30, v9;
	_ =	sdelay $0x1  }
0x1ed: {  	v13 =	vpop (erf)  }
0x1ee: {  	s30 =	simm.s32 $0x1;
	[tilespmem:$0x108B0] =	vst v13  }
0x1ef: {  	v12 =	vor.u32 s30, v8;
	v14 =	vld.idx.msk [tilespmem:v10+s16+$0x0], $0xffff  }
0x1f0: {  	v13 =	vor.u32 s30, v9;
	v11 =	vld.idx.msk [tilespmem:v11+s18+$0x0], $0xffff;
	_ =	sdelay $0x3  }
0x1f1: {  	s30 =	simm.s32 $0x2;
	v10 =	vimm.f32 $0.0e+00;
	v12 =	vld.idx.msk [tilespmem:v12+s16+$0x0], $0xffff  }
.LBB2_26:
0x1f2: {  	v15 =	vor.u32 s30, v8;
	v14 =	vsub.f32 v14, v11;
	v11 =	vld.idx.msk [tilespmem:v13+s18+$0x0], $0xffff;
	p0 =	sne.s32 s30, $0x3F  }
.Ltmp12:
0x1f3: {  	v13 =	vor.u32 s30, v9;
	s30 =	sadd.s32 $0x1, s30;
	(pc) =	sbr.rel @p0 .LBB2_26-.Ltmp12, $3  }
0x1f4: {  	v16 =	vmul.f32 v14, v14;
	_ =	sdelay $0x1  }
0x1f5: {  	v10 =	vadd.f32 v16, v10  }
0x1f6: {  	v14 =	vmov v12;
	v12 =	vld.idx.msk [tilespmem:v15+s16+$0x0], $0xffff  }
0x1f7: {  	_ =	sdelay $0x3  }
0x1f8: {  	v8 =	vld.idx.msk [tilespmem:v13+s18+$0x0], $0xffff;
	_ =	sdelay $0x2  }
0x1f9: {  	v9 =	vsub.f32 v14, v11;
	_ =	sdelay $0x1  }
0x1fa: {  	v9 =	vmul.f32 v9, v9;
	v8 =	vsub.f32 v12, v8;
	_ =	sdelay $0x1  }
0x1fb: {  	v9 =	vadd.f32 v9, v10;
	v8 =	vmul.f32 v8, v8;
	_ =	sdelay $0x1  }
0x1fc: {  	v8 =	vadd.f32 v8, v9;
	_ =	sdelay $0x1  }
0x1fd: {  	v8 =	vadd.f32 $-2.000000000e+00, v8;
	_ =	sdelay $0x1  }
0x1fe: {  	v8 =	vmul.f32 $1.442695020e+00, v8;
	_ =	sdelay $0x1  }
0x1ff: {  	(erf) = vpow2.f32 v8;
	_ =	sdelay $0x8  }
0x200: {  	v8 =	vpop (erf)  }
0x201: {  	v9 =	vld [tilespmem:$0xD0];
	v8 =	vadd.f32 $1.000000000e+00, v8  }
0x202: {  	v10 =	vld [tilespmem:$0x2D0]  }
0x203: {  	(erf) = vrcp.f32 v8;
	_ =	sdelay $0x2  }
0x204: {  	v8 =	vshll.u32 v9, $0x6  }
0x205: {  	v9 =	vshll.u32 v10, $0x6;
	v8 =	vand.u32 $0x40, v8  }
0x206: {  	s30 =	simm.s32 $0x0;
	v9 =	vand.u32 $0x40, v9;
	v8 =	vor.u32 v5, v8  }
0x207: {  	v9 =	vor.u32 v5, v9;
	v10 =	vor.u32 s30, v8  }
0x208: {  	v11 =	vor.u32 s30, v9;
	_ =	sdelay $0x1  }
0x209: {  	v13 =	vpop (erf)  }
0x20a: {  	s30 =	simm.s32 $0x1;
	[tilespmem:$0x108C0] =	vst v13  }
0x20b: {  	v12 =	vor.u32 s30, v8;
	v14 =	vld.idx.msk [tilespmem:v10+s16+$0x0], $0xffff  }
0x20c: {  	v13 =	vor.u32 s30, v9;
	v11 =	vld.idx.msk [tilespmem:v11+s18+$0x0], $0xffff;
	_ =	sdelay $0x3  }
0x20d: {  	s30 =	simm.s32 $0x2;
	v10 =	vimm.f32 $0.0e+00;
	v12 =	vld.idx.msk [tilespmem:v12+s16+$0x0], $0xffff  }
.LBB2_28:
0x20e: {  	v15 =	vor.u32 s30, v8;
	v14 =	vsub.f32 v14, v11;
	v11 =	vld.idx.msk [tilespmem:v13+s18+$0x0], $0xffff;
	p0 =	sne.s32 s30, $0x3F  }
.Ltmp13:
0x20f: {  	v13 =	vor.u32 s30, v9;
	s30 =	sadd.s32 $0x1, s30;
	(pc) =	sbr.rel @p0 .LBB2_28-.Ltmp13, $3  }
0x210: {  	v16 =	vmul.f32 v14, v14;
	_ =	sdelay $0x1  }
0x211: {  	v10 =	vadd.f32 v16, v10  }
0x212: {  	v14 =	vmov v12;
	v12 =	vld.idx.msk [tilespmem:v15+s16+$0x0], $0xffff  }
0x213: {  	_ =	sdelay $0x3  }
0x214: {  	v8 =	vld.idx.msk [tilespmem:v13+s18+$0x0], $0xffff;
	_ =	sdelay $0x2  }
0x215: {  	v9 =	vsub.f32 v14, v11;
	_ =	sdelay $0x1  }
0x216: {  	v9 =	vmul.f32 v9, v9;
	v8 =	vsub.f32 v12, v8;
	_ =	sdelay $0x1  }
0x217: {  	v9 =	vadd.f32 v9, v10;
	v8 =	vmul.f32 v8, v8;
	_ =	sdelay $0x1  }
0x218: {  	v8 =	vadd.f32 v8, v9;
	_ =	sdelay $0x1  }
0x219: {  	v8 =	vadd.f32 $-2.000000000e+00, v8;
	_ =	sdelay $0x1  }
0x21a: {  	v8 =	vmul.f32 $1.442695020e+00, v8;
	_ =	sdelay $0x1  }
0x21b: {  	(erf) = vpow2.f32 v8;
	_ =	sdelay $0x8  }
0x21c: {  	v8 =	vpop (erf)  }
0x21d: {  	v9 =	vld [tilespmem:$0xE0];
	v8 =	vadd.f32 $1.000000000e+00, v8  }
0x21e: {  	v10 =	vld [tilespmem:$0x2E0]  }
0x21f: {  	(erf) = vrcp.f32 v8;
	_ =	sdelay $0x2  }
0x220: {  	v8 =	vshll.u32 v9, $0x6  }
0x221: {  	v9 =	vshll.u32 v10, $0x6;
	v8 =	vand.u32 $0x40, v8  }
0x222: {  	s30 =	simm.s32 $0x0;
	v9 =	vand.u32 $0x40, v9;
	v8 =	vor.u32 v6, v8  }
0x223: {  	v9 =	vor.u32 v6, v9;
	v10 =	vor.u32 s30, v8  }
0x224: {  	v11 =	vor.u32 s30, v9;
	_ =	sdelay $0x1  }
0x225: {  	v13 =	vpop (erf)  }
0x226: {  	s30 =	simm.s32 $0x1;
	[tilespmem:$0x108D0] =	vst v13  }
0x227: {  	v12 =	vor.u32 s30, v8;
	v14 =	vld.idx.msk [tilespmem:v10+s16+$0x0], $0xffff  }
0x228: {  	v13 =	vor.u32 s30, v9;
	v11 =	vld.idx.msk [tilespmem:v11+s18+$0x0], $0xffff;
	_ =	sdelay $0x3  }
0x229: {  	s30 =	simm.s32 $0x2;
	v10 =	vimm.f32 $0.0e+00;
	v12 =	vld.idx.msk [tilespmem:v12+s16+$0x0], $0xffff  }
.LBB2_30:
0x22a: {  	v15 =	vor.u32 s30, v8;
	v14 =	vsub.f32 v14, v11;
	v11 =	vld.idx.msk [tilespmem:v13+s18+$0x0], $0xffff;
	p0 =	sne.s32 s30, $0x3F  }
.Ltmp14:
0x22b: {  	v13 =	vor.u32 s30, v9;
	s30 =	sadd.s32 $0x1, s30;
	(pc) =	sbr.rel @p0 .LBB2_30-.Ltmp14, $3  }
0x22c: {  	v16 =	vmul.f32 v14, v14;
	_ =	sdelay $0x1  }
0x22d: {  	v10 =	vadd.f32 v16, v10  }
0x22e: {  	v14 =	vmov v12;
	v12 =	vld.idx.msk [tilespmem:v15+s16+$0x0], $0xffff  }
0x22f: {  	_ =	sdelay $0x3  }
0x230: {  	v8 =	vld.idx.msk [tilespmem:v13+s18+$0x0], $0xffff;
	_ =	sdelay $0x2  }
0x231: {  	v9 =	vsub.f32 v14, v11;
	_ =	sdelay $0x1  }
0x232: {  	v9 =	vmul.f32 v9, v9;
	v8 =	vsub.f32 v12, v8;
	_ =	sdelay $0x1  }
0x233: {  	v9 =	vadd.f32 v9, v10;
	v8 =	vmul.f32 v8, v8;
	_ =	sdelay $0x1  }
0x234: {  	v8 =	vadd.f32 v8, v9;
	_ =	sdelay $0x1  }
0x235: {  	v8 =	vadd.f32 $-2.000000000e+00, v8;
	_ =	sdelay $0x1  }
0x236: {  	v8 =	vmul.f32 $1.442695020e+00, v8;
	_ =	sdelay $0x1  }
0x237: {  	(erf) = vpow2.f32 v8;
	_ =	sdelay $0x8  }
0x238: {  	v8 =	vpop (erf)  }
0x239: {  	v9 =	vld [tilespmem:$0xF0];
	v8 =	vadd.f32 $1.000000000e+00, v8  }
0x23a: {  	v10 =	vld [tilespmem:$0x2F0]  }
0x23b: {  	(erf) = vrcp.f32 v8;
	_ =	sdelay $0x2  }
0x23c: {  	v8 =	vshll.u32 v9, $0x6  }
0x23d: {  	v9 =	vshll.u32 v10, $0x6;
	v8 =	vand.u32 $0x40, v8  }
0x23e: {  	s30 =	simm.s32 $0x0;
	v9 =	vand.u32 $0x40, v9;
	v8 =	vor.u32 v7, v8  }
0x23f: {  	v9 =	vor.u32 v7, v9;
	v10 =	vor.u32 s30, v8  }
0x240: {  	v11 =	vor.u32 s30, v9;
	_ =	sdelay $0x1  }
0x241: {  	v13 =	vpop (erf)  }
0x242: {  	s30 =	simm.s32 $0x1;
	[tilespmem:$0x108E0] =	vst v13  }
0x243: {  	v12 =	vor.u32 s30, v8;
	v14 =	vld.idx.msk [tilespmem:v10+s16+$0x0], $0xffff  }
0x244: {  	v13 =	vor.u32 s30, v9;
	v11 =	vld.idx.msk [tilespmem:v11+s18+$0x0], $0xffff;
	_ =	sdelay $0x3  }
0x245: {  	s30 =	simm.s32 $0x2;
	v10 =	vimm.f32 $0.0e+00;
	v12 =	vld.idx.msk [tilespmem:v12+s16+$0x0], $0xffff  }
.LBB2_32:
0x246: {  	v15 =	vor.u32 s30, v8;
	v14 =	vsub.f32 v14, v11;
	v11 =	vld.idx.msk [tilespmem:v13+s18+$0x0], $0xffff;
	p0 =	sne.s32 s30, $0x3F  }
.Ltmp15:
0x247: {  	v13 =	vor.u32 s30, v9;
	s30 =	sadd.s32 $0x1, s30;
	(pc) =	sbr.rel @p0 .LBB2_32-.Ltmp15, $3  }
0x248: {  	v16 =	vmul.f32 v14, v14;
	_ =	sdelay $0x1  }
0x249: {  	v10 =	vadd.f32 v16, v10  }
0x24a: {  	v14 =	vmov v12;
	v12 =	vld.idx.msk [tilespmem:v15+s16+$0x0], $0xffff  }
0x24b: {  	_ =	sdelay $0x3  }
0x24c: {  	v8 =	vld.idx.msk [tilespmem:v13+s18+$0x0], $0xffff;
	_ =	sdelay $0x2  }
0x24d: {  	v9 =	vsub.f32 v14, v11;
	_ =	sdelay $0x1  }
0x24e: {  	v9 =	vmul.f32 v9, v9;
	v8 =	vsub.f32 v12, v8;
	_ =	sdelay $0x1  }
0x24f: {  	v9 =	vadd.f32 v9, v10;
	v8 =	vmul.f32 v8, v8;
	_ =	sdelay $0x1  }
0x250: {  	v8 =	vadd.f32 v8, v9;
	_ =	sdelay $0x1  }
0x251: {  	v8 =	vadd.f32 $-2.000000000e+00, v8;
	_ =	sdelay $0x1  }
0x252: {  	v8 =	vmul.f32 $1.442695020e+00, v8;
	_ =	sdelay $0x1  }
0x253: {  	(erf) = vpow2.f32 v8;
	_ =	sdelay $0x8  }
0x254: {  	v8 =	vpop (erf)  }
0x255: {  	v8 =	vadd.f32 $1.000000000e+00, v8;
	_ =	sdelay $0x1  }
0x256: {  	(erf) = vrcp.f32 v8;
	_ =	sdelay $0x8  }
0x257: {  	v8 =	vpop (erf)  }
0x258: {  	[tilespmem:$0x108F0] =	vst v8  }
0x259: {  	[tilespmem:s16], [sflag:$0x3] =	stream.indirect.gather [hbm4b:s1+s10], $0x80, s25, s10, $0xb8;
	[tilespmem:$0x10A00] =	vst v63  }
0x25a: {  	_ = 	snop  }
0x25b: {  	[tilespmem:s18], [sflag:$0x4] =	stream.indirect.gather [hbm4b:s1+s10], $0x80, s26, s10, $0xb8;
	[tilespmem:$0x10A00] =	vst v63  }
0x25c: {  	_ =	swait.ge [sflag:s19], $0x4000  }
0x25d: {  	[sflag:s19] =	ssyncset.done $0x0  }
0x25e: {  	[sflag:s19] =	ssyncadd.s32 $0xFFFFC000  }
0x25f: {  	_ =	swait.ge [sflag:s20], $0x4000  }
0x260: {  	[sflag:s20] =	ssyncset.done $0x0  }
0x261: {  	[sflag:s20] =	ssyncadd.s32 $0xFFFFC000  }
0x262: {  	v8 =	vld [tilespmem:$0x100]  }
0x263: {  	v9 =	vld [tilespmem:$0x300];
	_ =	sdelay $0x3  }
0x264: {  	v8 =	vshll.u32 v8, $0x6  }
0x265: {  	v9 =	vshll.u32 v9, $0x6;
	v8 =	vand.u32 $0x40, v8  }
0x266: {  	s30 =	simm.s32 $0x0;
	v9 =	vand.u32 $0x40, v9;
	v8 =	vor.u32 v0, v8  }
0x267: {  	v9 =	vor.u32 v0, v9;
	v10 =	vor.u32 s30, v8  }
0x268: {  	v11 =	vor.u32 s30, v9;
	_ =	sdelay $0x2  }
0x269: {  	s30 =	simm.s32 $0x1  }
0x26a: {  	v12 =	vor.u32 s30, v8;
	v14 =	vld.idx.msk [tilespmem:v10+s12+$0x0], $0xffff  }
0x26b: {  	v13 =	vor.u32 s30, v9;
	v11 =	vld.idx.msk [tilespmem:v11+s14+$0x0], $0xffff;
	_ =	sdelay $0x3  }
0x26c: {  	s30 =	simm.s32 $0x2;
	v10 =	vimm.f32 $0.0e+00;
	v12 =	vld.idx.msk [tilespmem:v12+s12+$0x0], $0xffff  }
.LBB2_34:
0x26d: {  	v15 =	vor.u32 s30, v8;
	v14 =	vsub.f32 v14, v11;
	v11 =	vld.idx.msk [tilespmem:v13+s14+$0x0], $0xffff;
	p0 =	sne.s32 s30, $0x3F  }
.Ltmp16:
0x26e: {  	v13 =	vor.u32 s30, v9;
	s30 =	sadd.s32 $0x1, s30;
	(pc) =	sbr.rel @p0 .LBB2_34-.Ltmp16, $3  }
0x26f: {  	v16 =	vmul.f32 v14, v14;
	_ =	sdelay $0x1  }
0x270: {  	v10 =	vadd.f32 v16, v10  }
0x271: {  	v14 =	vmov v12;
	v12 =	vld.idx.msk [tilespmem:v15+s12+$0x0], $0xffff  }
0x272: {  	_ =	sdelay $0x3  }
0x273: {  	v8 =	vld.idx.msk [tilespmem:v13+s14+$0x0], $0xffff;
	_ =	sdelay $0x2  }
0x274: {  	v9 =	vsub.f32 v14, v11;
	_ =	sdelay $0x1  }
0x275: {  	v9 =	vmul.f32 v9, v9;
	v8 =	vsub.f32 v12, v8;
	_ =	sdelay $0x1  }
0x276: {  	v9 =	vadd.f32 v9, v10;
	v8 =	vmul.f32 v8, v8;
	_ =	sdelay $0x1  }
0x277: {  	v8 =	vadd.f32 v8, v9;
	_ =	sdelay $0x1  }
0x278: {  	v8 =	vadd.f32 $-2.000000000e+00, v8;
	_ =	sdelay $0x1  }
0x279: {  	v8 =	vmul.f32 $1.442695020e+00, v8;
	_ =	sdelay $0x1  }
0x27a: {  	(erf) = vpow2.f32 v8;
	_ =	sdelay $0x8  }
0x27b: {  	v8 =	vpop (erf)  }
0x27c: {  	v9 =	vld [tilespmem:$0x110];
	v8 =	vadd.f32 $1.000000000e+00, v8  }
0x27d: {  	v10 =	vld [tilespmem:$0x310]  }
0x27e: {  	(erf) = vrcp.f32 v8;
	_ =	sdelay $0x2  }
0x27f: {  	v8 =	vshll.u32 v9, $0x6  }
0x280: {  	v9 =	vshll.u32 v10, $0x6;
	v8 =	vand.u32 $0x40, v8  }
0x281: {  	s30 =	simm.s32 $0x0;
	v9 =	vand.u32 $0x40, v9;
	v8 =	vor.u32 v1, v8  }
0x282: {  	v9 =	vor.u32 v1, v9;
	v10 =	vor.u32 s30, v8  }
0x283: {  	v11 =	vor.u32 s30, v9;
	_ =	sdelay $0x1  }
0x284: {  	v13 =	vpop (erf)  }
0x285: {  	s30 =	simm.s32 $0x1;
	[tilespmem:$0x10900] =	vst v13  }
0x286: {  	v12 =	vor.u32 s30, v8;
	v14 =	vld.idx.msk [tilespmem:v10+s12+$0x0], $0xffff  }
0x287: {  	v13 =	vor.u32 s30, v9;
	v11 =	vld.idx.msk [tilespmem:v11+s14+$0x0], $0xffff;
	_ =	sdelay $0x3  }
0x288: {  	s30 =	simm.s32 $0x2;
	v10 =	vimm.f32 $0.0e+00;
	v12 =	vld.idx.msk [tilespmem:v12+s12+$0x0], $0xffff  }
.LBB2_36:
0x289: {  	v15 =	vor.u32 s30, v8;
	v14 =	vsub.f32 v14, v11;
	v11 =	vld.idx.msk [tilespmem:v13+s14+$0x0], $0xffff;
	p0 =	sne.s32 s30, $0x3F  }
.Ltmp17:
0x28a: {  	v13 =	vor.u32 s30, v9;
	s30 =	sadd.s32 $0x1, s30;
	(pc) =	sbr.rel @p0 .LBB2_36-.Ltmp17, $3  }
0x28b: {  	v16 =	vmul.f32 v14, v14;
	_ =	sdelay $0x1  }
0x28c: {  	v10 =	vadd.f32 v16, v10  }
0x28d: {  	v14 =	vmov v12;
	v12 =	vld.idx.msk [tilespmem:v15+s12+$0x0], $0xffff  }
0x28e: {  	_ =	sdelay $0x3  }
0x28f: {  	v8 =	vld.idx.msk [tilespmem:v13+s14+$0x0], $0xffff;
	_ =	sdelay $0x2  }
0x290: {  	v9 =	vsub.f32 v14, v11;
	_ =	sdelay $0x1  }
0x291: {  	v9 =	vmul.f32 v9, v9;
	v8 =	vsub.f32 v12, v8;
	_ =	sdelay $0x1  }
0x292: {  	v9 =	vadd.f32 v9, v10;
	v8 =	vmul.f32 v8, v8;
	_ =	sdelay $0x1  }
0x293: {  	v8 =	vadd.f32 v8, v9;
	_ =	sdelay $0x1  }
0x294: {  	v8 =	vadd.f32 $-2.000000000e+00, v8;
	_ =	sdelay $0x1  }
0x295: {  	v8 =	vmul.f32 $1.442695020e+00, v8;
	_ =	sdelay $0x1  }
0x296: {  	(erf) = vpow2.f32 v8;
	_ =	sdelay $0x8  }
0x297: {  	v8 =	vpop (erf)  }
0x298: {  	v9 =	vld [tilespmem:$0x120];
	v8 =	vadd.f32 $1.000000000e+00, v8  }
0x299: {  	v10 =	vld [tilespmem:$0x320]  }
0x29a: {  	(erf) = vrcp.f32 v8;
	_ =	sdelay $0x2  }
0x29b: {  	v8 =	vshll.u32 v9, $0x6  }
0x29c: {  	v9 =	vshll.u32 v10, $0x6;
	v8 =	vand.u32 $0x40, v8  }
0x29d: {  	s30 =	simm.s32 $0x0;
	v9 =	vand.u32 $0x40, v9;
	v8 =	vor.u32 v2, v8  }
0x29e: {  	v9 =	vor.u32 v2, v9;
	v10 =	vor.u32 s30, v8  }
0x29f: {  	v11 =	vor.u32 s30, v9;
	_ =	sdelay $0x1  }
0x2a0: {  	v13 =	vpop (erf)  }
0x2a1: {  	s30 =	simm.s32 $0x1;
	[tilespmem:$0x10910] =	vst v13  }
0x2a2: {  	v12 =	vor.u32 s30, v8;
	v14 =	vld.idx.msk [tilespmem:v10+s12+$0x0], $0xffff  }
0x2a3: {  	v13 =	vor.u32 s30, v9;
	v11 =	vld.idx.msk [tilespmem:v11+s14+$0x0], $0xffff;
	_ =	sdelay $0x3  }
0x2a4: {  	s30 =	simm.s32 $0x2;
	v10 =	vimm.f32 $0.0e+00;
	v12 =	vld.idx.msk [tilespmem:v12+s12+$0x0], $0xffff  }
.LBB2_38:
0x2a5: {  	v15 =	vor.u32 s30, v8;
	v14 =	vsub.f32 v14, v11;
	v11 =	vld.idx.msk [tilespmem:v13+s14+$0x0], $0xffff;
	p0 =	sne.s32 s30, $0x3F  }
.Ltmp18:
0x2a6: {  	v13 =	vor.u32 s30, v9;
	s30 =	sadd.s32 $0x1, s30;
	(pc) =	sbr.rel @p0 .LBB2_38-.Ltmp18, $3  }
0x2a7: {  	v16 =	vmul.f32 v14, v14;
	_ =	sdelay $0x1  }
0x2a8: {  	v10 =	vadd.f32 v16, v10  }
0x2a9: {  	v14 =	vmov v12;
	v12 =	vld.idx.msk [tilespmem:v15+s12+$0x0], $0xffff  }
0x2aa: {  	_ =	sdelay $0x3  }
0x2ab: {  	v8 =	vld.idx.msk [tilespmem:v13+s14+$0x0], $0xffff;
	_ =	sdelay $0x2  }
0x2ac: {  	v9 =	vsub.f32 v14, v11;
	_ =	sdelay $0x1  }
0x2ad: {  	v9 =	vmul.f32 v9, v9;
	v8 =	vsub.f32 v12, v8;
	_ =	sdelay $0x1  }
0x2ae: {  	v9 =	vadd.f32 v9, v10;
	v8 =	vmul.f32 v8, v8;
	_ =	sdelay $0x1  }
0x2af: {  	v8 =	vadd.f32 v8, v9;
	_ =	sdelay $0x1  }
0x2b0: {  	v8 =	vadd.f32 $-2.000000000e+00, v8;
	_ =	sdelay $0x1  }
0x2b1: {  	v8 =	vmul.f32 $1.442695020e+00, v8;
	_ =	sdelay $0x1  }
0x2b2: {  	(erf) = vpow2.f32 v8;
	_ =	sdelay $0x8  }
0x2b3: {  	v8 =	vpop (erf)  }
0x2b4: {  	v9 =	vld [tilespmem:$0x130];
	v8 =	vadd.f32 $1.000000000e+00, v8  }
0x2b5: {  	v10 =	vld [tilespmem:$0x330]  }
0x2b6: {  	(erf) = vrcp.f32 v8;
	_ =	sdelay $0x2  }
0x2b7: {  	v8 =	vshll.u32 v9, $0x6  }
0x2b8: {  	v9 =	vshll.u32 v10, $0x6;
	v8 =	vand.u32 $0x40, v8  }
0x2b9: {  	s30 =	simm.s32 $0x0;
	v9 =	vand.u32 $0x40, v9;
	v8 =	vor.u32 v3, v8  }
0x2ba: {  	v9 =	vor.u32 v3, v9;
	v10 =	vor.u32 s30, v8  }
0x2bb: {  	v11 =	vor.u32 s30, v9;
	_ =	sdelay $0x1  }
0x2bc: {  	v13 =	vpop (erf)  }
0x2bd: {  	s30 =	simm.s32 $0x1;
	[tilespmem:$0x10920] =	vst v13  }
0x2be: {  	v12 =	vor.u32 s30, v8;
	v14 =	vld.idx.msk [tilespmem:v10+s12+$0x0], $0xffff  }
0x2bf: {  	v13 =	vor.u32 s30, v9;
	v11 =	vld.idx.msk [tilespmem:v11+s14+$0x0], $0xffff;
	_ =	sdelay $0x3  }
0x2c0: {  	s30 =	simm.s32 $0x2;
	v10 =	vimm.f32 $0.0e+00;
	v12 =	vld.idx.msk [tilespmem:v12+s12+$0x0], $0xffff  }
.LBB2_40:
0x2c1: {  	v15 =	vor.u32 s30, v8;
	v14 =	vsub.f32 v14, v11;
	v11 =	vld.idx.msk [tilespmem:v13+s14+$0x0], $0xffff;
	p0 =	sne.s32 s30, $0x3F  }
.Ltmp19:
0x2c2: {  	v13 =	vor.u32 s30, v9;
	s30 =	sadd.s32 $0x1, s30;
	(pc) =	sbr.rel @p0 .LBB2_40-.Ltmp19, $3  }
0x2c3: {  	v16 =	vmul.f32 v14, v14;
	_ =	sdelay $0x1  }
0x2c4: {  	v10 =	vadd.f32 v16, v10  }
0x2c5: {  	v14 =	vmov v12;
	v12 =	vld.idx.msk [tilespmem:v15+s12+$0x0], $0xffff  }
0x2c6: {  	_ =	sdelay $0x3  }
0x2c7: {  	v8 =	vld.idx.msk [tilespmem:v13+s14+$0x0], $0xffff;
	_ =	sdelay $0x2  }
0x2c8: {  	v9 =	vsub.f32 v14, v11;
	_ =	sdelay $0x1  }
0x2c9: {  	v9 =	vmul.f32 v9, v9;
	v8 =	vsub.f32 v12, v8;
	_ =	sdelay $0x1  }
0x2ca: {  	v9 =	vadd.f32 v9, v10;
	v8 =	vmul.f32 v8, v8;
	_ =	sdelay $0x1  }
0x2cb: {  	v8 =	vadd.f32 v8, v9;
	_ =	sdelay $0x1  }
0x2cc: {  	v8 =	vadd.f32 $-2.000000000e+00, v8;
	_ =	sdelay $0x1  }
0x2cd: {  	v8 =	vmul.f32 $1.442695020e+00, v8;
	_ =	sdelay $0x1  }
0x2ce: {  	(erf) = vpow2.f32 v8;
	_ =	sdelay $0x8  }
0x2cf: {  	v8 =	vpop (erf)  }
0x2d0: {  	v9 =	vld [tilespmem:$0x140];
	v8 =	vadd.f32 $1.000000000e+00, v8  }
0x2d1: {  	v10 =	vld [tilespmem:$0x340]  }
0x2d2: {  	(erf) = vrcp.f32 v8;
	_ =	sdelay $0x2  }
0x2d3: {  	v8 =	vshll.u32 v9, $0x6  }
0x2d4: {  	v9 =	vshll.u32 v10, $0x6;
	v8 =	vand.u32 $0x40, v8  }
0x2d5: {  	s30 =	simm.s32 $0x0;
	v9 =	vand.u32 $0x40, v9;
	v8 =	vor.u32 v4, v8  }
0x2d6: {  	v9 =	vor.u32 v4, v9;
	v10 =	vor.u32 s30, v8  }
0x2d7: {  	v11 =	vor.u32 s30, v9;
	_ =	sdelay $0x1  }
0x2d8: {  	v13 =	vpop (erf)  }
0x2d9: {  	s30 =	simm.s32 $0x1;
	[tilespmem:$0x10930] =	vst v13  }
0x2da: {  	v12 =	vor.u32 s30, v8;
	v14 =	vld.idx.msk [tilespmem:v10+s12+$0x0], $0xffff  }
0x2db: {  	v13 =	vor.u32 s30, v9;
	v11 =	vld.idx.msk [tilespmem:v11+s14+$0x0], $0xffff;
	_ =	sdelay $0x3  }
0x2dc: {  	s30 =	simm.s32 $0x2;
	v10 =	vimm.f32 $0.0e+00;
	v12 =	vld.idx.msk [tilespmem:v12+s12+$0x0], $0xffff  }
.LBB2_42:
0x2dd: {  	v15 =	vor.u32 s30, v8;
	v14 =	vsub.f32 v14, v11;
	v11 =	vld.idx.msk [tilespmem:v13+s14+$0x0], $0xffff;
	p0 =	sne.s32 s30, $0x3F  }
.Ltmp20:
0x2de: {  	v13 =	vor.u32 s30, v9;
	s30 =	sadd.s32 $0x1, s30;
	(pc) =	sbr.rel @p0 .LBB2_42-.Ltmp20, $3  }
0x2df: {  	v16 =	vmul.f32 v14, v14;
	_ =	sdelay $0x1  }
0x2e0: {  	v10 =	vadd.f32 v16, v10  }
0x2e1: {  	v14 =	vmov v12;
	v12 =	vld.idx.msk [tilespmem:v15+s12+$0x0], $0xffff  }
0x2e2: {  	_ =	sdelay $0x3  }
0x2e3: {  	v8 =	vld.idx.msk [tilespmem:v13+s14+$0x0], $0xffff;
	_ =	sdelay $0x2  }
0x2e4: {  	v9 =	vsub.f32 v14, v11;
	_ =	sdelay $0x1  }
0x2e5: {  	v9 =	vmul.f32 v9, v9;
	v8 =	vsub.f32 v12, v8;
	_ =	sdelay $0x1  }
0x2e6: {  	v9 =	vadd.f32 v9, v10;
	v8 =	vmul.f32 v8, v8;
	_ =	sdelay $0x1  }
0x2e7: {  	v8 =	vadd.f32 v8, v9;
	_ =	sdelay $0x1  }
0x2e8: {  	v8 =	vadd.f32 $-2.000000000e+00, v8;
	_ =	sdelay $0x1  }
0x2e9: {  	v8 =	vmul.f32 $1.442695020e+00, v8;
	_ =	sdelay $0x1  }
0x2ea: {  	(erf) = vpow2.f32 v8;
	_ =	sdelay $0x8  }
0x2eb: {  	v8 =	vpop (erf)  }
0x2ec: {  	v9 =	vld [tilespmem:$0x150];
	v8 =	vadd.f32 $1.000000000e+00, v8  }
0x2ed: {  	v10 =	vld [tilespmem:$0x350]  }
0x2ee: {  	(erf) = vrcp.f32 v8;
	_ =	sdelay $0x2  }
0x2ef: {  	v8 =	vshll.u32 v9, $0x6  }
0x2f0: {  	v9 =	vshll.u32 v10, $0x6;
	v8 =	vand.u32 $0x40, v8  }
0x2f1: {  	s30 =	simm.s32 $0x0;
	v9 =	vand.u32 $0x40, v9;
	v8 =	vor.u32 v5, v8  }
0x2f2: {  	v9 =	vor.u32 v5, v9;
	v10 =	vor.u32 s30, v8  }
0x2f3: {  	v11 =	vor.u32 s30, v9;
	_ =	sdelay $0x1  }
0x2f4: {  	v13 =	vpop (erf)  }
0x2f5: {  	s30 =	simm.s32 $0x1;
	[tilespmem:$0x10940] =	vst v13  }
0x2f6: {  	v12 =	vor.u32 s30, v8;
	v14 =	vld.idx.msk [tilespmem:v10+s12+$0x0], $0xffff  }
0x2f7: {  	v13 =	vor.u32 s30, v9;
	v11 =	vld.idx.msk [tilespmem:v11+s14+$0x0], $0xffff;
	_ =	sdelay $0x3  }
0x2f8: {  	s30 =	simm.s32 $0x2;
	v10 =	vimm.f32 $0.0e+00;
	v12 =	vld.idx.msk [tilespmem:v12+s12+$0x0], $0xffff  }
.LBB2_44:
0x2f9: {  	v15 =	vor.u32 s30, v8;
	v14 =	vsub.f32 v14, v11;
	v11 =	vld.idx.msk [tilespmem:v13+s14+$0x0], $0xffff;
	p0 =	sne.s32 s30, $0x3F  }
.Ltmp21:
0x2fa: {  	v13 =	vor.u32 s30, v9;
	s30 =	sadd.s32 $0x1, s30;
	(pc) =	sbr.rel @p0 .LBB2_44-.Ltmp21, $3  }
0x2fb: {  	v16 =	vmul.f32 v14, v14;
	_ =	sdelay $0x1  }
0x2fc: {  	v10 =	vadd.f32 v16, v10  }
0x2fd: {  	v14 =	vmov v12;
	v12 =	vld.idx.msk [tilespmem:v15+s12+$0x0], $0xffff  }
0x2fe: {  	_ =	sdelay $0x3  }
0x2ff: {  	v8 =	vld.idx.msk [tilespmem:v13+s14+$0x0], $0xffff;
	_ =	sdelay $0x2  }
0x300: {  	v9 =	vsub.f32 v14, v11;
	_ =	sdelay $0x1  }
0x301: {  	v9 =	vmul.f32 v9, v9;
	v8 =	vsub.f32 v12, v8;
	_ =	sdelay $0x1  }
0x302: {  	v9 =	vadd.f32 v9, v10;
	v8 =	vmul.f32 v8, v8;
	_ =	sdelay $0x1  }
0x303: {  	v8 =	vadd.f32 v8, v9;
	_ =	sdelay $0x1  }
0x304: {  	v8 =	vadd.f32 $-2.000000000e+00, v8;
	_ =	sdelay $0x1  }
0x305: {  	v8 =	vmul.f32 $1.442695020e+00, v8;
	_ =	sdelay $0x1  }
0x306: {  	(erf) = vpow2.f32 v8;
	_ =	sdelay $0x8  }
0x307: {  	v8 =	vpop (erf)  }
0x308: {  	v9 =	vld [tilespmem:$0x160];
	v8 =	vadd.f32 $1.000000000e+00, v8  }
0x309: {  	v10 =	vld [tilespmem:$0x360]  }
0x30a: {  	(erf) = vrcp.f32 v8;
	_ =	sdelay $0x2  }
0x30b: {  	v8 =	vshll.u32 v9, $0x6  }
0x30c: {  	v9 =	vshll.u32 v10, $0x6;
	v8 =	vand.u32 $0x40, v8  }
0x30d: {  	s30 =	simm.s32 $0x0;
	v9 =	vand.u32 $0x40, v9;
	v8 =	vor.u32 v6, v8  }
0x30e: {  	v9 =	vor.u32 v6, v9;
	v10 =	vor.u32 s30, v8  }
0x30f: {  	v11 =	vor.u32 s30, v9;
	_ =	sdelay $0x1  }
0x310: {  	v13 =	vpop (erf)  }
0x311: {  	s30 =	simm.s32 $0x1;
	[tilespmem:$0x10950] =	vst v13  }
0x312: {  	v12 =	vor.u32 s30, v8;
	v14 =	vld.idx.msk [tilespmem:v10+s12+$0x0], $0xffff  }
0x313: {  	v13 =	vor.u32 s30, v9;
	v11 =	vld.idx.msk [tilespmem:v11+s14+$0x0], $0xffff;
	_ =	sdelay $0x3  }
0x314: {  	s30 =	simm.s32 $0x2;
	v10 =	vimm.f32 $0.0e+00;
	v12 =	vld.idx.msk [tilespmem:v12+s12+$0x0], $0xffff  }
.LBB2_46:
0x315: {  	v15 =	vor.u32 s30, v8;
	v14 =	vsub.f32 v14, v11;
	v11 =	vld.idx.msk [tilespmem:v13+s14+$0x0], $0xffff;
	p0 =	sne.s32 s30, $0x3F  }
.Ltmp22:
0x316: {  	v13 =	vor.u32 s30, v9;
	s30 =	sadd.s32 $0x1, s30;
	(pc) =	sbr.rel @p0 .LBB2_46-.Ltmp22, $3  }
0x317: {  	v16 =	vmul.f32 v14, v14;
	_ =	sdelay $0x1  }
0x318: {  	v10 =	vadd.f32 v16, v10  }
0x319: {  	v14 =	vmov v12;
	v12 =	vld.idx.msk [tilespmem:v15+s12+$0x0], $0xffff  }
0x31a: {  	_ =	sdelay $0x3  }
0x31b: {  	v8 =	vld.idx.msk [tilespmem:v13+s14+$0x0], $0xffff;
	_ =	sdelay $0x2  }
0x31c: {  	v9 =	vsub.f32 v14, v11;
	_ =	sdelay $0x1  }
0x31d: {  	v9 =	vmul.f32 v9, v9;
	v8 =	vsub.f32 v12, v8;
	_ =	sdelay $0x1  }
0x31e: {  	v9 =	vadd.f32 v9, v10;
	v8 =	vmul.f32 v8, v8;
	_ =	sdelay $0x1  }
0x31f: {  	v8 =	vadd.f32 v8, v9;
	_ =	sdelay $0x1  }
0x320: {  	v8 =	vadd.f32 $-2.000000000e+00, v8;
	_ =	sdelay $0x1  }
0x321: {  	v8 =	vmul.f32 $1.442695020e+00, v8;
	_ =	sdelay $0x1  }
0x322: {  	(erf) = vpow2.f32 v8;
	_ =	sdelay $0x8  }
0x323: {  	v8 =	vpop (erf)  }
0x324: {  	v9 =	vld [tilespmem:$0x170];
	v8 =	vadd.f32 $1.000000000e+00, v8  }
0x325: {  	v10 =	vld [tilespmem:$0x370]  }
0x326: {  	(erf) = vrcp.f32 v8;
	_ =	sdelay $0x2  }
0x327: {  	v8 =	vshll.u32 v9, $0x6  }
0x328: {  	v9 =	vshll.u32 v10, $0x6;
	v8 =	vand.u32 $0x40, v8  }
0x329: {  	s30 =	simm.s32 $0x0;
	v9 =	vand.u32 $0x40, v9;
	v8 =	vor.u32 v7, v8  }
0x32a: {  	v9 =	vor.u32 v7, v9;
	v10 =	vor.u32 s30, v8  }
0x32b: {  	v11 =	vor.u32 s30, v9;
	_ =	sdelay $0x1  }
0x32c: {  	v13 =	vpop (erf)  }
0x32d: {  	s30 =	simm.s32 $0x1;
	[tilespmem:$0x10960] =	vst v13  }
0x32e: {  	v12 =	vor.u32 s30, v8;
	v14 =	vld.idx.msk [tilespmem:v10+s12+$0x0], $0xffff  }
0x32f: {  	v13 =	vor.u32 s30, v9;
	v11 =	vld.idx.msk [tilespmem:v11+s14+$0x0], $0xffff;
	_ =	sdelay $0x3  }
0x330: {  	s30 =	simm.s32 $0x2;
	v10 =	vimm.f32 $0.0e+00;
	v12 =	vld.idx.msk [tilespmem:v12+s12+$0x0], $0xffff  }
.LBB2_48:
0x331: {  	v15 =	vor.u32 s30, v8;
	v14 =	vsub.f32 v14, v11;
	v11 =	vld.idx.msk [tilespmem:v13+s14+$0x0], $0xffff;
	p0 =	sne.s32 s30, $0x3F  }
.Ltmp23:
0x332: {  	v13 =	vor.u32 s30, v9;
	s30 =	sadd.s32 $0x1, s30;
	(pc) =	sbr.rel @p0 .LBB2_48-.Ltmp23, $3  }
0x333: {  	v16 =	vmul.f32 v14, v14;
	_ =	sdelay $0x1  }
0x334: {  	v10 =	vadd.f32 v16, v10  }
0x335: {  	v14 =	vmov v12;
	v12 =	vld.idx.msk [tilespmem:v15+s12+$0x0], $0xffff  }
0x336: {  	_ =	sdelay $0x3  }
0x337: {  	v8 =	vld.idx.msk [tilespmem:v13+s14+$0x0], $0xffff;
	_ =	sdelay $0x2  }
0x338: {  	v9 =	vsub.f32 v14, v11;
	_ =	sdelay $0x1  }
0x339: {  	v9 =	vmul.f32 v9, v9;
	v8 =	vsub.f32 v12, v8;
	_ =	sdelay $0x1  }
0x33a: {  	v9 =	vadd.f32 v9, v10;
	v8 =	vmul.f32 v8, v8;
	_ =	sdelay $0x1  }
0x33b: {  	v8 =	vadd.f32 v8, v9;
	_ =	sdelay $0x1  }
0x33c: {  	v8 =	vadd.f32 $-2.000000000e+00, v8;
	_ =	sdelay $0x1  }
0x33d: {  	v8 =	vmul.f32 $1.442695020e+00, v8;
	_ =	sdelay $0x1  }
0x33e: {  	(erf) = vpow2.f32 v8;
	_ =	sdelay $0x8  }
0x33f: {  	v8 =	vpop (erf)  }
0x340: {  	v8 =	vadd.f32 $1.000000000e+00, v8;
	_ =	sdelay $0x1  }
0x341: {  	(erf) = vrcp.f32 v8;
	_ =	sdelay $0x8  }
0x342: {  	v8 =	vpop (erf)  }
0x343: {  	[tilespmem:$0x10970] =	vst v8  }
0x344: {  	_ =	swait.ge [sflag:s23], $0x4000  }
0x345: {  	[sflag:s23] =	ssyncset.done $0x0  }
0x346: {  	[sflag:s23] =	ssyncadd.s32 $0xFFFFC000  }
0x347: {  	_ =	swait.ge [sflag:s24], $0x4000  }
0x348: {  	[sflag:s24] =	ssyncset.done $0x0  }
0x349: {  	[sflag:s24] =	ssyncadd.s32 $0xFFFFC000  }
0x34a: {  	v8 =	vld [tilespmem:$0x180]  }
0x34b: {  	v9 =	vld [tilespmem:$0x380];
	_ =	sdelay $0x3  }
0x34c: {  	v8 =	vshll.u32 v8, $0x6  }
0x34d: {  	v9 =	vshll.u32 v9, $0x6;
	v8 =	vand.u32 $0x40, v8  }
0x34e: {  	s30 =	simm.s32 $0x0;
	v9 =	vand.u32 $0x40, v9;
	v8 =	vor.u32 v0, v8  }
0x34f: {  	v9 =	vor.u32 v0, v9;
	v10 =	vor.u32 s30, v8  }
0x350: {  	v11 =	vor.u32 s30, v9;
	_ =	sdelay $0x2  }
0x351: {  	s30 =	simm.s32 $0x1  }
0x352: {  	v12 =	vor.u32 s30, v8;
	v14 =	vld.idx.msk [tilespmem:v10+s16+$0x0], $0xffff  }
0x353: {  	v13 =	vor.u32 s30, v9;
	v11 =	vld.idx.msk [tilespmem:v11+s18+$0x0], $0xffff;
	_ =	sdelay $0x3  }
0x354: {  	s30 =	simm.s32 $0x2;
	v10 =	vimm.f32 $0.0e+00;
	v12 =	vld.idx.msk [tilespmem:v12+s16+$0x0], $0xffff  }
.LBB2_50:
0x355: {  	v15 =	vor.u32 s30, v8;
	v14 =	vsub.f32 v14, v11;
	v11 =	vld.idx.msk [tilespmem:v13+s18+$0x0], $0xffff;
	p0 =	sne.s32 s30, $0x3F  }
.Ltmp24:
0x356: {  	v13 =	vor.u32 s30, v9;
	s30 =	sadd.s32 $0x1, s30;
	(pc) =	sbr.rel @p0 .LBB2_50-.Ltmp24, $3  }
0x357: {  	v16 =	vmul.f32 v14, v14;
	_ =	sdelay $0x1  }
0x358: {  	v10 =	vadd.f32 v16, v10  }
0x359: {  	v14 =	vmov v12;
	v12 =	vld.idx.msk [tilespmem:v15+s16+$0x0], $0xffff  }
0x35a: {  	_ =	sdelay $0x3  }
0x35b: {  	v8 =	vld.idx.msk [tilespmem:v13+s18+$0x0], $0xffff;
	_ =	sdelay $0x2  }
0x35c: {  	v9 =	vsub.f32 v14, v11;
	_ =	sdelay $0x1  }
0x35d: {  	v9 =	vmul.f32 v9, v9;
	v8 =	vsub.f32 v12, v8;
	_ =	sdelay $0x1  }
0x35e: {  	v9 =	vadd.f32 v9, v10;
	v8 =	vmul.f32 v8, v8;
	_ =	sdelay $0x1  }
0x35f: {  	v8 =	vadd.f32 v8, v9;
	_ =	sdelay $0x1  }
0x360: {  	v8 =	vadd.f32 $-2.000000000e+00, v8;
	_ =	sdelay $0x1  }
0x361: {  	v8 =	vmul.f32 $1.442695020e+00, v8;
	_ =	sdelay $0x1  }
0x362: {  	(erf) = vpow2.f32 v8;
	_ =	sdelay $0x8  }
0x363: {  	v8 =	vpop (erf)  }
0x364: {  	v9 =	vld [tilespmem:$0x190];
	v8 =	vadd.f32 $1.000000000e+00, v8  }
0x365: {  	v10 =	vld [tilespmem:$0x390]  }
0x366: {  	(erf) = vrcp.f32 v8;
	_ =	sdelay $0x2  }
0x367: {  	v8 =	vshll.u32 v9, $0x6  }
0x368: {  	v9 =	vshll.u32 v10, $0x6;
	v8 =	vand.u32 $0x40, v8  }
0x369: {  	s30 =	simm.s32 $0x0;
	v9 =	vand.u32 $0x40, v9;
	v8 =	vor.u32 v1, v8  }
0x36a: {  	v9 =	vor.u32 v1, v9;
	v10 =	vor.u32 s30, v8  }
0x36b: {  	v11 =	vor.u32 s30, v9;
	_ =	sdelay $0x1  }
0x36c: {  	v13 =	vpop (erf)  }
0x36d: {  	s30 =	simm.s32 $0x1;
	[tilespmem:$0x10980] =	vst v13  }
0x36e: {  	v12 =	vor.u32 s30, v8;
	v14 =	vld.idx.msk [tilespmem:v10+s16+$0x0], $0xffff  }
0x36f: {  	v13 =	vor.u32 s30, v9;
	v11 =	vld.idx.msk [tilespmem:v11+s18+$0x0], $0xffff;
	_ =	sdelay $0x3  }
0x370: {  	s30 =	simm.s32 $0x2;
	v10 =	vimm.f32 $0.0e+00;
	v12 =	vld.idx.msk [tilespmem:v12+s16+$0x0], $0xffff  }
.LBB2_52:
0x371: {  	v15 =	vor.u32 s30, v8;
	v14 =	vsub.f32 v14, v11;
	v11 =	vld.idx.msk [tilespmem:v13+s18+$0x0], $0xffff;
	p0 =	sne.s32 s30, $0x3F  }
.Ltmp25:
0x372: {  	v13 =	vor.u32 s30, v9;
	s30 =	sadd.s32 $0x1, s30;
	(pc) =	sbr.rel @p0 .LBB2_52-.Ltmp25, $3  }
0x373: {  	v16 =	vmul.f32 v14, v14;
	_ =	sdelay $0x1  }
0x374: {  	v10 =	vadd.f32 v16, v10  }
0x375: {  	v14 =	vmov v12;
	v12 =	vld.idx.msk [tilespmem:v15+s16+$0x0], $0xffff  }
0x376: {  	_ =	sdelay $0x3  }
0x377: {  	v8 =	vld.idx.msk [tilespmem:v13+s18+$0x0], $0xffff;
	_ =	sdelay $0x2  }
0x378: {  	v9 =	vsub.f32 v14, v11;
	_ =	sdelay $0x1  }
0x379: {  	v9 =	vmul.f32 v9, v9;
	v8 =	vsub.f32 v12, v8;
	_ =	sdelay $0x1  }
0x37a: {  	v9 =	vadd.f32 v9, v10;
	v8 =	vmul.f32 v8, v8;
	_ =	sdelay $0x1  }
0x37b: {  	v8 =	vadd.f32 v8, v9;
	_ =	sdelay $0x1  }
0x37c: {  	v8 =	vadd.f32 $-2.000000000e+00, v8;
	_ =	sdelay $0x1  }
0x37d: {  	v8 =	vmul.f32 $1.442695020e+00, v8;
	_ =	sdelay $0x1  }
0x37e: {  	(erf) = vpow2.f32 v8;
	_ =	sdelay $0x8  }
0x37f: {  	v8 =	vpop (erf)  }
0x380: {  	v9 =	vld [tilespmem:$0x1A0];
	v8 =	vadd.f32 $1.000000000e+00, v8  }
0x381: {  	v10 =	vld [tilespmem:$0x3A0]  }
0x382: {  	(erf) = vrcp.f32 v8;
	_ =	sdelay $0x2  }
0x383: {  	v8 =	vshll.u32 v9, $0x6  }
0x384: {  	v9 =	vshll.u32 v10, $0x6;
	v8 =	vand.u32 $0x40, v8  }
0x385: {  	s30 =	simm.s32 $0x0;
	v9 =	vand.u32 $0x40, v9;
	v8 =	vor.u32 v2, v8  }
0x386: {  	v9 =	vor.u32 v2, v9;
	v10 =	vor.u32 s30, v8  }
0x387: {  	v11 =	vor.u32 s30, v9;
	_ =	sdelay $0x1  }
0x388: {  	v13 =	vpop (erf)  }
0x389: {  	s30 =	simm.s32 $0x1;
	[tilespmem:$0x10990] =	vst v13  }
0x38a: {  	v12 =	vor.u32 s30, v8;
	v14 =	vld.idx.msk [tilespmem:v10+s16+$0x0], $0xffff  }
0x38b: {  	v13 =	vor.u32 s30, v9;
	v11 =	vld.idx.msk [tilespmem:v11+s18+$0x0], $0xffff;
	_ =	sdelay $0x3  }
0x38c: {  	s30 =	simm.s32 $0x2;
	v10 =	vimm.f32 $0.0e+00;
	v12 =	vld.idx.msk [tilespmem:v12+s16+$0x0], $0xffff  }
.LBB2_54:
0x38d: {  	v15 =	vor.u32 s30, v8;
	v14 =	vsub.f32 v14, v11;
	v11 =	vld.idx.msk [tilespmem:v13+s18+$0x0], $0xffff;
	p0 =	sne.s32 s30, $0x3F  }
.Ltmp26:
0x38e: {  	v13 =	vor.u32 s30, v9;
	s30 =	sadd.s32 $0x1, s30;
	(pc) =	sbr.rel @p0 .LBB2_54-.Ltmp26, $3  }
0x38f: {  	v16 =	vmul.f32 v14, v14;
	_ =	sdelay $0x1  }
0x390: {  	v10 =	vadd.f32 v16, v10  }
0x391: {  	v14 =	vmov v12;
	v12 =	vld.idx.msk [tilespmem:v15+s16+$0x0], $0xffff  }
0x392: {  	_ =	sdelay $0x3  }
0x393: {  	v8 =	vld.idx.msk [tilespmem:v13+s18+$0x0], $0xffff;
	_ =	sdelay $0x2  }
0x394: {  	v9 =	vsub.f32 v14, v11;
	_ =	sdelay $0x1  }
0x395: {  	v9 =	vmul.f32 v9, v9;
	v8 =	vsub.f32 v12, v8;
	_ =	sdelay $0x1  }
0x396: {  	v9 =	vadd.f32 v9, v10;
	v8 =	vmul.f32 v8, v8;
	_ =	sdelay $0x1  }
0x397: {  	v8 =	vadd.f32 v8, v9;
	_ =	sdelay $0x1  }
0x398: {  	v8 =	vadd.f32 $-2.000000000e+00, v8;
	_ =	sdelay $0x1  }
0x399: {  	v8 =	vmul.f32 $1.442695020e+00, v8;
	_ =	sdelay $0x1  }
0x39a: {  	(erf) = vpow2.f32 v8;
	_ =	sdelay $0x8  }
0x39b: {  	v8 =	vpop (erf)  }
0x39c: {  	v9 =	vld [tilespmem:$0x1B0];
	v8 =	vadd.f32 $1.000000000e+00, v8  }
0x39d: {  	v10 =	vld [tilespmem:$0x3B0]  }
0x39e: {  	(erf) = vrcp.f32 v8;
	_ =	sdelay $0x2  }
0x39f: {  	v8 =	vshll.u32 v9, $0x6  }
0x3a0: {  	v9 =	vshll.u32 v10, $0x6;
	v8 =	vand.u32 $0x40, v8  }
0x3a1: {  	s30 =	simm.s32 $0x0;
	v9 =	vand.u32 $0x40, v9;
	v8 =	vor.u32 v3, v8  }
0x3a2: {  	v9 =	vor.u32 v3, v9;
	v10 =	vor.u32 s30, v8  }
0x3a3: {  	v11 =	vor.u32 s30, v9;
	_ =	sdelay $0x1  }
0x3a4: {  	v13 =	vpop (erf)  }
0x3a5: {  	s30 =	simm.s32 $0x1;
	[tilespmem:$0x109A0] =	vst v13  }
0x3a6: {  	v12 =	vor.u32 s30, v8;
	v14 =	vld.idx.msk [tilespmem:v10+s16+$0x0], $0xffff  }
0x3a7: {  	v13 =	vor.u32 s30, v9;
	v11 =	vld.idx.msk [tilespmem:v11+s18+$0x0], $0xffff;
	_ =	sdelay $0x3  }
0x3a8: {  	s30 =	simm.s32 $0x2;
	v10 =	vimm.f32 $0.0e+00;
	v12 =	vld.idx.msk [tilespmem:v12+s16+$0x0], $0xffff  }
.LBB2_56:
0x3a9: {  	v15 =	vor.u32 s30, v8;
	v14 =	vsub.f32 v14, v11;
	v11 =	vld.idx.msk [tilespmem:v13+s18+$0x0], $0xffff;
	p0 =	sne.s32 s30, $0x3F  }
.Ltmp27:
0x3aa: {  	v13 =	vor.u32 s30, v9;
	s30 =	sadd.s32 $0x1, s30;
	(pc) =	sbr.rel @p0 .LBB2_56-.Ltmp27, $3  }
0x3ab: {  	v16 =	vmul.f32 v14, v14;
	_ =	sdelay $0x1  }
0x3ac: {  	v10 =	vadd.f32 v16, v10  }
0x3ad: {  	v14 =	vmov v12;
	v12 =	vld.idx.msk [tilespmem:v15+s16+$0x0], $0xffff  }
0x3ae: {  	_ =	sdelay $0x3  }
0x3af: {  	v8 =	vld.idx.msk [tilespmem:v13+s18+$0x0], $0xffff;
	_ =	sdelay $0x2  }
0x3b0: {  	v9 =	vsub.f32 v14, v11;
	_ =	sdelay $0x1  }
0x3b1: {  	v9 =	vmul.f32 v9, v9;
	v8 =	vsub.f32 v12, v8;
	_ =	sdelay $0x1  }
0x3b2: {  	v9 =	vadd.f32 v9, v10;
	v8 =	vmul.f32 v8, v8;
	_ =	sdelay $0x1  }
0x3b3: {  	v8 =	vadd.f32 v8, v9;
	_ =	sdelay $0x1  }
0x3b4: {  	v8 =	vadd.f32 $-2.000000000e+00, v8;
	_ =	sdelay $0x1  }
0x3b5: {  	v8 =	vmul.f32 $1.442695020e+00, v8;
	_ =	sdelay $0x1  }
0x3b6: {  	(erf) = vpow2.f32 v8;
	_ =	sdelay $0x8  }
0x3b7: {  	v8 =	vpop (erf)  }
0x3b8: {  	v9 =	vld [tilespmem:$0x1C0];
	v8 =	vadd.f32 $1.000000000e+00, v8  }
0x3b9: {  	v10 =	vld [tilespmem:$0x3C0]  }
0x3ba: {  	(erf) = vrcp.f32 v8;
	_ =	sdelay $0x2  }
0x3bb: {  	v8 =	vshll.u32 v9, $0x6  }
0x3bc: {  	v9 =	vshll.u32 v10, $0x6;
	v8 =	vand.u32 $0x40, v8  }
0x3bd: {  	s30 =	simm.s32 $0x0;
	v9 =	vand.u32 $0x40, v9;
	v8 =	vor.u32 v4, v8  }
0x3be: {  	v9 =	vor.u32 v4, v9;
	v10 =	vor.u32 s30, v8  }
0x3bf: {  	v11 =	vor.u32 s30, v9;
	_ =	sdelay $0x1  }
0x3c0: {  	v13 =	vpop (erf)  }
0x3c1: {  	s30 =	simm.s32 $0x1;
	[tilespmem:$0x109B0] =	vst v13  }
0x3c2: {  	v12 =	vor.u32 s30, v8;
	v14 =	vld.idx.msk [tilespmem:v10+s16+$0x0], $0xffff  }
0x3c3: {  	v13 =	vor.u32 s30, v9;
	v11 =	vld.idx.msk [tilespmem:v11+s18+$0x0], $0xffff;
	_ =	sdelay $0x3  }
0x3c4: {  	s30 =	simm.s32 $0x2;
	v10 =	vimm.f32 $0.0e+00;
	v12 =	vld.idx.msk [tilespmem:v12+s16+$0x0], $0xffff  }
.LBB2_58:
0x3c5: {  	v15 =	vor.u32 s30, v8;
	v14 =	vsub.f32 v14, v11;
	v11 =	vld.idx.msk [tilespmem:v13+s18+$0x0], $0xffff;
	p0 =	sne.s32 s30, $0x3F  }
.Ltmp28:
0x3c6: {  	v13 =	vor.u32 s30, v9;
	s30 =	sadd.s32 $0x1, s30;
	(pc) =	sbr.rel @p0 .LBB2_58-.Ltmp28, $3  }
0x3c7: {  	v16 =	vmul.f32 v14, v14;
	_ =	sdelay $0x1  }
0x3c8: {  	v10 =	vadd.f32 v16, v10  }
0x3c9: {  	v14 =	vmov v12;
	v12 =	vld.idx.msk [tilespmem:v15+s16+$0x0], $0xffff  }
0x3ca: {  	_ =	sdelay $0x3  }
0x3cb: {  	v8 =	vld.idx.msk [tilespmem:v13+s18+$0x0], $0xffff;
	_ =	sdelay $0x2  }
0x3cc: {  	v9 =	vsub.f32 v14, v11;
	_ =	sdelay $0x1  }
0x3cd: {  	v9 =	vmul.f32 v9, v9;
	v8 =	vsub.f32 v12, v8;
	_ =	sdelay $0x1  }
0x3ce: {  	v9 =	vadd.f32 v9, v10;
	v8 =	vmul.f32 v8, v8;
	_ =	sdelay $0x1  }
0x3cf: {  	v8 =	vadd.f32 v8, v9;
	_ =	sdelay $0x1  }
0x3d0: {  	v8 =	vadd.f32 $-2.000000000e+00, v8;
	_ =	sdelay $0x1  }
0x3d1: {  	v8 =	vmul.f32 $1.442695020e+00, v8;
	_ =	sdelay $0x1  }
0x3d2: {  	(erf) = vpow2.f32 v8;
	_ =	sdelay $0x8  }
0x3d3: {  	v8 =	vpop (erf)  }
0x3d4: {  	v9 =	vld [tilespmem:$0x1D0];
	v8 =	vadd.f32 $1.000000000e+00, v8  }
0x3d5: {  	v10 =	vld [tilespmem:$0x3D0]  }
0x3d6: {  	(erf) = vrcp.f32 v8;
	_ =	sdelay $0x2  }
0x3d7: {  	v8 =	vshll.u32 v9, $0x6  }
0x3d8: {  	v9 =	vshll.u32 v10, $0x6;
	v8 =	vand.u32 $0x40, v8  }
0x3d9: {  	s30 =	simm.s32 $0x0;
	v9 =	vand.u32 $0x40, v9;
	v8 =	vor.u32 v5, v8  }
0x3da: {  	v9 =	vor.u32 v5, v9;
	v10 =	vor.u32 s30, v8  }
0x3db: {  	v11 =	vor.u32 s30, v9;
	_ =	sdelay $0x1  }
0x3dc: {  	v13 =	vpop (erf)  }
0x3dd: {  	s30 =	simm.s32 $0x1;
	[tilespmem:$0x109C0] =	vst v13  }
0x3de: {  	v12 =	vor.u32 s30, v8;
	v14 =	vld.idx.msk [tilespmem:v10+s16+$0x0], $0xffff  }
0x3df: {  	v13 =	vor.u32 s30, v9;
	v11 =	vld.idx.msk [tilespmem:v11+s18+$0x0], $0xffff;
	_ =	sdelay $0x3  }
0x3e0: {  	s30 =	simm.s32 $0x2;
	v10 =	vimm.f32 $0.0e+00;
	v12 =	vld.idx.msk [tilespmem:v12+s16+$0x0], $0xffff  }
.LBB2_60:
0x3e1: {  	v15 =	vor.u32 s30, v8;
	v14 =	vsub.f32 v14, v11;
	v11 =	vld.idx.msk [tilespmem:v13+s18+$0x0], $0xffff;
	p0 =	sne.s32 s30, $0x3F  }
.Ltmp29:
0x3e2: {  	v13 =	vor.u32 s30, v9;
	s30 =	sadd.s32 $0x1, s30;
	(pc) =	sbr.rel @p0 .LBB2_60-.Ltmp29, $3  }
0x3e3: {  	v16 =	vmul.f32 v14, v14;
	_ =	sdelay $0x1  }
0x3e4: {  	v10 =	vadd.f32 v16, v10  }
0x3e5: {  	v14 =	vmov v12;
	v12 =	vld.idx.msk [tilespmem:v15+s16+$0x0], $0xffff  }
0x3e6: {  	_ =	sdelay $0x3  }
0x3e7: {  	v8 =	vld.idx.msk [tilespmem:v13+s18+$0x0], $0xffff;
	_ =	sdelay $0x2  }
0x3e8: {  	v9 =	vsub.f32 v14, v11;
	_ =	sdelay $0x1  }
0x3e9: {  	v9 =	vmul.f32 v9, v9;
	v8 =	vsub.f32 v12, v8;
	_ =	sdelay $0x1  }
0x3ea: {  	v9 =	vadd.f32 v9, v10;
	v8 =	vmul.f32 v8, v8;
	_ =	sdelay $0x1  }
0x3eb: {  	v8 =	vadd.f32 v8, v9;
	_ =	sdelay $0x1  }
0x3ec: {  	v8 =	vadd.f32 $-2.000000000e+00, v8;
	_ =	sdelay $0x1  }
0x3ed: {  	v8 =	vmul.f32 $1.442695020e+00, v8;
	_ =	sdelay $0x1  }
0x3ee: {  	(erf) = vpow2.f32 v8;
	_ =	sdelay $0x8  }
0x3ef: {  	v8 =	vpop (erf)  }
0x3f0: {  	v9 =	vld [tilespmem:$0x1E0];
	v8 =	vadd.f32 $1.000000000e+00, v8  }
0x3f1: {  	v10 =	vld [tilespmem:$0x3E0]  }
0x3f2: {  	(erf) = vrcp.f32 v8;
	_ =	sdelay $0x2  }
0x3f3: {  	v8 =	vshll.u32 v9, $0x6  }
0x3f4: {  	v9 =	vshll.u32 v10, $0x6;
	v8 =	vand.u32 $0x40, v8  }
0x3f5: {  	s30 =	simm.s32 $0x0;
	v9 =	vand.u32 $0x40, v9;
	v8 =	vor.u32 v6, v8  }
0x3f6: {  	v9 =	vor.u32 v6, v9;
	v10 =	vor.u32 s30, v8  }
0x3f7: {  	v11 =	vor.u32 s30, v9;
	_ =	sdelay $0x1  }
0x3f8: {  	v13 =	vpop (erf)  }
0x3f9: {  	s30 =	simm.s32 $0x1;
	[tilespmem:$0x109D0] =	vst v13  }
0x3fa: {  	v12 =	vor.u32 s30, v8;
	v14 =	vld.idx.msk [tilespmem:v10+s16+$0x0], $0xffff  }
0x3fb: {  	v13 =	vor.u32 s30, v9;
	v11 =	vld.idx.msk [tilespmem:v11+s18+$0x0], $0xffff;
	_ =	sdelay $0x3  }
0x3fc: {  	s30 =	simm.s32 $0x2;
	v10 =	vimm.f32 $0.0e+00;
	v12 =	vld.idx.msk [tilespmem:v12+s16+$0x0], $0xffff  }
.LBB2_62:
0x3fd: {  	v15 =	vor.u32 s30, v8;
	v14 =	vsub.f32 v14, v11;
	v11 =	vld.idx.msk [tilespmem:v13+s18+$0x0], $0xffff;
	p0 =	sne.s32 s30, $0x3F  }
.Ltmp30:
0x3fe: {  	v13 =	vor.u32 s30, v9;
	s30 =	sadd.s32 $0x1, s30;
	(pc) =	sbr.rel @p0 .LBB2_62-.Ltmp30, $3  }
0x3ff: {  	v16 =	vmul.f32 v14, v14;
	_ =	sdelay $0x1  }
0x400: {  	v10 =	vadd.f32 v16, v10  }
0x401: {  	v14 =	vmov v12;
	v12 =	vld.idx.msk [tilespmem:v15+s16+$0x0], $0xffff  }
0x402: {  	_ =	sdelay $0x3  }
0x403: {  	v8 =	vld.idx.msk [tilespmem:v13+s18+$0x0], $0xffff;
	_ =	sdelay $0x2  }
0x404: {  	v9 =	vsub.f32 v14, v11;
	_ =	sdelay $0x1  }
0x405: {  	v9 =	vmul.f32 v9, v9;
	v8 =	vsub.f32 v12, v8;
	_ =	sdelay $0x1  }
0x406: {  	v9 =	vadd.f32 v9, v10;
	v8 =	vmul.f32 v8, v8;
	_ =	sdelay $0x1  }
0x407: {  	v8 =	vadd.f32 v8, v9;
	_ =	sdelay $0x1  }
0x408: {  	v8 =	vadd.f32 $-2.000000000e+00, v8;
	_ =	sdelay $0x1  }
0x409: {  	v8 =	vmul.f32 $1.442695020e+00, v8;
	_ =	sdelay $0x1  }
0x40a: {  	(erf) = vpow2.f32 v8;
	_ =	sdelay $0x8  }
0x40b: {  	v8 =	vpop (erf)  }
0x40c: {  	v9 =	vld [tilespmem:$0x1F0];
	v8 =	vadd.f32 $1.000000000e+00, v8  }
0x40d: {  	v10 =	vld [tilespmem:$0x3F0]  }
0x40e: {  	(erf) = vrcp.f32 v8;
	_ =	sdelay $0x2  }
0x40f: {  	v8 =	vshll.u32 v9, $0x6  }
0x410: {  	v9 =	vshll.u32 v10, $0x6;
	v8 =	vand.u32 $0x40, v8  }
0x411: {  	s30 =	simm.s32 $0x0;
	v9 =	vand.u32 $0x40, v9;
	v8 =	vor.u32 v7, v8  }
0x412: {  	v9 =	vor.u32 v7, v9;
	v10 =	vor.u32 s30, v8  }
0x413: {  	v11 =	vor.u32 s30, v9;
	_ =	sdelay $0x1  }
0x414: {  	v13 =	vpop (erf)  }
0x415: {  	s30 =	simm.s32 $0x1;
	[tilespmem:$0x109E0] =	vst v13  }
0x416: {  	v12 =	vor.u32 s30, v8;
	v14 =	vld.idx.msk [tilespmem:v10+s16+$0x0], $0xffff  }
0x417: {  	v13 =	vor.u32 s30, v9;
	v11 =	vld.idx.msk [tilespmem:v11+s18+$0x0], $0xffff;
	_ =	sdelay $0x3  }
0x418: {  	s30 =	simm.s32 $0x2;
	v10 =	vimm.f32 $0.0e+00;
	v12 =	vld.idx.msk [tilespmem:v12+s16+$0x0], $0xffff  }
.LBB2_64:
0x419: {  	v15 =	vor.u32 s30, v8;
	v14 =	vsub.f32 v14, v11;
	v11 =	vld.idx.msk [tilespmem:v13+s18+$0x0], $0xffff;
	p0 =	sne.s32 s30, $0x3F  }
.Ltmp31:
0x41a: {  	v13 =	vor.u32 s30, v9;
	s30 =	sadd.s32 $0x1, s30;
	(pc) =	sbr.rel @p0 .LBB2_64-.Ltmp31, $3  }
0x41b: {  	v16 =	vmul.f32 v14, v14;
	_ =	sdelay $0x1  }
0x41c: {  	v10 =	vadd.f32 v16, v10  }
0x41d: {  	v14 =	vmov v12;
	v12 =	vld.idx.msk [tilespmem:v15+s16+$0x0], $0xffff  }
0x41e: {  	_ =	sdelay $0x3  }
0x41f: {  	v8 =	vld.idx.msk [tilespmem:v13+s18+$0x0], $0xffff;
	_ =	sdelay $0x2  }
0x420: {  	v9 =	vsub.f32 v14, v11;
	_ =	sdelay $0x1  }
0x421: {  	v9 =	vmul.f32 v9, v9;
	v8 =	vsub.f32 v12, v8;
	_ =	sdelay $0x1  }
0x422: {  	v9 =	vadd.f32 v9, v10;
	v8 =	vmul.f32 v8, v8;
	_ =	sdelay $0x1  }
0x423: {  	v8 =	vadd.f32 v8, v9;
	_ =	sdelay $0x1  }
0x424: {  	v8 =	vadd.f32 $-2.000000000e+00, v8;
	_ =	sdelay $0x1  }
0x425: {  	v8 =	vmul.f32 $1.442695020e+00, v8;
	_ =	sdelay $0x1  }
0x426: {  	(erf) = vpow2.f32 v8;
	_ =	sdelay $0x8  }
0x427: {  	v8 =	vpop (erf)  }
0x428: {  	v8 =	vadd.f32 $1.000000000e+00, v8;
	_ =	sdelay $0x1  }
0x429: {  	(erf) = vrcp.f32 v8;
	_ =	sdelay $0x7  }
0x42a: {  	s29 =	sadd.s32 $0x1, s29  }
0x42b: {  	p0 =	sne.s32 s29, s7;
	v8 =	vpop (erf)  }
.Ltmp32:
0x42c: {  	[tilespmem:$0x109F0] =	vst v8;
	(pc) =	sbr.rel @p0 .LBB2_1-.Ltmp32, $4  }
0x42d: {  	[hbm4b:s6+s3] =	stream.linear.scatter [tilespmem:s28], [sflag:$0x5], $0x200, $0x38;
	[tilespmem:$0x10A00] =	vst v63  }
0x42e: {  	_ =	swait.ge [sflag:s8], $0x200  }
0x42f: {  	[sflag:s8] =	ssyncset.done $0x0  }
0x430: {  	[sflag:s8] =	ssyncadd.s32 $0xFFFFFE00  }
0x431: {  	_ =	sfence.sel $0x180000  }
0x432: {  	[bflag:$0x0] =	sbarrier.arrive $0xFFFF  }
0x433: {  	p0 =	sne.s32 s2, $0x0;
	_ =	strace $0x90000047  }
0x434: {  	s0 =	sadd.s32 @!p0 $0x100000, s0;
	[bflag:$0x2] =	sbarrier.arrive $0xFFFF  }
0x435: {  	[sflag:s0] =	ssyncadd.tile.s32 @!p0 $0x1;
	_ =	shalt  }
.Lfunc_end2:
_tile_overlayer_lowered:
.L_overlay_start_2:
0x436: {  	(tag) =	ssettag $0x2  }
0x437: {  	s0 =	rddreg [dreg:$0x0];
	s2 =	stileid.u32  }
0x438: {  	s1 =	rddreg [dreg:$0x1];
	p0 =	sne.s32 s2, $0x0  }
0x439: {  	s3 =	rddreg [dreg:$0x2];
	[bflag:$0x3] =	sbarrier.arrive $0xFFFF;
	s2 =	simm.s32 @!p0 $0x1C05  }
0x43a: {  	[timem:s3], [sflag:s2] =	dma.local @!p0 [hbm:s0], s1  }
0x43b: {  	s0 =	simm.s32 @!p0 $0x5  }
0x43c: {  	_ =	swait.ge @!p0 [sflag:s0], s1  }
0x43d: {  	s1 =	ssub.s32 @!p0 $0x0, s1;
	[sflag:s0] =	ssyncset.done @!p0 $0x0  }
0x43e: {  	[sflag:s0] =	ssyncadd.s32 @!p0 s1  }
0x43f: {  	[bflag:$0x3] =	sbarrier.arrive $0xFFFF  }
0x440: {  	_ =	shalt  }

</sc_bundles>
